<compile_context>
chip_gen: v7x
topology: tpu7x:2x2x1
jax: 0.10.2.dev20260603
libtpu: 0.0.44.dev20260713+nightly
codegen_flags: <defaults>
</compile_context>

<pallas_src>
import functools

import numpy as np
import jax
import jax.numpy as jnp
from jax import lax
from jax.experimental import pallas as pl
from jax.experimental.pallas import tpu as pltpu
from jax.experimental.pallas import tpu_sc as plsc

NUM_SLOTS_PER_BATCH = 64
_FEAT = 256
_FILL = -1000000.0

_ROT_A = (13, 15, 26, 6)
_ROT_B = (17, 29, 16, 24)


def _np_threefry2x32(k0, k1, x0, x1):
    k0 = np.uint32(k0); k1 = np.uint32(k1)
    k2 = np.uint32(k0 ^ k1 ^ np.uint32(0x1BD11BDA))
    ks = [k0, k1, k2]
    rots = [_ROT_A, _ROT_B]
    with np.errstate(over="ignore"):
        x0 = np.uint32(x0 + k0); x1 = np.uint32(x1 + k1)
        for i in range(5):
            for r in rots[i % 2]:
                x0 = np.uint32(x0 + x1)
                x1 = np.uint32((x1 << np.uint32(r)) | (x1 >> np.uint32(32 - r)))
                x1 = np.uint32(x0 ^ x1)
            x0 = np.uint32(x0 + ks[(i + 1) % 3])
            x1 = np.uint32(x1 + ks[(i + 2) % 3] + np.uint32(i + 1))
    return x0, x1


_KS0_NP, _KS1_NP = _np_threefry2x32(0, 42, np.uint32(0), np.uint32(2))
_KS0 = np.uint32(_KS0_NP)
_KS1 = np.uint32(_KS1_NP)
_KS2 = np.uint32(_KS0 ^ _KS1 ^ np.uint32(0x1BD11BDA))

_ERFINV_SMALL = (2.81022636e-08, 3.43273939e-07, -3.5233877e-06,
                 -4.39150654e-06, 0.00021858087, -0.00125372503,
                 -0.00417768164, 0.246640727, 1.50140941)
_ERFINV_BIG = (-0.000200214257, 0.000100950558, 0.00134934322,
               -0.00367342844, 0.00573950773, -0.0076224613,
               0.00943887047, 1.00167406, 2.83297682)

_LO = np.float32(np.nextafter(np.float32(-1.0), np.float32(0.0)))
_SQRT2 = np.float32(np.sqrt(2.0))


def _tf_rounds(x0, x1):
    ks = (_KS0, _KS1, _KS2)
    rots = (_ROT_A, _ROT_B)
    x0 = x0 + _KS0
    x1 = x1 + _KS1
    for i in range(5):
        for r in rots[i % 2]:
            x0 = x0 + x1
            x1 = lax.shift_left(x1, np.uint32(r)) | lax.shift_right_logical(
                x1, np.uint32(32 - r))
            x1 = x0 ^ x1
        x0 = x0 + ks[(i + 1) % 3]
        x1 = x1 + ks[(i + 2) % 3] + np.uint32(i + 1)
    return x0, x1


def _horner(coeffs, t):
    p = jnp.full(t.shape, np.float32(coeffs[0]), dtype=jnp.float32)
    for c in coeffs[1:]:
        p = p * t + np.float32(c)
    return p


def _tc_body(slots_ref, bidx_ref):
    S, F = slots_ref.shape

    row = lax.broadcasted_iota(jnp.uint32, (S, F), 0)
    col = lax.broadcasted_iota(jnp.uint32, (S, F), 1)
    flat = row * np.uint32(F) + col
    h0, h1 = _tf_rounds(jnp.zeros((S, F), jnp.uint32), flat)
    bits = h0 ^ h1
    fb = lax.shift_right_logical(bits, np.uint32(9)) | np.uint32(0x3F800000)
    f = lax.bitcast_convert_type(fb, jnp.float32) - np.float32(1.0)
    u = jnp.maximum(_LO, f * (np.float32(1.0) - _LO) + _LO)
    w = -jnp.log1p(-u * u)
    p_small = _horner(_ERFINV_SMALL, w - np.float32(2.5))
    p_big = _horner(_ERFINV_BIG, jnp.sqrt(w) - np.float32(3.0))
    p = jnp.where(w < np.float32(5.0), p_small, p_big)
    slots_ref[:, :] = _SQRT2 * p * u

    bidx_ref[:, :] = lax.broadcasted_iota(
        jnp.int32, bidx_ref.shape, 1) // np.int32(NUM_SLOTS_PER_BATCH)


def _sc_seg_body(mask_hbm, seg_hbm, mask_v, seg_v, sem):
    cid = lax.axis_index("c")
    sid = lax.axis_index("s")
    w = sid * 2 + cid
    b = w // 4
    HW = mask_v.shape[0]

    pltpu.sync_copy(mask_hbm.at[b], mask_v)
    for i in range(HW // 16):
        v = mask_v[pl.ds(i * 16, 16)] * np.float32(_FILL)
        seg_v[0, pl.ds(i * 16, 16)] = v
        seg_v[1, pl.ds(i * 16, 16)] = v
        seg_v[2, pl.ds(i * 16, 16)] = v
    copies = [
        pltpu.async_copy(seg_v, seg_hbm.at[w * 16 + k], sem)
        for k in range(16)
    ]
    for cp in copies:
        cp.wait()


def kernel(features, feature_masks):
    B, H, W = feature_masks.shape
    S = NUM_SLOTS_PER_BATCH * B
    HW = H * W
    mask = feature_masks.reshape(B, HW).astype(jnp.float32)

    slots, bidx = pl.pallas_call(
        _tc_body,
        out_shape=[
            jax.ShapeDtypeStruct((S, _FEAT), jnp.float32),
            jax.ShapeDtypeStruct((1, S), jnp.int32),
        ],
    )()

    mesh = plsc.VectorSubcoreMesh(core_axis_name="c", subcore_axis_name="s",
                                  num_cores=2, num_subcores=16)
    seg = pl.kernel(
        _sc_seg_body,
        out_type=jax.ShapeDtypeStruct((S, 3, HW), jnp.float32),
        mesh=mesh,
        scratch_types=[
            pltpu.VMEM((HW,), jnp.float32),
            pltpu.VMEM((3, HW), jnp.float32),
            pltpu.SemaphoreType.DMA,
        ],
    )(mask)

    return slots, bidx.reshape(S), seg

# --- scband reference (transcript-rebuilt; emitter-appended) ---
"""Pipeline reference for scband-sample-decoder-68204080660893 (READ-ONLY COPY).

The authoritative reference and input builder live on the scoring server;
editing this copy changes nothing except your own understanding.
"""

import jax, jax.numpy as jnp
import numpy as np

NUM_INIT_SLOTS = 64
FEAT_DIM = 256
MASK_FILL = -1000000.0


def setup_inputs(seed: int = 0) -> dict:
    key = jax.random.key(seed)
    k1, k2 = jax.random.split(key)
    features = jax.random.normal(k1, (32 * 32, 8, 256), dtype=jnp.float32)
    feature_masks = jnp.zeros((8, 32, 32), dtype=bool)
    return {"features": features, "feature_masks": feature_masks}


def _gauss_pdf(y, x):
    # standard bivariate normal pdf (mean [0,0], identity cov), same as scipy.stats.multivariate_normal([0,0]).pdf
    yf = y.astype(jnp.float32)
    xf = x.astype(jnp.float32)
    return jnp.exp(-0.5 * (yf * yf + xf * xf)) / (2.0 * jnp.pi)


def _forward_init(feature_masks, key):
    batch_size, H, W = feature_masks.shape
    S = NUM_INIT_SLOTS * batch_size
    kh, kw, ks = jax.random.split(key, 3)
    pos_idx = jnp.stack([jax.random.randint(kh, (S,), 0, H), jax.random.randint(kw, (S,), 0, W)], axis=1)
    # get_pos_embedding: random slot features of shape [S, FEAT_DIM]
    slots = jax.random.normal(ks, (S, FEAT_DIM), dtype=jnp.float32)
    batch_idx = jnp.repeat(jnp.arange(batch_size), NUM_INIT_SLOTS)
    masks = feature_masks[batch_idx]  # gather: [S, H, W]
    seg_maps = jnp.zeros((S, 3, H, W), dtype=jnp.float32)
    seg_maps = jnp.where(masks[:, None, :, :], MASK_FILL, seg_maps).reshape(S, 3, H * W)
    ys = jnp.arange(-H + 1, H)
    xs = jnp.arange(-W + 1, W)
    yy, xx = jnp.meshgrid(ys, xs, indexing='ij')
    gauss_grid = _gauss_pdf(yy, xx)  # [2H-1, 2W-1]
    # xy_grid[-H:, -W:] corresponds to coords (0..H-1, 0..W-1)
    gy, gx = jnp.meshgrid(jnp.arange(H), jnp.arange(W), indexing='ij')
    iy = gy[None, :, :] - pos_idx[:, 0][:, None, None]
    ix = gx[None, :, :] - pos_idx[:, 1][:, None, None]
    # torch wraps negative indices: idx < 0 -> idx + size
    iy = jnp.where(iy < 0, iy + (2 * H - 1), iy)
    ix = jnp.where(ix < 0, ix + (2 * W - 1), ix)
    curio_maps = gauss_grid[iy, ix]  # gather: [S, H, W]
    curio_maps = jnp.where(masks, MASK_FILL, curio_maps)
    def_xy_grid = jnp.stack(jnp.meshgrid(jnp.arange(H), jnp.arange(W), indexing='ij'), axis=-1)
    max_mask_entries = jnp.max(jnp.sum(feature_masks.reshape(batch_size, H * W).astype(jnp.int32), axis=1))
    return slots, batch_idx, seg_maps, curio_maps, def_xy_grid, gauss_grid, max_mask_entries


def reference(features, feature_masks):
    key = jax.random.key(42)
    slots, batch_idx, seg_maps, curio_maps, *_ = _forward_init(feature_masks, key)
    # num_layers = 0: self.layers is empty, so no decoder layer is applied and
    # features pass through unused (they would be consumed by decoder layers).
    return slots, batch_idx, seg_maps

if __name__ == "__main__":
    import jax
    _d = setup_inputs()
    print(jax.jit(kernel)(*tuple(_d.values())))

</pallas_src>

<mosaic_0001>
#map = affine_map<(d0, d1) -> (0, 0)>
#map1 = affine_map<(d0, d1) -> (0, 0, 0)>
module attributes {stable_mosaic.version = 14 : i64} {
  func.func @_sc_seg_body(%arg0: i32, %arg1: i32, %arg2: memref<8x1024xf32, #tpu.memory_space<hbm>>, %arg3: memref<512x3x1024xf32, #tpu.memory_space<hbm>>, %arg4: memref<1024xf32, #tpu.memory_space<vmem>>, %arg5: memref<3x1024xf32, #tpu.memory_space<vmem>>, %arg6: memref<!tpu.dma_semaphore, #tpu.memory_space<semaphore_mem>>) attributes {dimension_semantics = [#tpu.dimension_semantics<core_parallel>, #tpu.dimension_semantics<subcore_parallel>], iteration_bounds = array<i64: 2, 16>, scalar_prefetch = 0 : i64, scratch_operands = 3 : i64, tpu.core_type = #tpu.core_type<sc_vector_subcore>, window_params = [{transform_indices = #map}, {transform_indices = #map1}]} {
    %mul3A = arith.constant 2 : i32
    %mul3A_0 = arith.muli %arg1, %mul3A : i32
    %add3A = arith.addi %mul3A_0, %arg0 : i32
    %jit3A = arith.constant 4 : i32
    %div3A = arith.divsi %add3A, %jit3A : i32
    %sign3A = arith.constant 0 : i32
    %sign3A_1 = arith.cmpi sgt, %add3A, %sign3A : i32
    %sign3A_2 = arith.extui %sign3A_1 : i1 to i32
    %sign3A_3 = arith.constant 0 : i32
    %sign3A_4 = arith.cmpi slt, %add3A, %sign3A_3 : i32
    %sign3A_5 = arith.extui %sign3A_4 : i1 to i32
    %sign3A_6 = arith.subi %sign3A_2, %sign3A_5 : i32
    %sign3A_7 = arith.constant 0 : i32
    %sign3A_8 = arith.cmpi sgt, %jit3A, %sign3A_7 : i32
    %sign3A_9 = arith.extui %sign3A_8 : i1 to i32
    %sign3A_10 = arith.constant 0 : i32
    %sign3A_11 = arith.cmpi slt, %jit3A, %sign3A_10 : i32
    %sign3A_12 = arith.extui %sign3A_11 : i1 to i32
    %sign3A_13 = arith.subi %sign3A_9, %sign3A_12 : i32
    %ne3A = arith.cmpi ne, %sign3A_6, %sign3A_13 : i32
    %rem3A = arith.remsi %add3A, %jit3A : i32
    %ne3A_14 = arith.constant 0 : i32
    %ne3A_15 = arith.cmpi ne, %rem3A, %ne3A_14 : i32
    %and3A = arith.andi %ne3A, %ne3A_15 : i1
    %sub3A = arith.constant 1 : i32
    %sub3A_16 = arith.subi %div3A, %sub3A : i32
    %select_n3A = arith.select %and3A, %sub3A_16, %div3A : i32
    "tpu.region"() ({
      %run_scoped3A = tpu.sem_alloc : memref<!tpu.dma_semaphore, #tpu.memory_space<semaphore_mem>>
      %dma_start3A_1869 = arith.constant 0 : i32
      %dma_start3A_1870 = tpu.memref_slice %arg2[%select_n3A, %dma_start3A_1869] : memref<8x1024xf32, #tpu.memory_space<hbm>> -> memref<1x1024xf32, #tpu.memory_space<hbm>>
      %dma_start3A_1871 = tpu.memref_squeeze %dma_start3A_1870 : memref<1x1024xf32, #tpu.memory_space<hbm>> -> memref<1024xf32, #tpu.memory_space<hbm>>
      %dma_start3A_1872 = arith.constant 0 : i32
      %dma_start3A_1873 = tpu.memref_slice %arg2[%select_n3A, %dma_start3A_1872] : memref<8x1024xf32, #tpu.memory_space<hbm>> -> memref<1x1024xf32, #tpu.memory_space<hbm>>
      %dma_start3A_1874 = tpu.memref_squeeze %dma_start3A_1873 : memref<1x1024xf32, #tpu.memory_space<hbm>> -> memref<1024xf32, #tpu.memory_space<hbm>>
      tpu.enqueue_dma source(%dma_start3A_1874 : memref<1024xf32, #tpu.memory_space<hbm>>) target(%arg4 : memref<1024xf32, #tpu.memory_space<vmem>>) target_semaphore(%run_scoped3A : memref<!tpu.dma_semaphore, #tpu.memory_space<semaphore_mem>>)
      %dma_wait3A_1875 = arith.constant 0 : i32
      %dma_wait3A_1876 = tpu.memref_slice %arg2[%select_n3A, %dma_wait3A_1875] : memref<8x1024xf32, #tpu.memory_space<hbm>> -> memref<1x1024xf32, #tpu.memory_space<hbm>>
      %dma_wait3A_1877 = tpu.memref_squeeze %dma_wait3A_1876 : memref<1x1024xf32, #tpu.memory_space<hbm>> -> memref<1024xf32, #tpu.memory_space<hbm>>
      %dma_wait3A_1878 = arith.constant 0 : i32
      %dma_wait3A_1879 = tpu.memref_slice %arg2[%select_n3A, %dma_wait3A_1878] : memref<8x1024xf32, #tpu.memory_space<hbm>> -> memref<1x1024xf32, #tpu.memory_space<hbm>>
      %dma_wait3A_1880 = tpu.memref_squeeze %dma_wait3A_1879 : memref<1x1024xf32, #tpu.memory_space<hbm>> -> memref<1024xf32, #tpu.memory_space<hbm>>
      tpu.wait_dma2 semaphore(%run_scoped3A : memref<!tpu.dma_semaphore, #tpu.memory_space<semaphore_mem>>) src(%dma_wait3A_1880 : memref<1024xf32, #tpu.memory_space<hbm>>) dst(%arg4 : memref<1024xf32, #tpu.memory_space<vmem>>)
      tpu.yield
    }) : () -> ()
    %get3A = arith.constant 0 : index
    %get3A_17 = tpu.vector_load %arg4[%get3A] {strides = array<i32>} : memref<1024xf32, #tpu.memory_space<vmem>>, vector<16xf32>,
    %get3A_18 = vector.shape_cast %get3A_17 : vector<16xf32> to vector<16xf32>
    %mul3A_19 = arith.constant -1.000000e+06 : f32
    %mul3A_20 = vector.broadcast %mul3A_19 : f32 to vector<16xf32>
    %mul3A_21 = arith.mulf %get3A_18, %mul3A_20 : vector<16xf32>
    %swap3A = arith.constant 0 : i32
    %swap3A_22 = arith.index_cast %swap3A : i32 to index
    %swap3A_23 = arith.constant 0 : index
    %swap3A_24 = tpu.vector_load %arg5[%swap3A_22, %swap3A_23] {strides = array<i32>} : memref<3x1024xf32, #tpu.memory_space<vmem>>, vector<1x16xf32>,
    %swap3A_25 = vector.shape_cast %swap3A_24 : vector<1x16xf32> to vector<16xf32>
    %swap3A_26 = vector.shape_cast %mul3A_21 : vector<16xf32> to vector<1x16xf32>
    tpu.vector_store %arg5[%swap3A_22, %swap3A_23], %swap3A_26 {strides = array<i32>} : memref<3x1024xf32, #tpu.memory_space<vmem>>, vector<1x16xf32>,
    %swap3A_27 = arith.constant 1 : i32
    %swap3A_28 = arith.index_cast %swap3A_27 : i32 to index
    %swap3A_29 = arith.constant 0 : index
    %swap3A_30 = tpu.vector_load %arg5[%swap3A_28, %swap3A_29] {strides = array<i32>} : memref<3x1024xf32, #tpu.memory_space<vmem>>, vector<1x16xf32>,
    %swap3A_31 = vector.shape_cast %swap3A_30 : vector<1x16xf32> to vector<16xf32>
    %swap3A_32 = vector.shape_cast %mul3A_21 : vector<16xf32> to vector<1x16xf32>
    tpu.vector_store %arg5[%swap3A_28, %swap3A_29], %swap3A_32 {strides = array<i32>} : memref<3x1024xf32, #tpu.memory_space<vmem>>, vector<1x16xf32>,
    %swap3A_33 = arith.constant 2 : i32
    %swap3A_34 = arith.index_cast %swap3A_33 : i32 to index
    %swap3A_35 = arith.constant 0 : index
    %swap3A_36 = tpu.vector_load %arg5[%swap3A_34, %swap3A_35] {strides = array<i32>} : memref<3x1024xf32, #tpu.memory_space<vmem>>, vector<1x16xf32>,
    %swap3A_37 = vector.shape_cast %swap3A_36 : vector<1x16xf32> to vector<16xf32>
    %swap3A_38 = vector.shape_cast %mul3A_21 : vector<16xf32> to vector<1x16xf32>
    tpu.vector_store %arg5[%swap3A_34, %swap3A_35], %swap3A_38 {strides = array<i32>} : memref<3x1024xf32, #tpu.memory_space<vmem>>, vector<1x16xf32>,
    %get3A_39 = arith.constant 16 : index
    %get3A_40 = tpu.vector_load %arg4[%get3A_39] {strides = array<i32>} : memref<1024xf32, #tpu.memory_space<vmem>>, vector<16xf32>,
    %get3A_41 = vector.shape_cast %get3A_40 : vector<16xf32> to vector<16xf32>
    %mul3A_42 = arith.constant -1.000000e+06 : f32
    %mul3A_43 = vector.broadcast %mul3A_42 : f32 to vector<16xf32>
    %mul3A_44 = arith.mulf %get3A_41, %mul3A_43 : vector<16xf32>
    %swap3A_45 = arith.constant 0 : i32
    %swap3A_46 = arith.index_cast %swap3A_45 : i32 to index
    %swap3A_47 = arith.constant 16 : index
    %swap3A_48 = tpu.vector_load %arg5[%swap3A_46, %swap3A_47] {strides = array<i32>} : memref<3x1024xf32, #tpu.memory_space<vmem>>, vector<1x16xf32>,
    %swap3A_49 = vector.shape_cast %swap3A_48 : vector<1x16xf32> to vector<16xf32>
    %swap3A_50 = vector.shape_cast %mul3A_44 : vector<16xf32> to vector<1x16xf32>
    tpu.vector_store %arg5[%swap3A_46, %swap3A_47], %swap3A_50 {strides = array<i32>} : memref<3x1024xf32, #tpu.memory_space<vmem>>, vector<1x16xf32>,
    %swap3A_51 = arith.constant 1 : i32
    %swap3A_52 = arith.index_cast %swap3A_51 : i32 to index
    %swap3A_53 = arith.constant 16 : index
    %swap3A_54 = tpu.vector_load %arg5[%swap3A_52, %swap3A_53] {strides = array<i32>} : memref<3x1024xf32, #tpu.memory_space<vmem>>, vector<1x16xf32>,
    %swap3A_55 = vector.shape_cast %swap3A_54 : vector<1x16xf32> to vector<16xf32>
    %swap3A_56 = vector.shape_cast %mul3A_44 : vector<16xf32> to vector<1x16xf32>
    tpu.vector_store %arg5[%swap3A_52, %swap3A_53], %swap3A_56 {strides = array<i32>} : memref<3x1024xf32, #tpu.memory_space<vmem>>, vector<1x16xf32>,
    %swap3A_57 = arith.constant 2 : i32
    %swap3A_58 = arith.index_cast %swap3A_57 : i32 to index
    %swap3A_59 = arith.constant 16 : index
    %swap3A_60 = tpu.vector_load %arg5[%swap3A_58, %swap3A_59] {strides = array<i32>} : memref<3x1024xf32, #tpu.memory_space<vmem>>, vector<1x16xf32>,
    %swap3A_61 = vector.shape_cast %swap3A_60 : vector<1x16xf32> to vector<16xf32>
    %swap3A_62 = vector.shape_cast %mul3A_44 : vector<16xf32> to vector<1x16xf32>
    tpu.vector_store %arg5[%swap3A_58, %swap3A_59], %swap3A_62 {strides = array<i32>} : memref<3x1024xf32, #tpu.memory_space<vmem>>, vector<1x16xf32>,
    %get3A_63 = arith.constant 32 : index
    %get3A_64 = tpu.vector_load %arg4[%get3A_63] {strides = array<i32>} : memref<1024xf32, #tpu.memory_space<vmem>>, vector<16xf32>,
    %get3A_65 = vector.shape_cast %get3A_64 : vector<16xf32> to vector<16xf32>
    %mul3A_66 = arith.constant -1.000000e+06 : f32
    %mul3A_67 = vector.broadcast %mul3A_66 : f32 to vector<16xf32>
    %mul3A_68 = arith.mulf %get3A_65, %mul3A_67 : vector<16xf32>
    %swap3A_69 = arith.constant 0 : i32
    %swap3A_70 = arith.index_cast %swap3A_69 : i32 to index
    %swap3A_71 = arith.constant 32 : index
    %swap3A_72 = tpu.vector_load %arg5[%swap3A_70, %swap3A_71] {strides = array<i32>} : memref<3x1024xf32, #tpu.memory_space<vmem>>, vector<1x16xf32>,
    %swap3A_73 = vector.shape_cast %swap3A_72 : vector<1x16xf32> to vector<16xf32>
    %swap3A_74 = vector.shape_cast %mul3A_68 : vector<16xf32> to vector<1x16xf32>
    tpu.vector_store %arg5[%swap3A_70, %swap3A_71], %swap3A_74 {strides = array<i32>} : memref<3x1024xf32, #tpu.memory_space<vmem>>, vector<1x16xf32>,
    %swap3A_75 = arith.constant 1 : i32
    %swap3A_76 = arith.index_cast %swap3A_75 : i32 to index
    %swap3A_77 = arith.constant 32 : index
    %swap3A_78 = tpu.vector_load %arg5[%swap3A_76, %swap3A_77] {strides = array<i32>} : memref<3x1024xf32, #tpu.memory_space<vmem>>, vector<1x16xf32>,
    %swap3A_79 = vector.shape_cast %swap3A_78 : vector<1x16xf32> to vector<16xf32>
    %swap3A_80 = vector.shape_cast %mul3A_68 : vector<16xf32> to vector<1x16xf32>
    tpu.vector_store %arg5[%swap3A_76, %swap3A_77], %swap3A_80 {strides = array<i32>} : memref<3x1024xf32, #tpu.memory_space<vmem>>, vector<1x16xf32>,
    %swap3A_81 = arith.constant 2 : i32
    %swap3A_82 = arith.index_cast %swap3A_81 : i32 to index
    %swap3A_83 = arith.constant 32 : index
    %swap3A_84 = tpu.vector_load %arg5[%swap3A_82, %swap3A_83] {strides = array<i32>} : memref<3x1024xf32, #tpu.memory_space<vmem>>, vector<1x16xf32>,
    %swap3A_85 = vector.shape_cast %swap3A_84 : vector<1x16xf32> to vector<16xf32>
    %swap3A_86 = vector.shape_cast %mul3A_68 : vector<16xf32> to vector<1x16xf32>
    tpu.vector_store %arg5[%swap3A_82, %swap3A_83], %swap3A_86 {strides = array<i32>} : memref<3x1024xf32, #tpu.memory_space<vmem>>, vector<1x16xf32>,
    %get3A_87 = arith.constant 48 : index
    %get3A_88 = tpu.vector_load %arg4[%get3A_87] {strides = array<i32>} : memref<1024xf32, #tpu.memory_space<vmem>>, vector<16xf32>,
    %get3A_89 = vector.shape_cast %get3A_88 : vector<16xf32> to vector<16xf32>
    %mul3A_90 = arith.constant -1.000000e+06 : f32
    %mul3A_91 = vector.broadcast %mul3A_90 : f32 to vector<16xf32>
    %mul3A_92 = arith.mulf %get3A_89, %mul3A_91 : vector<16xf32>
    %swap3A_93 = arith.constant 0 : i32
    %swap3A_94 = arith.index_cast %swap3A_93 : i32 to index
    %swap3A_95 = arith.constant 48 : index
    %swap3A_96 = tpu.vector_load %arg5[%swap3A_94, %swap3A_95] {strides = array<i32>} : memref<3x1024xf32, #tpu.memory_space<vmem>>, vector<1x16xf32>,
    %swap3A_97 = vector.shape_cast %swap3A_96 : vector<1x16xf32> to vector<16xf32>
    %swap3A_98 = vector.shape_cast %mul3A_92 : vector<16xf32> to vector<1x16xf32>
    tpu.vector_store %arg5[%swap3A_94, %swap3A_95], %swap3A_98 {strides = array<i32>} : memref<3x1024xf32, #tpu.memory_space<vmem>>, vector<1x16xf32>,
    %swap3A_99 = arith.constant 1 : i32
    %swap3A_100 = arith.index_cast %swap3A_99 : i32 to index
    %swap3A_101 = arith.constant 48 : index
    %swap3A_102 = tpu.vector_load %arg5[%swap3A_100, %swap3A_101] {strides = array<i32>} : memref<3x1024xf32, #tpu.memory_space<vmem>>, vector<1x16xf32>,
    %swap3A_103 = vector.shape_cast %swap3A_102 : vector<1x16xf32> to vector<16xf32>
    %swap3A_104 = vector.shape_cast %mul3A_92 : vector<16xf32> to vector<1x16xf32>
    tpu.vector_store %arg5[%swap3A_100, %swap3A_101], %swap3A_104 {strides = array<i32>} : memref<3x1024xf32, #tpu.memory_space<vmem>>, vector<1x16xf32>,
    %swap3A_105 = arith.constant 2 : i32
    %swap3A_106 = arith.index_cast %swap3A_105 : i32 to index
    %swap3A_107 = arith.constant 48 : index
    %swap3A_108 = tpu.vector_load %arg5[%swap3A_106, %swap3A_107] {strides = array<i32>} : memref<3x1024xf32, #tpu.memory_space<vmem>>, vector<1x16xf32>,
    %swap3A_109 = vector.shape_cast %swap3A_108 : vector<1x16xf32> to vector<16xf32>
    %swap3A_110 = vector.shape_cast %mul3A_92 : vector<16xf32> to vector<1x16xf32>
    tpu.vector_store %arg5[%swap3A_106, %swap3A_107], %swap3A_110 {strides = array<i32>} : memref<3x1024xf32, #tpu.memory_space<vmem>>, vector<1x16xf32>,
    %get3A_111 = arith.constant 64 : index
    %get3A_112 = tpu.vector_load %arg4[%get3A_111] {strides = array<i32>} : memref<1024xf32, #tpu.memory_space<vmem>>, vector<16xf32>,
    %get3A_113 = vector.shape_cast %get3A_112 : vector<16xf32> to vector<16xf32>
    %mul3A_114 = arith.constant -1.000000e+06 : f32
    %mul3A_115 = vector.broadcast %mul3A_114 : f32 to vector<16xf32>
    %mul3A_116 = arith.mulf %get3A_113, %mul3A_115 : vector<16xf32>
    %swap3A_117 = arith.constant 0 : i32
    %swap3A_118 = arith.index_cast %swap3A_117 : i32 to index
    %swap3A_119 = arith.constant 64 : index
    %swap3A_120 = tpu.vector_load %arg5[%swap3A_118, %swap3A_119] {strides = array<i32>} : memref<3x1024xf32, #tpu.memory_space<vmem>>, vector<1x16xf32>,
    %swap3A_121 = vector.shape_cast %swap3A_120 : vector<1x16xf32> to vector<16xf32>
    %swap3A_122 = vector.shape_cast %mul3A_116 : vector<16xf32> to vector<1x16xf32>
    tpu.vector_store %arg5[%swap3A_118, %swap3A_119], %swap3A_122 {strides = array<i32>} : memref<3x1024xf32, #tpu.memory_space<vmem>>, vector<1x16xf32>,
    %swap3A_123 = arith.constant 1 : i32
    %swap3A_124 = arith.index_cast %swap3A_123 : i32 to index
    %swap3A_125 = arith.constant 64 : index
    %swap3A_126 = tpu.vector_load %arg5[%swap3A_124, %swap3A_125] {strides = array<i32>} : memref<3x1024xf32, #tpu.memory_space<vmem>>, vector<1x16xf32>,
    %swap3A_127 = vector.shape_cast %swap3A_126 : vector<1x16xf32> to vector<16xf32>
    %swap3A_128 = vector.shape_cast %mul3A_116 : vector<16xf32> to vector<1x16xf32>
    tpu.vector_store %arg5[%swap3A_124, %swap3A_125], %swap3A_128 {strides = array<i32>} : memref<3x1024xf32, #tpu.memory_space<vmem>>, vector<1x16xf32>,
    %swap3A_129 = arith.constant 2 : i32
    %swap3A_130 = arith.index_cast %swap3A_129 : i32 to index
    %swap3A_131 = arith.constant 64 : index
    %swap3A_132 = tpu.vector_load %arg5[%swap3A_130, %swap3A_131] {strides = array<i32>} : memref<3x1024xf32, #tpu.memory_space<vmem>>, vector<1x16xf32>,
    %swap3A_133 = vector.shape_cast %swap3A_132 : vector<1x16xf32> to vector<16xf32>
    %swap3A_134 = vector.shape_cast %mul3A_116 : vector<16xf32> to vector<1x16xf32>
    tpu.vector_store %arg5[%swap3A_130, %swap3A_131], %swap3A_134 {strides = array<i32>} : memref<3x1024xf32, #tpu.memory_space<vmem>>, vector<1x16xf32>,
    %get3A_135 = arith.constant 80 : index
    %get3A_136 = tpu.vector_load %arg4[%get3A_135] {strides = array<i32>} : memref<1024xf32, #tpu.memory_space<vmem>>, vector<16xf32>,
    %get3A_137 = vector.shape_cast %get3A_136 : vector<16xf32> to vector<16xf32>
    %mul3A_138 = arith.constant -1.000000e+06 : f32
    %mul3A_139 = vector.broadcast %mul3A_138 : f32 to vector<16xf32>
    %mul3A_140 = arith.mulf %get3A_137, %mul3A_139 : vector<16xf32>
    %swap3A_141 = arith.constant 0 : i32
    %swap3A_142 = arith.index_cast %swap3A_141 : i32 to index
    %swap3A_143 = arith.constant 80 : index
    %swap3A_144 = tpu.vector_load %arg5[%swap3A_142, %swap3A_143] {strides = array<i32>} : memref<3x1024xf32, #tpu.memory_space<vmem>>, vector<1x16xf32>,
    %swap3A_145 = vector.shape_cast %swap3A_144 : vector<1x16xf32> to vector<16xf32>
    %swap3A_146 = vector.shape_cast %mul3A_140 : vector<16xf32> to vector<1x16xf32>
    tpu.vector_store %arg5[%swap3A_142, %swap3A_143], %swap3A_146 {strides = array<i32>} : memref<3x1024xf32, #tpu.memory_space<vmem>>, vector<1x16xf32>,
    %swap3A_147 = arith.constant 1 : i32
    %swap3A_148 = arith.index_cast %swap3A_147 : i32 to index
    %swap3A_149 = arith.constant 80 : index
    %swap3A_150 = tpu.vector_load %arg5[%swap3A_148, %swap3A_149] {strides = array<i32>} : memref<3x1024xf32, #tpu.memory_space<vmem>>, vector<1x16xf32>,
    %swap3A_151 = vector.shape_cast %swap3A_150 : vector<1x16xf32> to vector<16xf32>
    %swap3A_152 = vector.shape_cast %mul3A_140 : vector<16xf32> to vector<1x16xf32>
    tpu.vector_store %arg5[%swap3A_148, %swap3A_149], %swap3A_152 {strides = array<i32>} : memref<3x1024xf32, #tpu.memory_space<vmem>>, vector<1x16xf32>,
    %swap3A_153 = arith.constant 2 : i32
    %swap3A_154 = arith.index_cast %swap3A_153 : i32 to index
    %swap3A_155 = arith.constant 80 : index
    %swap3A_156 = tpu.vector_load %arg5[%swap3A_154, %swap3A_155] {strides = array<i32>} : memref<3x1024xf32, #tpu.memory_space<vmem>>, vector<1x16xf32>,
    %swap3A_157 = vector.shape_cast %swap3A_156 : vector<1x16xf32> to vector<16xf32>
    %swap3A_158 = vector.shape_cast %mul3A_140 : vector<16xf32> to vector<1x16xf32>
    tpu.vector_store %arg5[%swap3A_154, %swap3A_155], %swap3A_158 {strides = array<i32>} : memref<3x1024xf32, #tpu.memory_space<vmem>>, vector<1x16xf32>,
    %get3A_159 = arith.constant 96 : index
    %get3A_160 = tpu.vector_load %arg4[%get3A_159] {strides = array<i32>} : memref<1024xf32, #tpu.memory_space<vmem>>, vector<16xf32>,
    %get3A_161 = vector.shape_cast %get3A_160 : vector<16xf32> to vector<16xf32>
    %mul3A_162 = arith.constant -1.000000e+06 : f32
    %mul3A_163 = vector.broadcast %mul3A_162 : f32 to vector<16xf32>
    %mul3A_164 = arith.mulf %get3A_161, %mul3A_163 : vector<16xf32>
    %swap3A_165 = arith.constant 0 : i32
    %swap3A_166 = arith.index_cast %swap3A_165 : i32 to index
    %swap3A_167 = arith.constant 96 : index
    %swap3A_168 = tpu.vector_load %arg5[%swap3A_166, %swap3A_167] {strides = array<i32>} : memref<3x1024xf32, #tpu.memory_space<vmem>>, vector<1x16xf32>,
    %swap3A_169 = vector.shape_cast %swap3A_168 : vector<1x16xf32> to vector<16xf32>
    %swap3A_170 = vector.shape_cast %mul3A_164 : vector<16xf32> to vector<1x16xf32>
    tpu.vector_store %arg5[%swap3A_166, %swap3A_167], %swap3A_170 {strides = array<i32>} : memref<3x1024xf32, #tpu.memory_space<vmem>>, vector<1x16xf32>,
    %swap3A_171 = arith.constant 1 : i32
    %swap3A_172 = arith.index_cast %swap3A_171 : i32 to index
    %swap3A_173 = arith.constant 96 : index
    %swap3A_174 = tpu.vector_load %arg5[%swap3A_172, %swap3A_173] {strides = array<i32>} : memref<3x1024xf32, #tpu.memory_space<vmem>>, vector<1x16xf32>,
    %swap3A_175 = vector.shape_cast %swap3A_174 : vector<1x16xf32> to vector<16xf32>
    %swap3A_176 = vector.shape_cast %mul3A_164 : vector<16xf32> to vector<1x16xf32>
    tpu.vector_store %arg5[%swap3A_172, %swap3A_173], %swap3A_176 {strides = array<i32>} : memref<3x1024xf32, #tpu.memory_space<vmem>>, vector<1x16xf32>,
    %swap3A_177 = arith.constant 2 : i32
    %swap3A_178 = arith.index_cast %swap3A_177 : i32 to index
    %swap3A_179 = arith.constant 96 : index
    %swap3A_180 = tpu.vector_load %arg5[%swap3A_178, %swap3A_179] {strides = array<i32>} : memref<3x1024xf32, #tpu.memory_space<vmem>>, vector<1x16xf32>,
    %swap3A_181 = vector.shape_cast %swap3A_180 : vector<1x16xf32> to vector<16xf32>
    %swap3A_182 = vector.shape_cast %mul3A_164 : vector<16xf32> to vector<1x16xf32>
    tpu.vector_store %arg5[%swap3A_178, %swap3A_179], %swap3A_182 {strides = array<i32>} : memref<3x1024xf32, #tpu.memory_space<vmem>>, vector<1x16xf32>,
    %get3A_183 = arith.constant 112 : index
    %get3A_184 = tpu.vector_load %arg4[%get3A_183] {strides = array<i32>} : memref<1024xf32, #tpu.memory_space<vmem>>, vector<16xf32>,
    %get3A_185 = vector.shape_cast %get3A_184 : vector<16xf32> to vector<16xf32>
    %mul3A_186 = arith.constant -1.000000e+06 : f32
    %mul3A_187 = vector.broadcast %mul3A_186 : f32 to vector<16xf32>
    %mul3A_188 = arith.mulf %get3A_185, %mul3A_187 : vector<16xf32>
    %swap3A_189 = arith.constant 0 : i32
    %swap3A_190 = arith.index_cast %swap3A_189 : i32 to index
    %swap3A_191 = arith.constant 112 : index
    %swap3A_192 = tpu.vector_load %arg5[%swap3A_190, %swap3A_191] {strides = array<i32>} : memref<3x1024xf32, #tpu.memory_space<vmem>>, vector<1x16xf32>,
    %swap3A_193 = vector.shape_cast %swap3A_192 : vector<1x16xf32> to vector<16xf32>
    %swap3A_194 = vector.shape_cast %mul3A_188 : vector<16xf32> to vector<1x16xf32>
    tpu.vector_store %arg5[%swap3A_190, %swap3A_191], %swap3A_194 {strides = array<i32>} : memref<3x1024xf32, #tpu.memory_space<vmem>>, vector<1x16xf32>,
    %swap3A_195 = arith.constant 1 : i32
    %swap3A_196 = arith.index_cast %swap3A_195 : i32 to index
    %swap3A_197 = arith.constant 112 : index
    %swap3A_198 = tpu.vector_load %arg5[%swap3A_196, %swap3A_197] {strides = array<i32>} : memref<3x1024xf32, #tpu.memory_space<vmem>>, vector<1x16xf32>,
    %swap3A_199 = vector.shape_cast %swap3A_198 : vector<1x16xf32> to vector<16xf32>
    %swap3A_200 = vector.shape_cast %mul3A_188 : vector<16xf32> to vector<1x16xf32>
    tpu.vector_store %arg5[%swap3A_196, %swap3A_197], %swap3A_200 {strides = array<i32>} : memref<3x1024xf32, #tpu.memory_space<vmem>>, vector<1x16xf32>,
    %swap3A_201 = arith.constant 2 : i32
    %swap3A_202 = arith.index_cast %swap3A_201 : i32 to index
    %swap3A_203 = arith.constant 112 : index
    %swap3A_204 = tpu.vector_load %arg5[%swap3A_202, %swap3A_203] {strides = array<i32>} : memref<3x1024xf32, #tpu.memory_space<vmem>>, vector<1x16xf32>,
    %swap3A_205 = vector.shape_cast %swap3A_204 : vector<1x16xf32> to vector<16xf32>
    %swap3A_206 = vector.shape_cast %mul3A_188 : vector<16xf32> to vector<1x16xf32>
    tpu.vector_store %arg5[%swap3A_202, %swap3A_203], %swap3A_206 {strides = array<i32>} : memref<3x1024xf32, #tpu.memory_space<vmem>>, vector<1x16xf32>,
    %get3A_207 = arith.constant 128 : index
    %get3A_208 = tpu.vector_load %arg4[%get3A_207] {strides = array<i32>} : memref<1024xf32, #tpu.memory_space<vmem>>, vector<16xf32>,
    %get3A_209 = vector.shape_cast %get3A_208 : vector<16xf32> to vector<16xf32>
    %mul3A_210 = arith.constant -1.000000e+06 : f32
    %mul3A_211 = vector.broadcast %mul3A_210 : f32 to vector<16xf32>
    %mul3A_212 = arith.mulf %get3A_209, %mul3A_211 : vector<16xf32>
    %swap3A_213 = arith.constant 0 : i32
    %swap3A_214 = arith.index_cast %swap3A_213 : i32 to index
    %swap3A_215 = arith.constant 128 : index
    %swap3A_216 = tpu.vector_load %arg5[%swap3A_214, %swap3A_215] {strides = array<i32>} : memref<3x1024xf32, #tpu.memory_space<vmem>>, vector<1x16xf32>,
    %swap3A_217 = vector.shape_cast %swap3A_216 : vector<1x16xf32> to vector<16xf32>
    %swap3A_218 = vector.shape_cast %mul3A_212 : vector<16xf32> to vector<1x16xf32>
    tpu.vector_store %arg5[%swap3A_214, %swap3A_215], %swap3A_218 {strides = array<i32>} : memref<3x1024xf32, #tpu.memory_space<vmem>>, vector<1x16xf32>,
    %swap3A_219 = arith.constant 1 : i32
    %swap3A_220 = arith.index_cast %swap3A_219 : i32 to index
    %swap3A_221 = arith.constant 128 : index
    %swap3A_222 = tpu.vector_load %arg5[%swap3A_220, %swap3A_221] {strides = array<i32>} : memref<3x1024xf32, #tpu.memory_space<vmem>>, vector<1x16xf32>,
    %swap3A_223 = vector.shape_cast %swap3A_222 : vector<1x16xf32> to vector<16xf32>
    %swap3A_224 = vector.shape_cast %mul3A_212 : vector<16xf32> to vector<1x16xf32>
    tpu.vector_store %arg5[%swap3A_220, %swap3A_221], %swap3A_224 {strides = array<i32>} : memref<3x1024xf32, #tpu.memory_space<vmem>>, vector<1x16xf32>,
    %swap3A_225 = arith.constant 2 : i32
    %swap3A_226 = arith.index_cast %swap3A_225 : i32 to index
    %swap3A_227 = arith.constant 128 : index
    %swap3A_228 = tpu.vector_load %arg5[%swap3A_226, %swap3A_227] {strides = array<i32>} : memref<3x1024xf32, #tpu.memory_space<vmem>>, vector<1x16xf32>,
    %swap3A_229 = vector.shape_cast %swap3A_228 : vector<1x16xf32> to vector<16xf32>
    %swap3A_230 = vector.shape_cast %mul3A_212 : vector<16xf32> to vector<1x16xf32>
    tpu.vector_store %arg5[%swap3A_226, %swap3A_227], %swap3A_230 {strides = array<i32>} : memref<3x1024xf32, #tpu.memory_space<vmem>>, vector<1x16xf32>,
    %get3A_231 = arith.constant 144 : index
    %get3A_232 = tpu.vector_load %arg4[%get3A_231] {strides = array<i32>} : memref<1024xf32, #tpu.memory_space<vmem>>, vector<16xf32>,
    %get3A_233 = vector.shape_cast %get3A_232 : vector<16xf32> to vector<16xf32>
    %mul3A_234 = arith.constant -1.000000e+06 : f32
    %mul3A_235 = vector.broadcast %mul3A_234 : f32 to vector<16xf32>
    %mul3A_236 = arith.mulf %get3A_233, %mul3A_235 : vector<16xf32>
    %swap3A_237 = arith.constant 0 : i32
    %swap3A_238 = arith.index_cast %swap3A_237 : i32 to index
    %swap3A_239 = arith.constant 144 : index
    %swap3A_240 = tpu.vector_load %arg5[%swap3A_238, %swap3A_239] {strides = array<i32>} : memref<3x1024xf32, #tpu.memory_space<vmem>>, vector<1x16xf32>,
    %swap3A_241 = vector.shape_cast %swap3A_240 : vector<1x16xf32> to vector<16xf32>
    %swap3A_242 = vector.shape_cast %mul3A_236 : vector<16xf32> to vector<1x16xf32>
    tpu.vector_store %arg5[%swap3A_238, %swap3A_239], %swap3A_242 {strides = array<i32>} : memref<3x1024xf32, #tpu.memory_space<vmem>>, vector<1x16xf32>,
    %swap3A_243 = arith.constant 1 : i32
    %swap3A_244 = arith.index_cast %swap3A_243 : i32 to index
    %swap3A_245 = arith.constant 144 : index
    %swap3A_246 = tpu.vector_load %arg5[%swap3A_244, %swap3A_245] {strides = array<i32>} : memref<3x1024xf32, #tpu.memory_space<vmem>>, vector<1x16xf32>,
    %swap3A_247 = vector.shape_cast %swap3A_246 : vector<1x16xf32> to vector<16xf32>
    %swap3A_248 = vector.shape_cast %mul3A_236 : vector<16xf32> to vector<1x16xf32>
    tpu.vector_store %arg5[%swap3A_244, %swap3A_245], %swap3A_248 {strides = array<i32>} : memref<3x1024xf32, #tpu.memory_space<vmem>>, vector<1x16xf32>,
    %swap3A_249 = arith.constant 2 : i32
    %swap3A_250 = arith.index_cast %swap3A_249 : i32 to index
    %swap3A_251 = arith.constant 144 : index
    %swap3A_252 = tpu.vector_load %arg5[%swap3A_250, %swap3A_251] {strides = array<i32>} : memref<3x1024xf32, #tpu.memory_space<vmem>>, vector<1x16xf32>,
    %swap3A_253 = vector.shape_cast %swap3A_252 : vector<1x16xf32> to vector<16xf32>
    %swap3A_254 = vector.shape_cast %mul3A_236 : vector<16xf32> to vector<1x16xf32>
    tpu.vector_store %arg5[%swap3A_250, %swap3A_251], %swap3A_254 {strides = array<i32>} : memref<3x1024xf32, #tpu.memory_space<vmem>>, vector<1x16xf32>,
    %get3A_255 = arith.constant 160 : index
    %get3A_256 = tpu.vector_load %arg4[%get3A_255] {strides = array<i32>} : memref<1024xf32, #tpu.memory_space<vmem>>, vector<16xf32>,
    %get3A_257 = vector.shape_cast %get3A_256 : vector<16xf32> to vector<16xf32>
    %mul3A_258 = arith.constant -1.000000e+06 : f32
    %mul3A_259 = vector.broadcast %mul3A_258 : f32 to vector<16xf32>
    %mul3A_260 = arith.mulf %get3A_257, %mul3A_259 : vector<16xf32>
    %swap3A_261 = arith.constant 0 : i32
    %swap3A_262 = arith.index_cast %swap3A_261 : i32 to index
    %swap3A_263 = arith.constant 160 : index
    %swap3A_264 = tpu.vector_load %arg5[%swap3A_262, %swap3A_263] {strides = array<i32>} : memref<3x1024xf32, #tpu.memory_space<vmem>>, vector<1x16xf32>,
    %swap3A_265 = vector.shape_cast %swap3A_264 : vector<1x16xf32> to vector<16xf32>
    %swap3A_266 = vector.shape_cast %mul3A_260 : vector<16xf32> to vector<1x16xf32>
    tpu.vector_store %arg5[%swap3A_262, %swap3A_263], %swap3A_266 {strides = array<i32>} : memref<3x1024xf32, #tpu.memory_space<vmem>>, vector<1x16xf32>,
    %swap3A_267 = arith.constant 1 : i32
    %swap3A_268 = arith.index_cast %swap3A_267 : i32 to index
    %swap3A_269 = arith.constant 160 : index
    %swap3A_270 = tpu.vector_load %arg5[%swap3A_268, %swap3A_269] {strides = array<i32>} : memref<3x1024xf32, #tpu.memory_space<vmem>>, vector<1x16xf32>,
    %swap3A_271 = vector.shape_cast %swap3A_270 : vector<1x16xf32> to vector<16xf32>
    %swap3A_272 = vector.shape_cast %mul3A_260 : vector<16xf32> to vector<1x16xf32>
    tpu.vector_store %arg5[%swap3A_268, %swap3A_269], %swap3A_272 {strides = array<i32>} : memref<3x1024xf32, #tpu.memory_space<vmem>>, vector<1x16xf32>,
    %swap3A_273 = arith.constant 2 : i32
    %swap3A_274 = arith.index_cast %swap3A_273 : i32 to index
    %swap3A_275 = arith.constant 160 : index
    %swap3A_276 = tpu.vector_load %arg5[%swap3A_274, %swap3A_275] {strides = array<i32>} : memref<3x1024xf32, #tpu.memory_space<vmem>>, vector<1x16xf32>,
    %swap3A_277 = vector.shape_cast %swap3A_276 : vector<1x16xf32> to vector<16xf32>
    %swap3A_278 = vector.shape_cast %mul3A_260 : vector<16xf32> to vector<1x16xf32>
    tpu.vector_store %arg5[%swap3A_274, %swap3A_275], %swap3A_278 {strides = array<i32>} : memref<3x1024xf32, #tpu.memory_space<vmem>>, vector<1x16xf32>,
    %get3A_279 = arith.constant 176 : index
    %get3A_280 = tpu.vector_load %arg4[%get3A_279] {strides = array<i32>} : memref<1024xf32, #tpu.memory_space<vmem>>, vector<16xf32>,
    %get3A_281 = vector.shape_cast %get3A_280 : vector<16xf32> to vector<16xf32>
    %mul3A_282 = arith.constant -1.000000e+06 : f32
    %mul3A_283 = vector.broadcast %mul3A_282 : f32 to vector<16xf32>
    %mul3A_284 = arith.mulf %get3A_281, %mul3A_283 : vector<16xf32>
    %swap3A_285 = arith.constant 0 : i32
    %swap3A_286 = arith.index_cast %swap3A_285 : i32 to index
    %swap3A_287 = arith.constant 176 : index
    %swap3A_288 = tpu.vector_load %arg5[%swap3A_286, %swap3A_287] {strides = array<i32>} : memref<3x1024xf32, #tpu.memory_space<vmem>>, vector<1x16xf32>,
    %swap3A_289 = vector.shape_cast %swap3A_288 : vector<1x16xf32> to vector<16xf32>
    %swap3A_290 = vector.shape_cast %mul3A_284 : vector<16xf32> to vector<1x16xf32>
    tpu.vector_store %arg5[%swap3A_286, %swap3A_287], %swap3A_290 {strides = array<i32>} : memref<3x1024xf32, #tpu.memory_space<vmem>>, vector<1x16xf32>,
    %swap3A_291 = arith.constant 1 : i32
    %swap3A_292 = arith.index_cast %swap3A_291 : i32 to index
    %swap3A_293 = arith.constant 176 : index
    %swap3A_294 = tpu.vector_load %arg5[%swap3A_292, %swap3A_293] {strides = array<i32>} : memref<3x1024xf32, #tpu.memory_space<vmem>>, vector<1x16xf32>,
    %swap3A_295 = vector.shape_cast %swap3A_294 : vector<1x16xf32> to vector<16xf32>
    %swap3A_296 = vector.shape_cast %mul3A_284 : vector<16xf32> to vector<1x16xf32>
    tpu.vector_store %arg5[%swap3A_292, %swap3A_293], %swap3A_296 {strides = array<i32>} : memref<3x1024xf32, #tpu.memory_space<vmem>>, vector<1x16xf32>,
    %swap3A_297 = arith.constant 2 : i32
    %swap3A_298 = arith.index_cast %swap3A_297 : i32 to index
    %swap3A_299 = arith.constant 176 : index
    %swap3A_300 = tpu.vector_load %arg5[%swap3A_298, %swap3A_299] {strides = array<i32>} : memref<3x1024xf32, #tpu.memory_space<vmem>>, vector<1x16xf32>,
    %swap3A_301 = vector.shape_cast %swap3A_300 : vector<1x16xf32> to vector<16xf32>
    %swap3A_302 = vector.shape_cast %mul3A_284 : vector<16xf32> to vector<1x16xf32>
    tpu.vector_store %arg5[%swap3A_298, %swap3A_299], %swap3A_302 {strides = array<i32>} : memref<3x1024xf32, #tpu.memory_space<vmem>>, vector<1x16xf32>,
    %get3A_303 = arith.constant 192 : index
    %get3A_304 = tpu.vector_load %arg4[%get3A_303] {strides = array<i32>} : memref<1024xf32, #tpu.memory_space<vmem>>, vector<16xf32>,
    %get3A_305 = vector.shape_cast %get3A_304 : vector<16xf32> to vector<16xf32>
    %mul3A_306 = arith.constant -1.000000e+06 : f32
    %mul3A_307 = vector.broadcast %mul3A_306 : f32 to vector<16xf32>
    %mul3A_308 = arith.mulf %get3A_305, %mul3A_307 : vector<16xf32>
    %swap3A_309 = arith.constant 0 : i32
    %swap3A_310 = arith.index_cast %swap3A_309 : i32 to index
    %swap3A_311 = arith.constant 192 : index
    %swap3A_312 = tpu.vector_load %arg5[%swap3A_310, %swap3A_311] {strides = array<i32>} : memref<3x1024xf32, #tpu.memory_space<vmem>>, vector<1x16xf32>,
    %swap3A_313 = vector.shape_cast %swap3A_312 : vector<1x16xf32> to vector<16xf32>
    %swap3A_314 = vector.shape_cast %mul3A_308 : vector<16xf32> to vector<1x16xf32>
    tpu.vector_store %arg5[%swap3A_310, %swap3A_311], %swap3A_314 {strides = array<i32>} : memref<3x1024xf32, #tpu.memory_space<vmem>>, vector<1x16xf32>,
    %swap3A_315 = arith.constant 1 : i32
    %swap3A_316 = arith.index_cast %swap3A_315 : i32 to index
    %swap3A_317 = arith.constant 192 : index
    %swap3A_318 = tpu.vector_load %arg5[%swap3A_316, %swap3A_317] {strides = array<i32>} : memref<3x1024xf32, #tpu.memory_space<vmem>>, vector<1x16xf32>,
    %swap3A_319 = vector.shape_cast %swap3A_318 : vector<1x16xf32> to vector<16xf32>
    %swap3A_320 = vector.shape_cast %mul3A_308 : vector<16xf32> to vector<1x16xf32>
    tpu.vector_store %arg5[%swap3A_316, %swap3A_317], %swap3A_320 {strides = array<i32>} : memref<3x1024xf32, #tpu.memory_space<vmem>>, vector<1x16xf32>,
    %swap3A_321 = arith.constant 2 : i32
    %swap3A_322 = arith.index_cast %swap3A_321 : i32 to index
    %swap3A_323 = arith.constant 192 : index
    %swap3A_324 = tpu.vector_load %arg5[%swap3A_322, %swap3A_323] {strides = array<i32>} : memref<3x1024xf32, #tpu.memory_space<vmem>>, vector<1x16xf32>,
    %swap3A_325 = vector.shape_cast %swap3A_324 : vector<1x16xf32> to vector<16xf32>
    %swap3A_326 = vector.shape_cast %mul3A_308 : vector<16xf32> to vector<1x16xf32>
    tpu.vector_store %arg5[%swap3A_322, %swap3A_323], %swap3A_326 {strides = array<i32>} : memref<3x1024xf32, #tpu.memory_space<vmem>>, vector<1x16xf32>,
    %get3A_327 = arith.constant 208 : index
    %get3A_328 = tpu.vector_load %arg4[%get3A_327] {strides = array<i32>} : memref<1024xf32, #tpu.memory_space<vmem>>, vector<16xf32>,
    %get3A_329 = vector.shape_cast %get3A_328 : vector<16xf32> to vector<16xf32>
    %mul3A_330 = arith.constant -1.000000e+06 : f32
    %mul3A_331 = vector.broadcast %mul3A_330 : f32 to vector<16xf32>
    %mul3A_332 = arith.mulf %get3A_329, %mul3A_331 : vector<16xf32>
    %swap3A_333 = arith.constant 0 : i32
    %swap3A_334 = arith.index_cast %swap3A_333 : i32 to index
    %swap3A_335 = arith.constant 208 : index
    %swap3A_336 = tpu.vector_load %arg5[%swap3A_334, %swap3A_335] {strides = array<i32>} : memref<3x1024xf32, #tpu.memory_space<vmem>>, vector<1x16xf32>,
    %swap3A_337 = vector.shape_cast %swap3A_336 : vector<1x16xf32> to vector<16xf32>
    %swap3A_338 = vector.shape_cast %mul3A_332 : vector<16xf32> to vector<1x16xf32>
    tpu.vector_store %arg5[%swap3A_334, %swap3A_335], %swap3A_338 {strides = array<i32>} : memref<3x1024xf32, #tpu.memory_space<vmem>>, vector<1x16xf32>,
    %swap3A_339 = arith.constant 1 : i32
    %swap3A_340 = arith.index_cast %swap3A_339 : i32 to index
    %swap3A_341 = arith.constant 208 : index
    %swap3A_342 = tpu.vector_load %arg5[%swap3A_340, %swap3A_341] {strides = array<i32>} : memref<3x1024xf32, #tpu.memory_space<vmem>>, vector<1x16xf32>,
    %swap3A_343 = vector.shape_cast %swap3A_342 : vector<1x16xf32> to vector<16xf32>
    %swap3A_344 = vector.shape_cast %mul3A_332 : vector<16xf32> to vector<1x16xf32>
    tpu.vector_store %arg5[%swap3A_340, %swap3A_341], %swap3A_344 {strides = array<i32>} : memref<3x1024xf32, #tpu.memory_space<vmem>>, vector<1x16xf32>,
    %swap3A_345 = arith.constant 2 : i32
    %swap3A_346 = arith.index_cast %swap3A_345 : i32 to index
    %swap3A_347 = arith.constant 208 : index
    %swap3A_348 = tpu.vector_load %arg5[%swap3A_346, %swap3A_347] {strides = array<i32>} : memref<3x1024xf32, #tpu.memory_space<vmem>>, vector<1x16xf32>,
    %swap3A_349 = vector.shape_cast %swap3A_348 : vector<1x16xf32> to vector<16xf32>
    %swap3A_350 = vector.shape_cast %mul3A_332 : vector<16xf32> to vector<1x16xf32>
    tpu.vector_store %arg5[%swap3A_346, %swap3A_347], %swap3A_350 {strides = array<i32>} : memref<3x1024xf32, #tpu.memory_space<vmem>>, vector<1x16xf32>,
    %get3A_351 = arith.constant 224 : index
    %get3A_352 = tpu.vector_load %arg4[%get3A_351] {strides = array<i32>} : memref<1024xf32, #tpu.memory_space<vmem>>, vector<16xf32>,
    %get3A_353 = vector.shape_cast %get3A_352 : vector<16xf32> to vector<16xf32>
    %mul3A_354 = arith.constant -1.000000e+06 : f32
    %mul3A_355 = vector.broadcast %mul3A_354 : f32 to vector<16xf32>
    %mul3A_356 = arith.mulf %get3A_353, %mul3A_355 : vector<16xf32>
    %swap3A_357 = arith.constant 0 : i32
    %swap3A_358 = arith.index_cast %swap3A_357 : i32 to index
    %swap3A_359 = arith.constant 224 : index
    %swap3A_360 = tpu.vector_load %arg5[%swap3A_358, %swap3A_359] {strides = array<i32>} : memref<3x1024xf32, #tpu.memory_space<vmem>>, vector<1x16xf32>,
    %swap3A_361 = vector.shape_cast %swap3A_360 : vector<1x16xf32> to vector<16xf32>
    %swap3A_362 = vector.shape_cast %mul3A_356 : vector<16xf32> to vector<1x16xf32>
    tpu.vector_store %arg5[%swap3A_358, %swap3A_359], %swap3A_362 {strides = array<i32>} : memref<3x1024xf32, #tpu.memory_space<vmem>>, vector<1x16xf32>,
    %swap3A_363 = arith.constant 1 : i32
    %swap3A_364 = arith.index_cast %swap3A_363 : i32 to index
    %swap3A_365 = arith.constant 224 : index
    %swap3A_366 = tpu.vector_load %arg5[%swap3A_364, %swap3A_365] {strides = array<i32>} : memref<3x1024xf32, #tpu.memory_space<vmem>>, vector<1x16xf32>,
    %swap3A_367 = vector.shape_cast %swap3A_366 : vector<1x16xf32> to vector<16xf32>
    %swap3A_368 = vector.shape_cast %mul3A_356 : vector<16xf32> to vector<1x16xf32>
    tpu.vector_store %arg5[%swap3A_364, %swap3A_365], %swap3A_368 {strides = array<i32>} : memref<3x1024xf32, #tpu.memory_space<vmem>>, vector<1x16xf32>,
    %swap3A_369 = arith.constant 2 : i32
    %swap3A_370 = arith.index_cast %swap3A_369 : i32 to index
    %swap3A_371 = arith.constant 224 : index
    %swap3A_372 = tpu.vector_load %arg5[%swap3A_370, %swap3A_371] {strides = array<i32>} : memref<3x1024xf32, #tpu.memory_space<vmem>>, vector<1x16xf32>,
    %swap3A_373 = vector.shape_cast %swap3A_372 : vector<1x16xf32> to vector<16xf32>
    %swap3A_374 = vector.shape_cast %mul3A_356 : vector<16xf32> to vector<1x16xf32>
    tpu.vector_store %arg5[%swap3A_370, %swap3A_371], %swap3A_374 {strides = array<i32>} : memref<3x1024xf32, #tpu.memory_space<vmem>>, vector<1x16xf32>,
    %get3A_375 = arith.constant 240 : index
    %get3A_376 = tpu.vector_load %arg4[%get3A_375] {strides = array<i32>} : memref<1024xf32, #tpu.memory_space<vmem>>, vector<16xf32>,
    %get3A_377 = vector.shape_cast %get3A_376 : vector<16xf32> to vector<16xf32>
    %mul3A_378 = arith.constant -1.000000e+06 : f32
    %mul3A_379 = vector.broadcast %mul3A_378 : f32 to vector<16xf32>
    %mul3A_380 = arith.mulf %get3A_377, %mul3A_379 : vector<16xf32>
    %swap3A_381 = arith.constant 0 : i32
    %swap3A_382 = arith.index_cast %swap3A_381 : i32 to index
    %swap3A_383 = arith.constant 240 : index
    %swap3A_384 = tpu.vector_load %arg5[%swap3A_382, %swap3A_383] {strides = array<i32>} : memref<3x1024xf32, #tpu.memory_space<vmem>>, vector<1x16xf32>,
    %swap3A_385 = vector.shape_cast %swap3A_384 : vector<1x16xf32> to vector<16xf32>
    %swap3A_386 = vector.shape_cast %mul3A_380 : vector<16xf32> to vector<1x16xf32>
    tpu.vector_store %arg5[%swap3A_382, %swap3A_383], %swap3A_386 {strides = array<i32>} : memref<3x1024xf32, #tpu.memory_space<vmem>>, vector<1x16xf32>,
    %swap3A_387 = arith.constant 1 : i32
    %swap3A_388 = arith.index_cast %swap3A_387 : i32 to index
    %swap3A_389 = arith.constant 240 : index
    %swap3A_390 = tpu.vector_load %arg5[%swap3A_388, %swap3A_389] {strides = array<i32>} : memref<3x1024xf32, #tpu.memory_space<vmem>>, vector<1x16xf32>,
    %swap3A_391 = vector.shape_cast %swap3A_390 : vector<1x16xf32> to vector<16xf32>
    %swap3A_392 = vector.shape_cast %mul3A_380 : vector<16xf32> to vector<1x16xf32>
    tpu.vector_store %arg5[%swap3A_388, %swap3A_389], %swap3A_392 {strides = array<i32>} : memref<3x1024xf32, #tpu.memory_space<vmem>>, vector<1x16xf32>,
    %swap3A_393 = arith.constant 2 : i32
    %swap3A_394 = arith.index_cast %swap3A_393 : i32 to index
    %swap3A_395 = arith.constant 240 : index
    %swap3A_396 = tpu.vector_load %arg5[%swap3A_394, %swap3A_395] {strides = array<i32>} : memref<3x1024xf32, #tpu.memory_space<vmem>>, vector<1x16xf32>,
    %swap3A_397 = vector.shape_cast %swap3A_396 : vector<1x16xf32> to vector<16xf32>
    %swap3A_398 = vector.shape_cast %mul3A_380 : vector<16xf32> to vector<1x16xf32>
    tpu.vector_store %arg5[%swap3A_394, %swap3A_395], %swap3A_398 {strides = array<i32>} : memref<3x1024xf32, #tpu.memory_space<vmem>>, vector<1x16xf32>,
    %get3A_399 = arith.constant 256 : index
    %get3A_400 = tpu.vector_load %arg4[%get3A_399] {strides = array<i32>} : memref<1024xf32, #tpu.memory_space<vmem>>, vector<16xf32>,
    %get3A_401 = vector.shape_cast %get3A_400 : vector<16xf32> to vector<16xf32>
    %mul3A_402 = arith.constant -1.000000e+06 : f32
    %mul3A_403 = vector.broadcast %mul3A_402 : f32 to vector<16xf32>
    %mul3A_404 = arith.mulf %get3A_401, %mul3A_403 : vector<16xf32>
    %swap3A_405 = arith.constant 0 : i32
    %swap3A_406 = arith.index_cast %swap3A_405 : i32 to index
    %swap3A_407 = arith.constant 256 : index
    %swap3A_408 = tpu.vector_load %arg5[%swap3A_406, %swap3A_407] {strides = array<i32>} : memref<3x1024xf32, #tpu.memory_space<vmem>>, vector<1x16xf32>,
    %swap3A_409 = vector.shape_cast %swap3A_408 : vector<1x16xf32> to vector<16xf32>
    %swap3A_410 = vector.shape_cast %mul3A_404 : vector<16xf32> to vector<1x16xf32>
    tpu.vector_store %arg5[%swap3A_406, %swap3A_407], %swap3A_410 {strides = array<i32>} : memref<3x1024xf32, #tpu.memory_space<vmem>>, vector<1x16xf32>,
    %swap3A_411 = arith.constant 1 : i32
    %swap3A_412 = arith.index_cast %swap3A_411 : i32 to index
    %swap3A_413 = arith.constant 256 : index
    %swap3A_414 = tpu.vector_load %arg5[%swap3A_412, %swap3A_413] {strides = array<i32>} : memref<3x1024xf32, #tpu.memory_space<vmem>>, vector<1x16xf32>,
    %swap3A_415 = vector.shape_cast %swap3A_414 : vector<1x16xf32> to vector<16xf32>
    %swap3A_416 = vector.shape_cast %mul3A_404 : vector<16xf32> to vector<1x16xf32>
    tpu.vector_store %arg5[%swap3A_412, %swap3A_413], %swap3A_416 {strides = array<i32>} : memref<3x1024xf32, #tpu.memory_space<vmem>>, vector<1x16xf32>,
    %swap3A_417 = arith.constant 2 : i32
    %swap3A_418 = arith.index_cast %swap3A_417 : i32 to index
    %swap3A_419 = arith.constant 256 : index
    %swap3A_420 = tpu.vector_load %arg5[%swap3A_418, %swap3A_419] {strides = array<i32>} : memref<3x1024xf32, #tpu.memory_space<vmem>>, vector<1x16xf32>,
    %swap3A_421 = vector.shape_cast %swap3A_420 : vector<1x16xf32> to vector<16xf32>
    %swap3A_422 = vector.shape_cast %mul3A_404 : vector<16xf32> to vector<1x16xf32>
    tpu.vector_store %arg5[%swap3A_418, %swap3A_419], %swap3A_422 {strides = array<i32>} : memref<3x1024xf32, #tpu.memory_space<vmem>>, vector<1x16xf32>,
    %get3A_423 = arith.constant 272 : index
    %get3A_424 = tpu.vector_load %arg4[%get3A_423] {strides = array<i32>} : memref<1024xf32, #tpu.memory_space<vmem>>, vector<16xf32>,
    %get3A_425 = vector.shape_cast %get3A_424 : vector<16xf32> to vector<16xf32>
    %mul3A_426 = arith.constant -1.000000e+06 : f32
    %mul3A_427 = vector.broadcast %mul3A_426 : f32 to vector<16xf32>
    %mul3A_428 = arith.mulf %get3A_425, %mul3A_427 : vector<16xf32>
    %swap3A_429 = arith.constant 0 : i32
    %swap3A_430 = arith.index_cast %swap3A_429 : i32 to index
    %swap3A_431 = arith.constant 272 : index
    %swap3A_432 = tpu.vector_load %arg5[%swap3A_430, %swap3A_431] {strides = array<i32>} : memref<3x1024xf32, #tpu.memory_space<vmem>>, vector<1x16xf32>,
    %swap3A_433 = vector.shape_cast %swap3A_432 : vector<1x16xf32> to vector<16xf32>
    %swap3A_434 = vector.shape_cast %mul3A_428 : vector<16xf32> to vector<1x16xf32>
    tpu.vector_store %arg5[%swap3A_430, %swap3A_431], %swap3A_434 {strides = array<i32>} : memref<3x1024xf32, #tpu.memory_space<vmem>>, vector<1x16xf32>,
    %swap3A_435 = arith.constant 1 : i32
    %swap3A_436 = arith.index_cast %swap3A_435 : i32 to index
    %swap3A_437 = arith.constant 272 : index
    %swap3A_438 = tpu.vector_load %arg5[%swap3A_436, %swap3A_437] {strides = array<i32>} : memref<3x1024xf32, #tpu.memory_space<vmem>>, vector<1x16xf32>,
    %swap3A_439 = vector.shape_cast %swap3A_438 : vector<1x16xf32> to vector<16xf32>
    %swap3A_440 = vector.shape_cast %mul3A_428 : vector<16xf32> to vector<1x16xf32>
    tpu.vector_store %arg5[%swap3A_436, %swap3A_437], %swap3A_440 {strides = array<i32>} : memref<3x1024xf32, #tpu.memory_space<vmem>>, vector<1x16xf32>,
    %swap3A_441 = arith.constant 2 : i32
    %swap3A_442 = arith.index_cast %swap3A_441 : i32 to index
    %swap3A_443 = arith.constant 272 : index
    %swap3A_444 = tpu.vector_load %arg5[%swap3A_442, %swap3A_443] {strides = array<i32>} : memref<3x1024xf32, #tpu.memory_space<vmem>>, vector<1x16xf32>,
    %swap3A_445 = vector.shape_cast %swap3A_444 : vector<1x16xf32> to vector<16xf32>
    %swap3A_446 = vector.shape_cast %mul3A_428 : vector<16xf32> to vector<1x16xf32>
    tpu.vector_store %arg5[%swap3A_442, %swap3A_443], %swap3A_446 {strides = array<i32>} : memref<3x1024xf32, #tpu.memory_space<vmem>>, vector<1x16xf32>,
    %get3A_447 = arith.constant 288 : index
    %get3A_448 = tpu.vector_load %arg4[%get3A_447] {strides = array<i32>} : memref<1024xf32, #tpu.memory_space<vmem>>, vector<16xf32>,
    %get3A_449 = vector.shape_cast %get3A_448 : vector<16xf32> to vector<16xf32>
    %mul3A_450 = arith.constant -1.000000e+06 : f32
    %mul3A_451 = vector.broadcast %mul3A_450 : f32 to vector<16xf32>
    %mul3A_452 = arith.mulf %get3A_449, %mul3A_451 : vector<16xf32>
    %swap3A_453 = arith.constant 0 : i32
    %swap3A_454 = arith.index_cast %swap3A_453 : i32 to index
    %swap3A_455 = arith.constant 288 : index
    %swap3A_456 = tpu.vector_load %arg5[%swap3A_454, %swap3A_455] {strides = array<i32>} : memref<3x1024xf32, #tpu.memory_space<vmem>>, vector<1x16xf32>,
    %swap3A_457 = vector.shape_cast %swap3A_456 : vector<1x16xf32> to vector<16xf32>
    %swap3A_458 = vector.shape_cast %mul3A_452 : vector<16xf32> to vector<1x16xf32>
    tpu.vector_store %arg5[%swap3A_454, %swap3A_455], %swap3A_458 {strides = array<i32>} : memref<3x1024xf32, #tpu.memory_space<vmem>>, vector<1x16xf32>,
    %swap3A_459 = arith.constant 1 : i32
    %swap3A_460 = arith.index_cast %swap3A_459 : i32 to index
    %swap3A_461 = arith.constant 288 : index
    %swap3A_462 = tpu.vector_load %arg5[%swap3A_460, %swap3A_461] {strides = array<i32>} : memref<3x1024xf32, #tpu.memory_space<vmem>>, vector<1x16xf32>,
    %swap3A_463 = vector.shape_cast %swap3A_462 : vector<1x16xf32> to vector<16xf32>
    %swap3A_464 = vector.shape_cast %mul3A_452 : vector<16xf32> to vector<1x16xf32>
    tpu.vector_store %arg5[%swap3A_460, %swap3A_461], %swap3A_464 {strides = array<i32>} : memref<3x1024xf32, #tpu.memory_space<vmem>>, vector<1x16xf32>,
    %swap3A_465 = arith.constant 2 : i32
    %swap3A_466 = arith.index_cast %swap3A_465 : i32 to index
    %swap3A_467 = arith.constant 288 : index
    %swap3A_468 = tpu.vector_load %arg5[%swap3A_466, %swap3A_467] {strides = array<i32>} : memref<3x1024xf32, #tpu.memory_space<vmem>>, vector<1x16xf32>,
    %swap3A_469 = vector.shape_cast %swap3A_468 : vector<1x16xf32> to vector<16xf32>
    %swap3A_470 = vector.shape_cast %mul3A_452 : vector<16xf32> to vector<1x16xf32>
    tpu.vector_store %arg5[%swap3A_466, %swap3A_467], %swap3A_470 {strides = array<i32>} : memref<3x1024xf32, #tpu.memory_space<vmem>>, vector<1x16xf32>,
    %get3A_471 = arith.constant 304 : index
    %get3A_472 = tpu.vector_load %arg4[%get3A_471] {strides = array<i32>} : memref<1024xf32, #tpu.memory_space<vmem>>, vector<16xf32>,
    %get3A_473 = vector.shape_cast %get3A_472 : vector<16xf32> to vector<16xf32>
    %mul3A_474 = arith.constant -1.000000e+06 : f32
    %mul3A_475 = vector.broadcast %mul3A_474 : f32 to vector<16xf32>
    %mul3A_476 = arith.mulf %get3A_473, %mul3A_475 : vector<16xf32>
    %swap3A_477 = arith.constant 0 : i32
    %swap3A_478 = arith.index_cast %swap3A_477 : i32 to index
    %swap3A_479 = arith.constant 304 : index
    %swap3A_480 = tpu.vector_load %arg5[%swap3A_478, %swap3A_479] {strides = array<i32>} : memref<3x1024xf32, #tpu.memory_space<vmem>>, vector<1x16xf32>,
    %swap3A_481 = vector.shape_cast %swap3A_480 : vector<1x16xf32> to vector<16xf32>
    %swap3A_482 = vector.shape_cast %mul3A_476 : vector<16xf32> to vector<1x16xf32>
    tpu.vector_store %arg5[%swap3A_478, %swap3A_479], %swap3A_482 {strides = array<i32>} : memref<3x1024xf32, #tpu.memory_space<vmem>>, vector<1x16xf32>,
    %swap3A_483 = arith.constant 1 : i32
    %swap3A_484 = arith.index_cast %swap3A_483 : i32 to index
    %swap3A_485 = arith.constant 304 : index
    %swap3A_486 = tpu.vector_load %arg5[%swap3A_484, %swap3A_485] {strides = array<i32>} : memref<3x1024xf32, #tpu.memory_space<vmem>>, vector<1x16xf32>,
    %swap3A_487 = vector.shape_cast %swap3A_486 : vector<1x16xf32> to vector<16xf32>
    %swap3A_488 = vector.shape_cast %mul3A_476 : vector<16xf32> to vector<1x16xf32>
    tpu.vector_store %arg5[%swap3A_484, %swap3A_485], %swap3A_488 {strides = array<i32>} : memref<3x1024xf32, #tpu.memory_space<vmem>>, vector<1x16xf32>,
    %swap3A_489 = arith.constant 2 : i32
    %swap3A_490 = arith.index_cast %swap3A_489 : i32 to index
    %swap3A_491 = arith.constant 304 : index
    %swap3A_492 = tpu.vector_load %arg5[%swap3A_490, %swap3A_491] {strides = array<i32>} : memref<3x1024xf32, #tpu.memory_space<vmem>>, vector<1x16xf32>,
    %swap3A_493 = vector.shape_cast %swap3A_492 : vector<1x16xf32> to vector<16xf32>
    %swap3A_494 = vector.shape_cast %mul3A_476 : vector<16xf32> to vector<1x16xf32>
    tpu.vector_store %arg5[%swap3A_490, %swap3A_491], %swap3A_494 {strides = array<i32>} : memref<3x1024xf32, #tpu.memory_space<vmem>>, vector<1x16xf32>,
    %get3A_495 = arith.constant 320 : index
    %get3A_496 = tpu.vector_load %arg4[%get3A_495] {strides = array<i32>} : memref<1024xf32, #tpu.memory_space<vmem>>, vector<16xf32>,
    %get3A_497 = vector.shape_cast %get3A_496 : vector<16xf32> to vector<16xf32>
    %mul3A_498 = arith.constant -1.000000e+06 : f32
    %mul3A_499 = vector.broadcast %mul3A_498 : f32 to vector<16xf32>
    %mul3A_500 = arith.mulf %get3A_497, %mul3A_499 : vector<16xf32>
    %swap3A_501 = arith.constant 0 : i32
    %swap3A_502 = arith.index_cast %swap3A_501 : i32 to index
    %swap3A_503 = arith.constant 320 : index
    %swap3A_504 = tpu.vector_load %arg5[%swap3A_502, %swap3A_503] {strides = array<i32>} : memref<3x1024xf32, #tpu.memory_space<vmem>>, vector<1x16xf32>,
    %swap3A_505 = vector.shape_cast %swap3A_504 : vector<1x16xf32> to vector<16xf32>
    %swap3A_506 = vector.shape_cast %mul3A_500 : vector<16xf32> to vector<1x16xf32>
    tpu.vector_store %arg5[%swap3A_502, %swap3A_503], %swap3A_506 {strides = array<i32>} : memref<3x1024xf32, #tpu.memory_space<vmem>>, vector<1x16xf32>,
    %swap3A_507 = arith.constant 1 : i32
    %swap3A_508 = arith.index_cast %swap3A_507 : i32 to index
    %swap3A_509 = arith.constant 320 : index
    %swap3A_510 = tpu.vector_load %arg5[%swap3A_508, %swap3A_509] {strides = array<i32>} : memref<3x1024xf32, #tpu.memory_space<vmem>>, vector<1x16xf32>,
    %swap3A_511 = vector.shape_cast %swap3A_510 : vector<1x16xf32> to vector<16xf32>
    %swap3A_512 = vector.shape_cast %mul3A_500 : vector<16xf32> to vector<1x16xf32>
    tpu.vector_store %arg5[%swap3A_508, %swap3A_509], %swap3A_512 {strides = array<i32>} : memref<3x1024xf32, #tpu.memory_space<vmem>>, vector<1x16xf32>,
    %swap3A_513 = arith.constant 2 : i32
    %swap3A_514 = arith.index_cast %swap3A_513 : i32 to index
    %swap3A_515 = arith.constant 320 : index
    %swap3A_516 = tpu.vector_load %arg5[%swap3A_514, %swap3A_515] {strides = array<i32>} : memref<3x1024xf32, #tpu.memory_space<vmem>>, vector<1x16xf32>,
    %swap3A_517 = vector.shape_cast %swap3A_516 : vector<1x16xf32> to vector<16xf32>
    %swap3A_518 = vector.shape_cast %mul3A_500 : vector<16xf32> to vector<1x16xf32>
    tpu.vector_store %arg5[%swap3A_514, %swap3A_515], %swap3A_518 {strides = array<i32>} : memref<3x1024xf32, #tpu.memory_space<vmem>>, vector<1x16xf32>,
    %get3A_519 = arith.constant 336 : index
    %get3A_520 = tpu.vector_load %arg4[%get3A_519] {strides = array<i32>} : memref<1024xf32, #tpu.memory_space<vmem>>, vector<16xf32>,
    %get3A_521 = vector.shape_cast %get3A_520 : vector<16xf32> to vector<16xf32>
    %mul3A_522 = arith.constant -1.000000e+06 : f32
    %mul3A_523 = vector.broadcast %mul3A_522 : f32 to vector<16xf32>
    %mul3A_524 = arith.mulf %get3A_521, %mul3A_523 : vector<16xf32>
    %swap3A_525 = arith.constant 0 : i32
    %swap3A_526 = arith.index_cast %swap3A_525 : i32 to index
    %swap3A_527 = arith.constant 336 : index
    %swap3A_528 = tpu.vector_load %arg5[%swap3A_526, %swap3A_527] {strides = array<i32>} : memref<3x1024xf32, #tpu.memory_space<vmem>>, vector<1x16xf32>,
    %swap3A_529 = vector.shape_cast %swap3A_528 : vector<1x16xf32> to vector<16xf32>
    %swap3A_530 = vector.shape_cast %mul3A_524 : vector<16xf32> to vector<1x16xf32>
    tpu.vector_store %arg5[%swap3A_526, %swap3A_527], %swap3A_530 {strides = array<i32>} : memref<3x1024xf32, #tpu.memory_space<vmem>>, vector<1x16xf32>,
    %swap3A_531 = arith.constant 1 : i32
    %swap3A_532 = arith.index_cast %swap3A_531 : i32 to index
    %swap3A_533 = arith.constant 336 : index
    %swap3A_534 = tpu.vector_load %arg5[%swap3A_532, %swap3A_533] {strides = array<i32>} : memref<3x1024xf32, #tpu.memory_space<vmem>>, vector<1x16xf32>,
    %swap3A_535 = vector.shape_cast %swap3A_534 : vector<1x16xf32> to vector<16xf32>
    %swap3A_536 = vector.shape_cast %mul3A_524 : vector<16xf32> to vector<1x16xf32>
    tpu.vector_store %arg5[%swap3A_532, %swap3A_533], %swap3A_536 {strides = array<i32>} : memref<3x1024xf32, #tpu.memory_space<vmem>>, vector<1x16xf32>,
    %swap3A_537 = arith.constant 2 : i32
    %swap3A_538 = arith.index_cast %swap3A_537 : i32 to index
    %swap3A_539 = arith.constant 336 : index
    %swap3A_540 = tpu.vector_load %arg5[%swap3A_538, %swap3A_539] {strides = array<i32>} : memref<3x1024xf32, #tpu.memory_space<vmem>>, vector<1x16xf32>,
    %swap3A_541 = vector.shape_cast %swap3A_540 : vector<1x16xf32> to vector<16xf32>
    %swap3A_542 = vector.shape_cast %mul3A_524 : vector<16xf32> to vector<1x16xf32>
    tpu.vector_store %arg5[%swap3A_538, %swap3A_539], %swap3A_542 {strides = array<i32>} : memref<3x1024xf32, #tpu.memory_space<vmem>>, vector<1x16xf32>,
    %get3A_543 = arith.constant 352 : index
    %get3A_544 = tpu.vector_load %arg4[%get3A_543] {strides = array<i32>} : memref<1024xf32, #tpu.memory_space<vmem>>, vector<16xf32>,
    %get3A_545 = vector.shape_cast %get3A_544 : vector<16xf32> to vector<16xf32>
    %mul3A_546 = arith.constant -1.000000e+06 : f32
    %mul3A_547 = vector.broadcast %mul3A_546 : f32 to vector<16xf32>
    %mul3A_548 = arith.mulf %get3A_545, %mul3A_547 : vector<16xf32>
    %swap3A_549 = arith.constant 0 : i32
    %swap3A_550 = arith.index_cast %swap3A_549 : i32 to index
    %swap3A_551 = arith.constant 352 : index
    %swap3A_552 = tpu.vector_load %arg5[%swap3A_550, %swap3A_551] {strides = array<i32>} : memref<3x1024xf32, #tpu.memory_space<vmem>>, vector<1x16xf32>,
    %swap3A_553 = vector.shape_cast %swap3A_552 : vector<1x16xf32> to vector<16xf32>
    %swap3A_554 = vector.shape_cast %mul3A_548 : vector<16xf32> to vector<1x16xf32>
    tpu.vector_store %arg5[%swap3A_550, %swap3A_551], %swap3A_554 {strides = array<i32>} : memref<3x1024xf32, #tpu.memory_space<vmem>>, vector<1x16xf32>,
    %swap3A_555 = arith.constant 1 : i32
    %swap3A_556 = arith.index_cast %swap3A_555 : i32 to index
    %swap3A_557 = arith.constant 352 : index
    %swap3A_558 = tpu.vector_load %arg5[%swap3A_556, %swap3A_557] {strides = array<i32>} : memref<3x1024xf32, #tpu.memory_space<vmem>>, vector<1x16xf32>,
    %swap3A_559 = vector.shape_cast %swap3A_558 : vector<1x16xf32> to vector<16xf32>
    %swap3A_560 = vector.shape_cast %mul3A_548 : vector<16xf32> to vector<1x16xf32>
    tpu.vector_store %arg5[%swap3A_556, %swap3A_557], %swap3A_560 {strides = array<i32>} : memref<3x1024xf32, #tpu.memory_space<vmem>>, vector<1x16xf32>,
    %swap3A_561 = arith.constant 2 : i32
    %swap3A_562 = arith.index_cast %swap3A_561 : i32 to index
    %swap3A_563 = arith.constant 352 : index
    %swap3A_564 = tpu.vector_load %arg5[%swap3A_562, %swap3A_563] {strides = array<i32>} : memref<3x1024xf32, #tpu.memory_space<vmem>>, vector<1x16xf32>,
    %swap3A_565 = vector.shape_cast %swap3A_564 : vector<1x16xf32> to vector<16xf32>
    %swap3A_566 = vector.shape_cast %mul3A_548 : vector<16xf32> to vector<1x16xf32>
    tpu.vector_store %arg5[%swap3A_562, %swap3A_563], %swap3A_566 {strides = array<i32>} : memref<3x1024xf32, #tpu.memory_space<vmem>>, vector<1x16xf32>,
    %get3A_567 = arith.constant 368 : index
    %get3A_568 = tpu.vector_load %arg4[%get3A_567] {strides = array<i32>} : memref<1024xf32, #tpu.memory_space<vmem>>, vector<16xf32>,
    %get3A_569 = vector.shape_cast %get3A_568 : vector<16xf32> to vector<16xf32>
    %mul3A_570 = arith.constant -1.000000e+06 : f32
    %mul3A_571 = vector.broadcast %mul3A_570 : f32 to vector<16xf32>
    %mul3A_572 = arith.mulf %get3A_569, %mul3A_571 : vector<16xf32>
    %swap3A_573 = arith.constant 0 : i32
    %swap3A_574 = arith.index_cast %swap3A_573 : i32 to index
    %swap3A_575 = arith.constant 368 : index
    %swap3A_576 = tpu.vector_load %arg5[%swap3A_574, %swap3A_575] {strides = array<i32>} : memref<3x1024xf32, #tpu.memory_space<vmem>>, vector<1x16xf32>,
    %swap3A_577 = vector.shape_cast %swap3A_576 : vector<1x16xf32> to vector<16xf32>
    %swap3A_578 = vector.shape_cast %mul3A_572 : vector<16xf32> to vector<1x16xf32>
    tpu.vector_store %arg5[%swap3A_574, %swap3A_575], %swap3A_578 {strides = array<i32>} : memref<3x1024xf32, #tpu.memory_space<vmem>>, vector<1x16xf32>,
    %swap3A_579 = arith.constant 1 : i32
    %swap3A_580 = arith.index_cast %swap3A_579 : i32 to index
    %swap3A_581 = arith.constant 368 : index
    %swap3A_582 = tpu.vector_load %arg5[%swap3A_580, %swap3A_581] {strides = array<i32>} : memref<3x1024xf32, #tpu.memory_space<vmem>>, vector<1x16xf32>,
    %swap3A_583 = vector.shape_cast %swap3A_582 : vector<1x16xf32> to vector<16xf32>
    %swap3A_584 = vector.shape_cast %mul3A_572 : vector<16xf32> to vector<1x16xf32>
    tpu.vector_store %arg5[%swap3A_580, %swap3A_581], %swap3A_584 {strides = array<i32>} : memref<3x1024xf32, #tpu.memory_space<vmem>>, vector<1x16xf32>,
    %swap3A_585 = arith.constant 2 : i32
    %swap3A_586 = arith.index_cast %swap3A_585 : i32 to index
    %swap3A_587 = arith.constant 368 : index
    %swap3A_588 = tpu.vector_load %arg5[%swap3A_586, %swap3A_587] {strides = array<i32>} : memref<3x1024xf32, #tpu.memory_space<vmem>>, vector<1x16xf32>,
    %swap3A_589 = vector.shape_cast %swap3A_588 : vector<1x16xf32> to vector<16xf32>
    %swap3A_590 = vector.shape_cast %mul3A_572 : vector<16xf32> to vector<1x16xf32>
    tpu.vector_store %arg5[%swap3A_586, %swap3A_587], %swap3A_590 {strides = array<i32>} : memref<3x1024xf32, #tpu.memory_space<vmem>>, vector<1x16xf32>,
    %get3A_591 = arith.constant 384 : index
    %get3A_592 = tpu.vector_load %arg4[%get3A_591] {strides = array<i32>} : memref<1024xf32, #tpu.memory_space<vmem>>, vector<16xf32>,
    %get3A_593 = vector.shape_cast %get3A_592 : vector<16xf32> to vector<16xf32>
    %mul3A_594 = arith.constant -1.000000e+06 : f32
    %mul3A_595 = vector.broadcast %mul3A_594 : f32 to vector<16xf32>
    %mul3A_596 = arith.mulf %get3A_593, %mul3A_595 : vector<16xf32>
    %swap3A_597 = arith.constant 0 : i32
    %swap3A_598 = arith.index_cast %swap3A_597 : i32 to index
    %swap3A_599 = arith.constant 384 : index
    %swap3A_600 = tpu.vector_load %arg5[%swap3A_598, %swap3A_599] {strides = array<i32>} : memref<3x1024xf32, #tpu.memory_space<vmem>>, vector<1x16xf32>,
    %swap3A_601 = vector.shape_cast %swap3A_600 : vector<1x16xf32> to vector<16xf32>
    %swap3A_602 = vector.shape_cast %mul3A_596 : vector<16xf32> to vector<1x16xf32>
    tpu.vector_store %arg5[%swap3A_598, %swap3A_599], %swap3A_602 {strides = array<i32>} : memref<3x1024xf32, #tpu.memory_space<vmem>>, vector<1x16xf32>,
    %swap3A_603 = arith.constant 1 : i32
    %swap3A_604 = arith.index_cast %swap3A_603 : i32 to index
    %swap3A_605 = arith.constant 384 : index
    %swap3A_606 = tpu.vector_load %arg5[%swap3A_604, %swap3A_605] {strides = array<i32>} : memref<3x1024xf32, #tpu.memory_space<vmem>>, vector<1x16xf32>,
    %swap3A_607 = vector.shape_cast %swap3A_606 : vector<1x16xf32> to vector<16xf32>
    %swap3A_608 = vector.shape_cast %mul3A_596 : vector<16xf32> to vector<1x16xf32>
    tpu.vector_store %arg5[%swap3A_604, %swap3A_605], %swap3A_608 {strides = array<i32>} : memref<3x1024xf32, #tpu.memory_space<vmem>>, vector<1x16xf32>,
    %swap3A_609 = arith.constant 2 : i32
    %swap3A_610 = arith.index_cast %swap3A_609 : i32 to index
    %swap3A_611 = arith.constant 384 : index
    %swap3A_612 = tpu.vector_load %arg5[%swap3A_610, %swap3A_611] {strides = array<i32>} : memref<3x1024xf32, #tpu.memory_space<vmem>>, vector<1x16xf32>,
    %swap3A_613 = vector.shape_cast %swap3A_612 : vector<1x16xf32> to vector<16xf32>
    %swap3A_614 = vector.shape_cast %mul3A_596 : vector<16xf32> to vector<1x16xf32>
    tpu.vector_store %arg5[%swap3A_610, %swap3A_611], %swap3A_614 {strides = array<i32>} : memref<3x1024xf32, #tpu.memory_space<vmem>>, vector<1x16xf32>,
    %get3A_615 = arith.constant 400 : index
    %get3A_616 = tpu.vector_load %arg4[%get3A_615] {strides = array<i32>} : memref<1024xf32, #tpu.memory_space<vmem>>, vector<16xf32>,
    %get3A_617 = vector.shape_cast %get3A_616 : vector<16xf32> to vector<16xf32>
    %mul3A_618 = arith.constant -1.000000e+06 : f32
    %mul3A_619 = vector.broadcast %mul3A_618 : f32 to vector<16xf32>
    %mul3A_620 = arith.mulf %get3A_617, %mul3A_619 : vector<16xf32>
    %swap3A_621 = arith.constant 0 : i32
    %swap3A_622 = arith.index_cast %swap3A_621 : i32 to index
    %swap3A_623 = arith.constant 400 : index
    %swap3A_624 = tpu.vector_load %arg5[%swap3A_622, %swap3A_623] {strides = array<i32>} : memref<3x1024xf32, #tpu.memory_space<vmem>>, vector<1x16xf32>,
    %swap3A_625 = vector.shape_cast %swap3A_624 : vector<1x16xf32> to vector<16xf32>
    %swap3A_626 = vector.shape_cast %mul3A_620 : vector<16xf32> to vector<1x16xf32>
    tpu.vector_store %arg5[%swap3A_622, %swap3A_623], %swap3A_626 {strides = array<i32>} : memref<3x1024xf32, #tpu.memory_space<vmem>>, vector<1x16xf32>,
    %swap3A_627 = arith.constant 1 : i32
    %swap3A_628 = arith.index_cast %swap3A_627 : i32 to index
    %swap3A_629 = arith.constant 400 : index
    %swap3A_630 = tpu.vector_load %arg5[%swap3A_628, %swap3A_629] {strides = array<i32>} : memref<3x1024xf32, #tpu.memory_space<vmem>>, vector<1x16xf32>,
    %swap3A_631 = vector.shape_cast %swap3A_630 : vector<1x16xf32> to vector<16xf32>
    %swap3A_632 = vector.shape_cast %mul3A_620 : vector<16xf32> to vector<1x16xf32>
    tpu.vector_store %arg5[%swap3A_628, %swap3A_629], %swap3A_632 {strides = array<i32>} : memref<3x1024xf32, #tpu.memory_space<vmem>>, vector<1x16xf32>,
    %swap3A_633 = arith.constant 2 : i32
    %swap3A_634 = arith.index_cast %swap3A_633 : i32 to index
    %swap3A_635 = arith.constant 400 : index
    %swap3A_636 = tpu.vector_load %arg5[%swap3A_634, %swap3A_635] {strides = array<i32>} : memref<3x1024xf32, #tpu.memory_space<vmem>>, vector<1x16xf32>,
    %swap3A_637 = vector.shape_cast %swap3A_636 : vector<1x16xf32> to vector<16xf32>
    %swap3A_638 = vector.shape_cast %mul3A_620 : vector<16xf32> to vector<1x16xf32>
    tpu.vector_store %arg5[%swap3A_634, %swap3A_635], %swap3A_638 {strides = array<i32>} : memref<3x1024xf32, #tpu.memory_space<vmem>>, vector<1x16xf32>,
    %get3A_639 = arith.constant 416 : index
    %get3A_640 = tpu.vector_load %arg4[%get3A_639] {strides = array<i32>} : memref<1024xf32, #tpu.memory_space<vmem>>, vector<16xf32>,
    %get3A_641 = vector.shape_cast %get3A_640 : vector<16xf32> to vector<16xf32>
    %mul3A_642 = arith.constant -1.000000e+06 : f32
    %mul3A_643 = vector.broadcast %mul3A_642 : f32 to vector<16xf32>
    %mul3A_644 = arith.mulf %get3A_641, %mul3A_643 : vector<16xf32>
    %swap3A_645 = arith.constant 0 : i32
    %swap3A_646 = arith.index_cast %swap3A_645 : i32 to index
    %swap3A_647 = arith.constant 416 : index
    %swap3A_648 = tpu.vector_load %arg5[%swap3A_646, %swap3A_647] {strides = array<i32>} : memref<3x1024xf32, #tpu.memory_space<vmem>>, vector<1x16xf32>,
    %swap3A_649 = vector.shape_cast %swap3A_648 : vector<1x16xf32> to vector<16xf32>
    %swap3A_650 = vector.shape_cast %mul3A_644 : vector<16xf32> to vector<1x16xf32>
    tpu.vector_store %arg5[%swap3A_646, %swap3A_647], %swap3A_650 {strides = array<i32>} : memref<3x1024xf32, #tpu.memory_space<vmem>>, vector<1x16xf32>,
    %swap3A_651 = arith.constant 1 : i32
    %swap3A_652 = arith.index_cast %swap3A_651 : i32 to index
    %swap3A_653 = arith.constant 416 : index
    %swap3A_654 = tpu.vector_load %arg5[%swap3A_652, %swap3A_653] {strides = array<i32>} : memref<3x1024xf32, #tpu.memory_space<vmem>>, vector<1x16xf32>,
    %swap3A_655 = vector.shape_cast %swap3A_654 : vector<1x16xf32> to vector<16xf32>
    %swap3A_656 = vector.shape_cast %mul3A_644 : vector<16xf32> to vector<1x16xf32>
    tpu.vector_store %arg5[%swap3A_652, %swap3A_653], %swap3A_656 {strides = array<i32>} : memref<3x1024xf32, #tpu.memory_space<vmem>>, vector<1x16xf32>,
    %swap3A_657 = arith.constant 2 : i32
    %swap3A_658 = arith.index_cast %swap3A_657 : i32 to index
    %swap3A_659 = arith.constant 416 : index
    %swap3A_660 = tpu.vector_load %arg5[%swap3A_658, %swap3A_659] {strides = array<i32>} : memref<3x1024xf32, #tpu.memory_space<vmem>>, vector<1x16xf32>,
    %swap3A_661 = vector.shape_cast %swap3A_660 : vector<1x16xf32> to vector<16xf32>
    %swap3A_662 = vector.shape_cast %mul3A_644 : vector<16xf32> to vector<1x16xf32>
    tpu.vector_store %arg5[%swap3A_658, %swap3A_659], %swap3A_662 {strides = array<i32>} : memref<3x1024xf32, #tpu.memory_space<vmem>>, vector<1x16xf32>,
    %get3A_663 = arith.constant 432 : index
    %get3A_664 = tpu.vector_load %arg4[%get3A_663] {strides = array<i32>} : memref<1024xf32, #tpu.memory_space<vmem>>, vector<16xf32>,
    %get3A_665 = vector.shape_cast %get3A_664 : vector<16xf32> to vector<16xf32>
    %mul3A_666 = arith.constant -1.000000e+06 : f32
    %mul3A_667 = vector.broadcast %mul3A_666 : f32 to vector<16xf32>
    %mul3A_668 = arith.mulf %get3A_665, %mul3A_667 : vector<16xf32>
    %swap3A_669 = arith.constant 0 : i32
    %swap3A_670 = arith.index_cast %swap3A_669 : i32 to index
    %swap3A_671 = arith.constant 432 : index
    %swap3A_672 = tpu.vector_load %arg5[%swap3A_670, %swap3A_671] {strides = array<i32>} : memref<3x1024xf32, #tpu.memory_space<vmem>>, vector<1x16xf32>,
    %swap3A_673 = vector.shape_cast %swap3A_672 : vector<1x16xf32> to vector<16xf32>
    %swap3A_674 = vector.shape_cast %mul3A_668 : vector<16xf32> to vector<1x16xf32>
    tpu.vector_store %arg5[%swap3A_670, %swap3A_671], %swap3A_674 {strides = array<i32>} : memref<3x1024xf32, #tpu.memory_space<vmem>>, vector<1x16xf32>,
    %swap3A_675 = arith.constant 1 : i32
    %swap3A_676 = arith.index_cast %swap3A_675 : i32 to index
    %swap3A_677 = arith.constant 432 : index
    %swap3A_678 = tpu.vector_load %arg5[%swap3A_676, %swap3A_677] {strides = array<i32>} : memref<3x1024xf32, #tpu.memory_space<vmem>>, vector<1x16xf32>,
    %swap3A_679 = vector.shape_cast %swap3A_678 : vector<1x16xf32> to vector<16xf32>
    %swap3A_680 = vector.shape_cast %mul3A_668 : vector<16xf32> to vector<1x16xf32>
    tpu.vector_store %arg5[%swap3A_676, %swap3A_677], %swap3A_680 {strides = array<i32>} : memref<3x1024xf32, #tpu.memory_space<vmem>>, vector<1x16xf32>,
    %swap3A_681 = arith.constant 2 : i32
    %swap3A_682 = arith.index_cast %swap3A_681 : i32 to index
    %swap3A_683 = arith.constant 432 : index
    %swap3A_684 = tpu.vector_load %arg5[%swap3A_682, %swap3A_683] {strides = array<i32>} : memref<3x1024xf32, #tpu.memory_space<vmem>>, vector<1x16xf32>,
    %swap3A_685 = vector.shape_cast %swap3A_684 : vector<1x16xf32> to vector<16xf32>
    %swap3A_686 = vector.shape_cast %mul3A_668 : vector<16xf32> to vector<1x16xf32>
    tpu.vector_store %arg5[%swap3A_682, %swap3A_683], %swap3A_686 {strides = array<i32>} : memref<3x1024xf32, #tpu.memory_space<vmem>>, vector<1x16xf32>,
    %get3A_687 = arith.constant 448 : index
    %get3A_688 = tpu.vector_load %arg4[%get3A_687] {strides = array<i32>} : memref<1024xf32, #tpu.memory_space<vmem>>, vector<16xf32>,
    %get3A_689 = vector.shape_cast %get3A_688 : vector<16xf32> to vector<16xf32>
    %mul3A_690 = arith.constant -1.000000e+06 : f32
    %mul3A_691 = vector.broadcast %mul3A_690 : f32 to vector<16xf32>
    %mul3A_692 = arith.mulf %get3A_689, %mul3A_691 : vector<16xf32>
    %swap3A_693 = arith.constant 0 : i32
    %swap3A_694 = arith.index_cast %swap3A_693 : i32 to index
    %swap3A_695 = arith.constant 448 : index
    %swap3A_696 = tpu.vector_load %arg5[%swap3A_694, %swap3A_695] {strides = array<i32>} : memref<3x1024xf32, #tpu.memory_space<vmem>>, vector<1x16xf32>,
    %swap3A_697 = vector.shape_cast %swap3A_696 : vector<1x16xf32> to vector<16xf32>
    %swap3A_698 = vector.shape_cast %mul3A_692 : vector<16xf32> to vector<1x16xf32>
    tpu.vector_store %arg5[%swap3A_694, %swap3A_695], %swap3A_698 {strides = array<i32>} : memref<3x1024xf32, #tpu.memory_space<vmem>>, vector<1x16xf32>,
    %swap3A_699 = arith.constant 1 : i32
    %swap3A_700 = arith.index_cast %swap3A_699 : i32 to index
    %swap3A_701 = arith.constant 448 : index
    %swap3A_702 = tpu.vector_load %arg5[%swap3A_700, %swap3A_701] {strides = array<i32>} : memref<3x1024xf32, #tpu.memory_space<vmem>>, vector<1x16xf32>,
    %swap3A_703 = vector.shape_cast %swap3A_702 : vector<1x16xf32> to vector<16xf32>
    %swap3A_704 = vector.shape_cast %mul3A_692 : vector<16xf32> to vector<1x16xf32>
    tpu.vector_store %arg5[%swap3A_700, %swap3A_701], %swap3A_704 {strides = array<i32>} : memref<3x1024xf32, #tpu.memory_space<vmem>>, vector<1x16xf32>,
    %swap3A_705 = arith.constant 2 : i32
    %swap3A_706 = arith.index_cast %swap3A_705 : i32 to index
    %swap3A_707 = arith.constant 448 : index
    %swap3A_708 = tpu.vector_load %arg5[%swap3A_706, %swap3A_707] {strides = array<i32>} : memref<3x1024xf32, #tpu.memory_space<vmem>>, vector<1x16xf32>,
    %swap3A_709 = vector.shape_cast %swap3A_708 : vector<1x16xf32> to vector<16xf32>
    %swap3A_710 = vector.shape_cast %mul3A_692 : vector<16xf32> to vector<1x16xf32>
    tpu.vector_store %arg5[%swap3A_706, %swap3A_707], %swap3A_710 {strides = array<i32>} : memref<3x1024xf32, #tpu.memory_space<vmem>>, vector<1x16xf32>,
    %get3A_711 = arith.constant 464 : index
    %get3A_712 = tpu.vector_load %arg4[%get3A_711] {strides = array<i32>} : memref<1024xf32, #tpu.memory_space<vmem>>, vector<16xf32>,
    %get3A_713 = vector.shape_cast %get3A_712 : vector<16xf32> to vector<16xf32>
    %mul3A_714 = arith.constant -1.000000e+06 : f32
    %mul3A_715 = vector.broadcast %mul3A_714 : f32 to vector<16xf32>
    %mul3A_716 = arith.mulf %get3A_713, %mul3A_715 : vector<16xf32>
    %swap3A_717 = arith.constant 0 : i32
    %swap3A_718 = arith.index_cast %swap3A_717 : i32 to index
    %swap3A_719 = arith.constant 464 : index
    %swap3A_720 = tpu.vector_load %arg5[%swap3A_718, %swap3A_719] {strides = array<i32>} : memref<3x1024xf32, #tpu.memory_space<vmem>>, vector<1x16xf32>,
    %swap3A_721 = vector.shape_cast %swap3A_720 : vector<1x16xf32> to vector<16xf32>
    %swap3A_722 = vector.shape_cast %mul3A_716 : vector<16xf32> to vector<1x16xf32>
    tpu.vector_store %arg5[%swap3A_718, %swap3A_719], %swap3A_722 {strides = array<i32>} : memref<3x1024xf32, #tpu.memory_space<vmem>>, vector<1x16xf32>,
    %swap3A_723 = arith.constant 1 : i32
    %swap3A_724 = arith.index_cast %swap3A_723 : i32 to index
    %swap3A_725 = arith.constant 464 : index
    %swap3A_726 = tpu.vector_load %arg5[%swap3A_724, %swap3A_725] {strides = array<i32>} : memref<3x1024xf32, #tpu.memory_space<vmem>>, vector<1x16xf32>,
    %swap3A_727 = vector.shape_cast %swap3A_726 : vector<1x16xf32> to vector<16xf32>
    %swap3A_728 = vector.shape_cast %mul3A_716 : vector<16xf32> to vector<1x16xf32>
    tpu.vector_store %arg5[%swap3A_724, %swap3A_725], %swap3A_728 {strides = array<i32>} : memref<3x1024xf32, #tpu.memory_space<vmem>>, vector<1x16xf32>,
    %swap3A_729 = arith.constant 2 : i32
    %swap3A_730 = arith.index_cast %swap3A_729 : i32 to index
    %swap3A_731 = arith.constant 464 : index
    %swap3A_732 = tpu.vector_load %arg5[%swap3A_730, %swap3A_731] {strides = array<i32>} : memref<3x1024xf32, #tpu.memory_space<vmem>>, vector<1x16xf32>,
    %swap3A_733 = vector.shape_cast %swap3A_732 : vector<1x16xf32> to vector<16xf32>
    %swap3A_734 = vector.shape_cast %mul3A_716 : vector<16xf32> to vector<1x16xf32>
    tpu.vector_store %arg5[%swap3A_730, %swap3A_731], %swap3A_734 {strides = array<i32>} : memref<3x1024xf32, #tpu.memory_space<vmem>>, vector<1x16xf32>,
    %get3A_735 = arith.constant 480 : index
    %get3A_736 = tpu.vector_load %arg4[%get3A_735] {strides = array<i32>} : memref<1024xf32, #tpu.memory_space<vmem>>, vector<16xf32>,
    %get3A_737 = vector.shape_cast %get3A_736 : vector<16xf32> to vector<16xf32>
    %mul3A_738 = arith.constant -1.000000e+06 : f32
    %mul3A_739 = vector.broadcast %mul3A_738 : f32 to vector<16xf32>
    %mul3A_740 = arith.mulf %get3A_737, %mul3A_739 : vector<16xf32>
    %swap3A_741 = arith.constant 0 : i32
    %swap3A_742 = arith.index_cast %swap3A_741 : i32 to index
    %swap3A_743 = arith.constant 480 : index
    %swap3A_744 = tpu.vector_load %arg5[%swap3A_742, %swap3A_743] {strides = array<i32>} : memref<3x1024xf32, #tpu.memory_space<vmem>>, vector<1x16xf32>,
    %swap3A_745 = vector.shape_cast %swap3A_744 : vector<1x16xf32> to vector<16xf32>
    %swap3A_746 = vector.shape_cast %mul3A_740 : vector<16xf32> to vector<1x16xf32>
    tpu.vector_store %arg5[%swap3A_742, %swap3A_743], %swap3A_746 {strides = array<i32>} : memref<3x1024xf32, #tpu.memory_space<vmem>>, vector<1x16xf32>,
    %swap3A_747 = arith.constant 1 : i32
    %swap3A_748 = arith.index_cast %swap3A_747 : i32 to index
    %swap3A_749 = arith.constant 480 : index
    %swap3A_750 = tpu.vector_load %arg5[%swap3A_748, %swap3A_749] {strides = array<i32>} : memref<3x1024xf32, #tpu.memory_space<vmem>>, vector<1x16xf32>,
    %swap3A_751 = vector.shape_cast %swap3A_750 : vector<1x16xf32> to vector<16xf32>
    %swap3A_752 = vector.shape_cast %mul3A_740 : vector<16xf32> to vector<1x16xf32>
    tpu.vector_store %arg5[%swap3A_748, %swap3A_749], %swap3A_752 {strides = array<i32>} : memref<3x1024xf32, #tpu.memory_space<vmem>>, vector<1x16xf32>,
    %swap3A_753 = arith.constant 2 : i32
    %swap3A_754 = arith.index_cast %swap3A_753 : i32 to index
    %swap3A_755 = arith.constant 480 : index
    %swap3A_756 = tpu.vector_load %arg5[%swap3A_754, %swap3A_755] {strides = array<i32>} : memref<3x1024xf32, #tpu.memory_space<vmem>>, vector<1x16xf32>,
    %swap3A_757 = vector.shape_cast %swap3A_756 : vector<1x16xf32> to vector<16xf32>
    %swap3A_758 = vector.shape_cast %mul3A_740 : vector<16xf32> to vector<1x16xf32>
    tpu.vector_store %arg5[%swap3A_754, %swap3A_755], %swap3A_758 {strides = array<i32>} : memref<3x1024xf32, #tpu.memory_space<vmem>>, vector<1x16xf32>,
    %get3A_759 = arith.constant 496 : index
    %get3A_760 = tpu.vector_load %arg4[%get3A_759] {strides = array<i32>} : memref<1024xf32, #tpu.memory_space<vmem>>, vector<16xf32>,
    %get3A_761 = vector.shape_cast %get3A_760 : vector<16xf32> to vector<16xf32>
    %mul3A_762 = arith.constant -1.000000e+06 : f32
    %mul3A_763 = vector.broadcast %mul3A_762 : f32 to vector<16xf32>
    %mul3A_764 = arith.mulf %get3A_761, %mul3A_763 : vector<16xf32>
    %swap3A_765 = arith.constant 0 : i32
    %swap3A_766 = arith.index_cast %swap3A_765 : i32 to index
    %swap3A_767 = arith.constant 496 : index
    %swap3A_768 = tpu.vector_load %arg5[%swap3A_766, %swap3A_767] {strides = array<i32>} : memref<3x1024xf32, #tpu.memory_space<vmem>>, vector<1x16xf32>,
    %swap3A_769 = vector.shape_cast %swap3A_768 : vector<1x16xf32> to vector<16xf32>
    %swap3A_770 = vector.shape_cast %mul3A_764 : vector<16xf32> to vector<1x16xf32>
    tpu.vector_store %arg5[%swap3A_766, %swap3A_767], %swap3A_770 {strides = array<i32>} : memref<3x1024xf32, #tpu.memory_space<vmem>>, vector<1x16xf32>,
    %swap3A_771 = arith.constant 1 : i32
    %swap3A_772 = arith.index_cast %swap3A_771 : i32 to index
    %swap3A_773 = arith.constant 496 : index
    %swap3A_774 = tpu.vector_load %arg5[%swap3A_772, %swap3A_773] {strides = array<i32>} : memref<3x1024xf32, #tpu.memory_space<vmem>>, vector<1x16xf32>,
    %swap3A_775 = vector.shape_cast %swap3A_774 : vector<1x16xf32> to vector<16xf32>
    %swap3A_776 = vector.shape_cast %mul3A_764 : vector<16xf32> to vector<1x16xf32>
    tpu.vector_store %arg5[%swap3A_772, %swap3A_773], %swap3A_776 {strides = array<i32>} : memref<3x1024xf32, #tpu.memory_space<vmem>>, vector<1x16xf32>,
    %swap3A_777 = arith.constant 2 : i32
    %swap3A_778 = arith.index_cast %swap3A_777 : i32 to index
    %swap3A_779 = arith.constant 496 : index
    %swap3A_780 = tpu.vector_load %arg5[%swap3A_778, %swap3A_779] {strides = array<i32>} : memref<3x1024xf32, #tpu.memory_space<vmem>>, vector<1x16xf32>,
    %swap3A_781 = vector.shape_cast %swap3A_780 : vector<1x16xf32> to vector<16xf32>
    %swap3A_782 = vector.shape_cast %mul3A_764 : vector<16xf32> to vector<1x16xf32>
    tpu.vector_store %arg5[%swap3A_778, %swap3A_779], %swap3A_782 {strides = array<i32>} : memref<3x1024xf32, #tpu.memory_space<vmem>>, vector<1x16xf32>,
    %get3A_783 = arith.constant 512 : index
    %get3A_784 = tpu.vector_load %arg4[%get3A_783] {strides = array<i32>} : memref<1024xf32, #tpu.memory_space<vmem>>, vector<16xf32>,
    %get3A_785 = vector.shape_cast %get3A_784 : vector<16xf32> to vector<16xf32>
    %mul3A_786 = arith.constant -1.000000e+06 : f32
    %mul3A_787 = vector.broadcast %mul3A_786 : f32 to vector<16xf32>
    %mul3A_788 = arith.mulf %get3A_785, %mul3A_787 : vector<16xf32>
    %swap3A_789 = arith.constant 0 : i32
    %swap3A_790 = arith.index_cast %swap3A_789 : i32 to index
    %swap3A_791 = arith.constant 512 : index
    %swap3A_792 = tpu.vector_load %arg5[%swap3A_790, %swap3A_791] {strides = array<i32>} : memref<3x1024xf32, #tpu.memory_space<vmem>>, vector<1x16xf32>,
    %swap3A_793 = vector.shape_cast %swap3A_792 : vector<1x16xf32> to vector<16xf32>
    %swap3A_794 = vector.shape_cast %mul3A_788 : vector<16xf32> to vector<1x16xf32>
    tpu.vector_store %arg5[%swap3A_790, %swap3A_791], %swap3A_794 {strides = array<i32>} : memref<3x1024xf32, #tpu.memory_space<vmem>>, vector<1x16xf32>,
    %swap3A_795 = arith.constant 1 : i32
    %swap3A_796 = arith.index_cast %swap3A_795 : i32 to index
    %swap3A_797 = arith.constant 512 : index
    %swap3A_798 = tpu.vector_load %arg5[%swap3A_796, %swap3A_797] {strides = array<i32>} : memref<3x1024xf32, #tpu.memory_space<vmem>>, vector<1x16xf32>,
    %swap3A_799 = vector.shape_cast %swap3A_798 : vector<1x16xf32> to vector<16xf32>
    %swap3A_800 = vector.shape_cast %mul3A_788 : vector<16xf32> to vector<1x16xf32>
    tpu.vector_store %arg5[%swap3A_796, %swap3A_797], %swap3A_800 {strides = array<i32>} : memref<3x1024xf32, #tpu.memory_space<vmem>>, vector<1x16xf32>,
    %swap3A_801 = arith.constant 2 : i32
    %swap3A_802 = arith.index_cast %swap3A_801 : i32 to index
    %swap3A_803 = arith.constant 512 : index
    %swap3A_804 = tpu.vector_load %arg5[%swap3A_802, %swap3A_803] {strides = array<i32>} : memref<3x1024xf32, #tpu.memory_space<vmem>>, vector<1x16xf32>,
    %swap3A_805 = vector.shape_cast %swap3A_804 : vector<1x16xf32> to vector<16xf32>
    %swap3A_806 = vector.shape_cast %mul3A_788 : vector<16xf32> to vector<1x16xf32>
    tpu.vector_store %arg5[%swap3A_802, %swap3A_803], %swap3A_806 {strides = array<i32>} : memref<3x1024xf32, #tpu.memory_space<vmem>>, vector<1x16xf32>,
    %get3A_807 = arith.constant 528 : index
    %get3A_808 = tpu.vector_load %arg4[%get3A_807] {strides = array<i32>} : memref<1024xf32, #tpu.memory_space<vmem>>, vector<16xf32>,
    %get3A_809 = vector.shape_cast %get3A_808 : vector<16xf32> to vector<16xf32>
    %mul3A_810 = arith.constant -1.000000e+06 : f32
    %mul3A_811 = vector.broadcast %mul3A_810 : f32 to vector<16xf32>
    %mul3A_812 = arith.mulf %get3A_809, %mul3A_811 : vector<16xf32>
    %swap3A_813 = arith.constant 0 : i32
    %swap3A_814 = arith.index_cast %swap3A_813 : i32 to index
    %swap3A_815 = arith.constant 528 : index
    %swap3A_816 = tpu.vector_load %arg5[%swap3A_814, %swap3A_815] {strides = array<i32>} : memref<3x1024xf32, #tpu.memory_space<vmem>>, vector<1x16xf32>,
    %swap3A_817 = vector.shape_cast %swap3A_816 : vector<1x16xf32> to vector<16xf32>
    %swap3A_818 = vector.shape_cast %mul3A_812 : vector<16xf32> to vector<1x16xf32>
    tpu.vector_store %arg5[%swap3A_814, %swap3A_815], %swap3A_818 {strides = array<i32>} : memref<3x1024xf32, #tpu.memory_space<vmem>>, vector<1x16xf32>,
    %swap3A_819 = arith.constant 1 : i32
    %swap3A_820 = arith.index_cast %swap3A_819 : i32 to index
    %swap3A_821 = arith.constant 528 : index
    %swap3A_822 = tpu.vector_load %arg5[%swap3A_820, %swap3A_821] {strides = array<i32>} : memref<3x1024xf32, #tpu.memory_space<vmem>>, vector<1x16xf32>,
    %swap3A_823 = vector.shape_cast %swap3A_822 : vector<1x16xf32> to vector<16xf32>
    %swap3A_824 = vector.shape_cast %mul3A_812 : vector<16xf32> to vector<1x16xf32>
    tpu.vector_store %arg5[%swap3A_820, %swap3A_821], %swap3A_824 {strides = array<i32>} : memref<3x1024xf32, #tpu.memory_space<vmem>>, vector<1x16xf32>,
    %swap3A_825 = arith.constant 2 : i32
    %swap3A_826 = arith.index_cast %swap3A_825 : i32 to index
    %swap3A_827 = arith.constant 528 : index
    %swap3A_828 = tpu.vector_load %arg5[%swap3A_826, %swap3A_827] {strides = array<i32>} : memref<3x1024xf32, #tpu.memory_space<vmem>>, vector<1x16xf32>,
    %swap3A_829 = vector.shape_cast %swap3A_828 : vector<1x16xf32> to vector<16xf32>
    %swap3A_830 = vector.shape_cast %mul3A_812 : vector<16xf32> to vector<1x16xf32>
    tpu.vector_store %arg5[%swap3A_826, %swap3A_827], %swap3A_830 {strides = array<i32>} : memref<3x1024xf32, #tpu.memory_space<vmem>>, vector<1x16xf32>,
    %get3A_831 = arith.constant 544 : index
    %get3A_832 = tpu.vector_load %arg4[%get3A_831] {strides = array<i32>} : memref<1024xf32, #tpu.memory_space<vmem>>, vector<16xf32>,
    %get3A_833 = vector.shape_cast %get3A_832 : vector<16xf32> to vector<16xf32>
    %mul3A_834 = arith.constant -1.000000e+06 : f32
    %mul3A_835 = vector.broadcast %mul3A_834 : f32 to vector<16xf32>
    %mul3A_836 = arith.mulf %get3A_833, %mul3A_835 : vector<16xf32>
    %swap3A_837 = arith.constant 0 : i32
    %swap3A_838 = arith.index_cast %swap3A_837 : i32 to index
    %swap3A_839 = arith.constant 544 : index
    %swap3A_840 = tpu.vector_load %arg5[%swap3A_838, %swap3A_839] {strides = array<i32>} : memref<3x1024xf32, #tpu.memory_space<vmem>>, vector<1x16xf32>,
    %swap3A_841 = vector.shape_cast %swap3A_840 : vector<1x16xf32> to vector<16xf32>
    %swap3A_842 = vector.shape_cast %mul3A_836 : vector<16xf32> to vector<1x16xf32>
    tpu.vector_store %arg5[%swap3A_838, %swap3A_839], %swap3A_842 {strides = array<i32>} : memref<3x1024xf32, #tpu.memory_space<vmem>>, vector<1x16xf32>,
    %swap3A_843 = arith.constant 1 : i32
    %swap3A_844 = arith.index_cast %swap3A_843 : i32 to index
    %swap3A_845 = arith.constant 544 : index
    %swap3A_846 = tpu.vector_load %arg5[%swap3A_844, %swap3A_845] {strides = array<i32>} : memref<3x1024xf32, #tpu.memory_space<vmem>>, vector<1x16xf32>,
    %swap3A_847 = vector.shape_cast %swap3A_846 : vector<1x16xf32> to vector<16xf32>
    %swap3A_848 = vector.shape_cast %mul3A_836 : vector<16xf32> to vector<1x16xf32>
    tpu.vector_store %arg5[%swap3A_844, %swap3A_845], %swap3A_848 {strides = array<i32>} : memref<3x1024xf32, #tpu.memory_space<vmem>>, vector<1x16xf32>,
    %swap3A_849 = arith.constant 2 : i32
    %swap3A_850 = arith.index_cast %swap3A_849 : i32 to index
    %swap3A_851 = arith.constant 544 : index
    %swap3A_852 = tpu.vector_load %arg5[%swap3A_850, %swap3A_851] {strides = array<i32>} : memref<3x1024xf32, #tpu.memory_space<vmem>>, vector<1x16xf32>,
    %swap3A_853 = vector.shape_cast %swap3A_852 : vector<1x16xf32> to vector<16xf32>
    %swap3A_854 = vector.shape_cast %mul3A_836 : vector<16xf32> to vector<1x16xf32>
    tpu.vector_store %arg5[%swap3A_850, %swap3A_851], %swap3A_854 {strides = array<i32>} : memref<3x1024xf32, #tpu.memory_space<vmem>>, vector<1x16xf32>,
    %get3A_855 = arith.constant 560 : index
    %get3A_856 = tpu.vector_load %arg4[%get3A_855] {strides = array<i32>} : memref<1024xf32, #tpu.memory_space<vmem>>, vector<16xf32>,
    %get3A_857 = vector.shape_cast %get3A_856 : vector<16xf32> to vector<16xf32>
    %mul3A_858 = arith.constant -1.000000e+06 : f32
    %mul3A_859 = vector.broadcast %mul3A_858 : f32 to vector<16xf32>
    %mul3A_860 = arith.mulf %get3A_857, %mul3A_859 : vector<16xf32>
    %swap3A_861 = arith.constant 0 : i32
    %swap3A_862 = arith.index_cast %swap3A_861 : i32 to index
    %swap3A_863 = arith.constant 560 : index
    %swap3A_864 = tpu.vector_load %arg5[%swap3A_862, %swap3A_863] {strides = array<i32>} : memref<3x1024xf32, #tpu.memory_space<vmem>>, vector<1x16xf32>,
    %swap3A_865 = vector.shape_cast %swap3A_864 : vector<1x16xf32> to vector<16xf32>
    %swap3A_866 = vector.shape_cast %mul3A_860 : vector<16xf32> to vector<1x16xf32>
    tpu.vector_store %arg5[%swap3A_862, %swap3A_863], %swap3A_866 {strides = array<i32>} : memref<3x1024xf32, #tpu.memory_space<vmem>>, vector<1x16xf32>,
    %swap3A_867 = arith.constant 1 : i32
    %swap3A_868 = arith.index_cast %swap3A_867 : i32 to index
    %swap3A_869 = arith.constant 560 : index
    %swap3A_870 = tpu.vector_load %arg5[%swap3A_868, %swap3A_869] {strides = array<i32>} : memref<3x1024xf32, #tpu.memory_space<vmem>>, vector<1x16xf32>,
    %swap3A_871 = vector.shape_cast %swap3A_870 : vector<1x16xf32> to vector<16xf32>
    %swap3A_872 = vector.shape_cast %mul3A_860 : vector<16xf32> to vector<1x16xf32>
    tpu.vector_store %arg5[%swap3A_868, %swap3A_869], %swap3A_872 {strides = array<i32>} : memref<3x1024xf32, #tpu.memory_space<vmem>>, vector<1x16xf32>,
    %swap3A_873 = arith.constant 2 : i32
    %swap3A_874 = arith.index_cast %swap3A_873 : i32 to index
    %swap3A_875 = arith.constant 560 : index
    %swap3A_876 = tpu.vector_load %arg5[%swap3A_874, %swap3A_875] {strides = array<i32>} : memref<3x1024xf32, #tpu.memory_space<vmem>>, vector<1x16xf32>,
    %swap3A_877 = vector.shape_cast %swap3A_876 : vector<1x16xf32> to vector<16xf32>
    %swap3A_878 = vector.shape_cast %mul3A_860 : vector<16xf32> to vector<1x16xf32>
    tpu.vector_store %arg5[%swap3A_874, %swap3A_875], %swap3A_878 {strides = array<i32>} : memref<3x1024xf32, #tpu.memory_space<vmem>>, vector<1x16xf32>,
    %get3A_879 = arith.constant 576 : index
    %get3A_880 = tpu.vector_load %arg4[%get3A_879] {strides = array<i32>} : memref<1024xf32, #tpu.memory_space<vmem>>, vector<16xf32>,
    %get3A_881 = vector.shape_cast %get3A_880 : vector<16xf32> to vector<16xf32>
    %mul3A_882 = arith.constant -1.000000e+06 : f32
    %mul3A_883 = vector.broadcast %mul3A_882 : f32 to vector<16xf32>
    %mul3A_884 = arith.mulf %get3A_881, %mul3A_883 : vector<16xf32>
    %swap3A_885 = arith.constant 0 : i32
    %swap3A_886 = arith.index_cast %swap3A_885 : i32 to index
    %swap3A_887 = arith.constant 576 : index
    %swap3A_888 = tpu.vector_load %arg5[%swap3A_886, %swap3A_887] {strides = array<i32>} : memref<3x1024xf32, #tpu.memory_space<vmem>>, vector<1x16xf32>,
    %swap3A_889 = vector.shape_cast %swap3A_888 : vector<1x16xf32> to vector<16xf32>
    %swap3A_890 = vector.shape_cast %mul3A_884 : vector<16xf32> to vector<1x16xf32>
    tpu.vector_store %arg5[%swap3A_886, %swap3A_887], %swap3A_890 {strides = array<i32>} : memref<3x1024xf32, #tpu.memory_space<vmem>>, vector<1x16xf32>,
    %swap3A_891 = arith.constant 1 : i32
    %swap3A_892 = arith.index_cast %swap3A_891 : i32 to index
    %swap3A_893 = arith.constant 576 : index
    %swap3A_894 = tpu.vector_load %arg5[%swap3A_892, %swap3A_893] {strides = array<i32>} : memref<3x1024xf32, #tpu.memory_space<vmem>>, vector<1x16xf32>,
    %swap3A_895 = vector.shape_cast %swap3A_894 : vector<1x16xf32> to vector<16xf32>
    %swap3A_896 = vector.shape_cast %mul3A_884 : vector<16xf32> to vector<1x16xf32>
    tpu.vector_store %arg5[%swap3A_892, %swap3A_893], %swap3A_896 {strides = array<i32>} : memref<3x1024xf32, #tpu.memory_space<vmem>>, vector<1x16xf32>,
    %swap3A_897 = arith.constant 2 : i32
    %swap3A_898 = arith.index_cast %swap3A_897 : i32 to index
    %swap3A_899 = arith.constant 576 : index
    %swap3A_900 = tpu.vector_load %arg5[%swap3A_898, %swap3A_899] {strides = array<i32>} : memref<3x1024xf32, #tpu.memory_space<vmem>>, vector<1x16xf32>,
    %swap3A_901 = vector.shape_cast %swap3A_900 : vector<1x16xf32> to vector<16xf32>
    %swap3A_902 = vector.shape_cast %mul3A_884 : vector<16xf32> to vector<1x16xf32>
    tpu.vector_store %arg5[%swap3A_898, %swap3A_899], %swap3A_902 {strides = array<i32>} : memref<3x1024xf32, #tpu.memory_space<vmem>>, vector<1x16xf32>,
    %get3A_903 = arith.constant 592 : index
    %get3A_904 = tpu.vector_load %arg4[%get3A_903] {strides = array<i32>} : memref<1024xf32, #tpu.memory_space<vmem>>, vector<16xf32>,
    %get3A_905 = vector.shape_cast %get3A_904 : vector<16xf32> to vector<16xf32>
    %mul3A_906 = arith.constant -1.000000e+06 : f32
    %mul3A_907 = vector.broadcast %mul3A_906 : f32 to vector<16xf32>
    %mul3A_908 = arith.mulf %get3A_905, %mul3A_907 : vector<16xf32>
    %swap3A_909 = arith.constant 0 : i32
    %swap3A_910 = arith.index_cast %swap3A_909 : i32 to index
    %swap3A_911 = arith.constant 592 : index
    %swap3A_912 = tpu.vector_load %arg5[%swap3A_910, %swap3A_911] {strides = array<i32>} : memref<3x1024xf32, #tpu.memory_space<vmem>>, vector<1x16xf32>,
    %swap3A_913 = vector.shape_cast %swap3A_912 : vector<1x16xf32> to vector<16xf32>
    %swap3A_914 = vector.shape_cast %mul3A_908 : vector<16xf32> to vector<1x16xf32>
    tpu.vector_store %arg5[%swap3A_910, %swap3A_911], %swap3A_914 {strides = array<i32>} : memref<3x1024xf32, #tpu.memory_space<vmem>>, vector<1x16xf32>,
    %swap3A_915 = arith.constant 1 : i32
    %swap3A_916 = arith.index_cast %swap3A_915 : i32 to index
    %swap3A_917 = arith.constant 592 : index
    %swap3A_918 = tpu.vector_load %arg5[%swap3A_916, %swap3A_917] {strides = array<i32>} : memref<3x1024xf32, #tpu.memory_space<vmem>>, vector<1x16xf32>,
    %swap3A_919 = vector.shape_cast %swap3A_918 : vector<1x16xf32> to vector<16xf32>
    %swap3A_920 = vector.shape_cast %mul3A_908 : vector<16xf32> to vector<1x16xf32>
    tpu.vector_store %arg5[%swap3A_916, %swap3A_917], %swap3A_920 {strides = array<i32>} : memref<3x1024xf32, #tpu.memory_space<vmem>>, vector<1x16xf32>,
    %swap3A_921 = arith.constant 2 : i32
    %swap3A_922 = arith.index_cast %swap3A_921 : i32 to index
    %swap3A_923 = arith.constant 592 : index
    %swap3A_924 = tpu.vector_load %arg5[%swap3A_922, %swap3A_923] {strides = array<i32>} : memref<3x1024xf32, #tpu.memory_space<vmem>>, vector<1x16xf32>,
    %swap3A_925 = vector.shape_cast %swap3A_924 : vector<1x16xf32> to vector<16xf32>
    %swap3A_926 = vector.shape_cast %mul3A_908 : vector<16xf32> to vector<1x16xf32>
    tpu.vector_store %arg5[%swap3A_922, %swap3A_923], %swap3A_926 {strides = array<i32>} : memref<3x1024xf32, #tpu.memory_space<vmem>>, vector<1x16xf32>,
    %get3A_927 = arith.constant 608 : index
    %get3A_928 = tpu.vector_load %arg4[%get3A_927] {strides = array<i32>} : memref<1024xf32, #tpu.memory_space<vmem>>, vector<16xf32>,
    %get3A_929 = vector.shape_cast %get3A_928 : vector<16xf32> to vector<16xf32>
    %mul3A_930 = arith.constant -1.000000e+06 : f32
    %mul3A_931 = vector.broadcast %mul3A_930 : f32 to vector<16xf32>
    %mul3A_932 = arith.mulf %get3A_929, %mul3A_931 : vector<16xf32>
    %swap3A_933 = arith.constant 0 : i32
    %swap3A_934 = arith.index_cast %swap3A_933 : i32 to index
    %swap3A_935 = arith.constant 608 : index
    %swap3A_936 = tpu.vector_load %arg5[%swap3A_934, %swap3A_935] {strides = array<i32>} : memref<3x1024xf32, #tpu.memory_space<vmem>>, vector<1x16xf32>,
    %swap3A_937 = vector.shape_cast %swap3A_936 : vector<1x16xf32> to vector<16xf32>
    %swap3A_938 = vector.shape_cast %mul3A_932 : vector<16xf32> to vector<1x16xf32>
    tpu.vector_store %arg5[%swap3A_934, %swap3A_935], %swap3A_938 {strides = array<i32>} : memref<3x1024xf32, #tpu.memory_space<vmem>>, vector<1x16xf32>,
    %swap3A_939 = arith.constant 1 : i32
    %swap3A_940 = arith.index_cast %swap3A_939 : i32 to index
    %swap3A_941 = arith.constant 608 : index
    %swap3A_942 = tpu.vector_load %arg5[%swap3A_940, %swap3A_941] {strides = array<i32>} : memref<3x1024xf32, #tpu.memory_space<vmem>>, vector<1x16xf32>,
    %swap3A_943 = vector.shape_cast %swap3A_942 : vector<1x16xf32> to vector<16xf32>
    %swap3A_944 = vector.shape_cast %mul3A_932 : vector<16xf32> to vector<1x16xf32>
    tpu.vector_store %arg5[%swap3A_940, %swap3A_941], %swap3A_944 {strides = array<i32>} : memref<3x1024xf32, #tpu.memory_space<vmem>>, vector<1x16xf32>,
    %swap3A_945 = arith.constant 2 : i32
    %swap3A_946 = arith.index_cast %swap3A_945 : i32 to index
    %swap3A_947 = arith.constant 608 : index
    %swap3A_948 = tpu.vector_load %arg5[%swap3A_946, %swap3A_947] {strides = array<i32>} : memref<3x1024xf32, #tpu.memory_space<vmem>>, vector<1x16xf32>,
    %swap3A_949 = vector.shape_cast %swap3A_948 : vector<1x16xf32> to vector<16xf32>
    %swap3A_950 = vector.shape_cast %mul3A_932 : vector<16xf32> to vector<1x16xf32>
    tpu.vector_store %arg5[%swap3A_946, %swap3A_947], %swap3A_950 {strides = array<i32>} : memref<3x1024xf32, #tpu.memory_space<vmem>>, vector<1x16xf32>,
    %get3A_951 = arith.constant 624 : index
    %get3A_952 = tpu.vector_load %arg4[%get3A_951] {strides = array<i32>} : memref<1024xf32, #tpu.memory_space<vmem>>, vector<16xf32>,
    %get3A_953 = vector.shape_cast %get3A_952 : vector<16xf32> to vector<16xf32>
    %mul3A_954 = arith.constant -1.000000e+06 : f32
    %mul3A_955 = vector.broadcast %mul3A_954 : f32 to vector<16xf32>
    %mul3A_956 = arith.mulf %get3A_953, %mul3A_955 : vector<16xf32>
    %swap3A_957 = arith.constant 0 : i32
    %swap3A_958 = arith.index_cast %swap3A_957 : i32 to index
    %swap3A_959 = arith.constant 624 : index
    %swap3A_960 = tpu.vector_load %arg5[%swap3A_958, %swap3A_959] {strides = array<i32>} : memref<3x1024xf32, #tpu.memory_space<vmem>>, vector<1x16xf32>,
    %swap3A_961 = vector.shape_cast %swap3A_960 : vector<1x16xf32> to vector<16xf32>
    %swap3A_962 = vector.shape_cast %mul3A_956 : vector<16xf32> to vector<1x16xf32>
    tpu.vector_store %arg5[%swap3A_958, %swap3A_959], %swap3A_962 {strides = array<i32>} : memref<3x1024xf32, #tpu.memory_space<vmem>>, vector<1x16xf32>,
    %swap3A_963 = arith.constant 1 : i32
    %swap3A_964 = arith.index_cast %swap3A_963 : i32 to index
    %swap3A_965 = arith.constant 624 : index
    %swap3A_966 = tpu.vector_load %arg5[%swap3A_964, %swap3A_965] {strides = array<i32>} : memref<3x1024xf32, #tpu.memory_space<vmem>>, vector<1x16xf32>,
    %swap3A_967 = vector.shape_cast %swap3A_966 : vector<1x16xf32> to vector<16xf32>
    %swap3A_968 = vector.shape_cast %mul3A_956 : vector<16xf32> to vector<1x16xf32>
    tpu.vector_store %arg5[%swap3A_964, %swap3A_965], %swap3A_968 {strides = array<i32>} : memref<3x1024xf32, #tpu.memory_space<vmem>>, vector<1x16xf32>,
    %swap3A_969 = arith.constant 2 : i32
    %swap3A_970 = arith.index_cast %swap3A_969 : i32 to index
    %swap3A_971 = arith.constant 624 : index
    %swap3A_972 = tpu.vector_load %arg5[%swap3A_970, %swap3A_971] {strides = array<i32>} : memref<3x1024xf32, #tpu.memory_space<vmem>>, vector<1x16xf32>,
    %swap3A_973 = vector.shape_cast %swap3A_972 : vector<1x16xf32> to vector<16xf32>
    %swap3A_974 = vector.shape_cast %mul3A_956 : vector<16xf32> to vector<1x16xf32>
    tpu.vector_store %arg5[%swap3A_970, %swap3A_971], %swap3A_974 {strides = array<i32>} : memref<3x1024xf32, #tpu.memory_space<vmem>>, vector<1x16xf32>,
    %get3A_975 = arith.constant 640 : index
    %get3A_976 = tpu.vector_load %arg4[%get3A_975] {strides = array<i32>} : memref<1024xf32, #tpu.memory_space<vmem>>, vector<16xf32>,
    %get3A_977 = vector.shape_cast %get3A_976 : vector<16xf32> to vector<16xf32>
    %mul3A_978 = arith.constant -1.000000e+06 : f32
    %mul3A_979 = vector.broadcast %mul3A_978 : f32 to vector<16xf32>
    %mul3A_980 = arith.mulf %get3A_977, %mul3A_979 : vector<16xf32>
    %swap3A_981 = arith.constant 0 : i32
    %swap3A_982 = arith.index_cast %swap3A_981 : i32 to index
    %swap3A_983 = arith.constant 640 : index
    %swap3A_984 = tpu.vector_load %arg5[%swap3A_982, %swap3A_983] {strides = array<i32>} : memref<3x1024xf32, #tpu.memory_space<vmem>>, vector<1x16xf32>,
    %swap3A_985 = vector.shape_cast %swap3A_984 : vector<1x16xf32> to vector<16xf32>
    %swap3A_986 = vector.shape_cast %mul3A_980 : vector<16xf32> to vector<1x16xf32>
    tpu.vector_store %arg5[%swap3A_982, %swap3A_983], %swap3A_986 {strides = array<i32>} : memref<3x1024xf32, #tpu.memory_space<vmem>>, vector<1x16xf32>,
    %swap3A_987 = arith.constant 1 : i32
    %swap3A_988 = arith.index_cast %swap3A_987 : i32 to index
    %swap3A_989 = arith.constant 640 : index
    %swap3A_990 = tpu.vector_load %arg5[%swap3A_988, %swap3A_989] {strides = array<i32>} : memref<3x1024xf32, #tpu.memory_space<vmem>>, vector<1x16xf32>,
    %swap3A_991 = vector.shape_cast %swap3A_990 : vector<1x16xf32> to vector<16xf32>
    %swap3A_992 = vector.shape_cast %mul3A_980 : vector<16xf32> to vector<1x16xf32>
    tpu.vector_store %arg5[%swap3A_988, %swap3A_989], %swap3A_992 {strides = array<i32>} : memref<3x1024xf32, #tpu.memory_space<vmem>>, vector<1x16xf32>,
    %swap3A_993 = arith.constant 2 : i32
    %swap3A_994 = arith.index_cast %swap3A_993 : i32 to index
    %swap3A_995 = arith.constant 640 : index
    %swap3A_996 = tpu.vector_load %arg5[%swap3A_994, %swap3A_995] {strides = array<i32>} : memref<3x1024xf32, #tpu.memory_space<vmem>>, vector<1x16xf32>,
    %swap3A_997 = vector.shape_cast %swap3A_996 : vector<1x16xf32> to vector<16xf32>
    %swap3A_998 = vector.shape_cast %mul3A_980 : vector<16xf32> to vector<1x16xf32>
    tpu.vector_store %arg5[%swap3A_994, %swap3A_995], %swap3A_998 {strides = array<i32>} : memref<3x1024xf32, #tpu.memory_space<vmem>>, vector<1x16xf32>,
    %get3A_999 = arith.constant 656 : index
    %get3A_1000 = tpu.vector_load %arg4[%get3A_999] {strides = array<i32>} : memref<1024xf32, #tpu.memory_space<vmem>>, vector<16xf32>,
    %get3A_1001 = vector.shape_cast %get3A_1000 : vector<16xf32> to vector<16xf32>
    %mul3A_1002 = arith.constant -1.000000e+06 : f32
    %mul3A_1003 = vector.broadcast %mul3A_1002 : f32 to vector<16xf32>
    %mul3A_1004 = arith.mulf %get3A_1001, %mul3A_1003 : vector<16xf32>
    %swap3A_1005 = arith.constant 0 : i32
    %swap3A_1006 = arith.index_cast %swap3A_1005 : i32 to index
    %swap3A_1007 = arith.constant 656 : index
    %swap3A_1008 = tpu.vector_load %arg5[%swap3A_1006, %swap3A_1007] {strides = array<i32>} : memref<3x1024xf32, #tpu.memory_space<vmem>>, vector<1x16xf32>,
    %swap3A_1009 = vector.shape_cast %swap3A_1008 : vector<1x16xf32> to vector<16xf32>
    %swap3A_1010 = vector.shape_cast %mul3A_1004 : vector<16xf32> to vector<1x16xf32>
    tpu.vector_store %arg5[%swap3A_1006, %swap3A_1007], %swap3A_1010 {strides = array<i32>} : memref<3x1024xf32, #tpu.memory_space<vmem>>, vector<1x16xf32>,
    %swap3A_1011 = arith.constant 1 : i32
    %swap3A_1012 = arith.index_cast %swap3A_1011 : i32 to index
    %swap3A_1013 = arith.constant 656 : index
    %swap3A_1014 = tpu.vector_load %arg5[%swap3A_1012, %swap3A_1013] {strides = array<i32>} : memref<3x1024xf32, #tpu.memory_space<vmem>>, vector<1x16xf32>,
    %swap3A_1015 = vector.shape_cast %swap3A_1014 : vector<1x16xf32> to vector<16xf32>
    %swap3A_1016 = vector.shape_cast %mul3A_1004 : vector<16xf32> to vector<1x16xf32>
    tpu.vector_store %arg5[%swap3A_1012, %swap3A_1013], %swap3A_1016 {strides = array<i32>} : memref<3x1024xf32, #tpu.memory_space<vmem>>, vector<1x16xf32>,
    %swap3A_1017 = arith.constant 2 : i32
    %swap3A_1018 = arith.index_cast %swap3A_1017 : i32 to index
    %swap3A_1019 = arith.constant 656 : index
    %swap3A_1020 = tpu.vector_load %arg5[%swap3A_1018, %swap3A_1019] {strides = array<i32>} : memref<3x1024xf32, #tpu.memory_space<vmem>>, vector<1x16xf32>,
    %swap3A_1021 = vector.shape_cast %swap3A_1020 : vector<1x16xf32> to vector<16xf32>
    %swap3A_1022 = vector.shape_cast %mul3A_1004 : vector<16xf32> to vector<1x16xf32>
    tpu.vector_store %arg5[%swap3A_1018, %swap3A_1019], %swap3A_1022 {strides = array<i32>} : memref<3x1024xf32, #tpu.memory_space<vmem>>, vector<1x16xf32>,
    %get3A_1023 = arith.constant 672 : index
    %get3A_1024 = tpu.vector_load %arg4[%get3A_1023] {strides = array<i32>} : memref<1024xf32, #tpu.memory_space<vmem>>, vector<16xf32>,
    %get3A_1025 = vector.shape_cast %get3A_1024 : vector<16xf32> to vector<16xf32>
    %mul3A_1026 = arith.constant -1.000000e+06 : f32
    %mul3A_1027 = vector.broadcast %mul3A_1026 : f32 to vector<16xf32>
    %mul3A_1028 = arith.mulf %get3A_1025, %mul3A_1027 : vector<16xf32>
    %swap3A_1029 = arith.constant 0 : i32
    %swap3A_1030 = arith.index_cast %swap3A_1029 : i32 to index
    %swap3A_1031 = arith.constant 672 : index
    %swap3A_1032 = tpu.vector_load %arg5[%swap3A_1030, %swap3A_1031] {strides = array<i32>} : memref<3x1024xf32, #tpu.memory_space<vmem>>, vector<1x16xf32>,
    %swap3A_1033 = vector.shape_cast %swap3A_1032 : vector<1x16xf32> to vector<16xf32>
    %swap3A_1034 = vector.shape_cast %mul3A_1028 : vector<16xf32> to vector<1x16xf32>
    tpu.vector_store %arg5[%swap3A_1030, %swap3A_1031], %swap3A_1034 {strides = array<i32>} : memref<3x1024xf32, #tpu.memory_space<vmem>>, vector<1x16xf32>,
    %swap3A_1035 = arith.constant 1 : i32
    %swap3A_1036 = arith.index_cast %swap3A_1035 : i32 to index
    %swap3A_1037 = arith.constant 672 : index
    %swap3A_1038 = tpu.vector_load %arg5[%swap3A_1036, %swap3A_1037] {strides = array<i32>} : memref<3x1024xf32, #tpu.memory_space<vmem>>, vector<1x16xf32>,
    %swap3A_1039 = vector.shape_cast %swap3A_1038 : vector<1x16xf32> to vector<16xf32>
    %swap3A_1040 = vector.shape_cast %mul3A_1028 : vector<16xf32> to vector<1x16xf32>
    tpu.vector_store %arg5[%swap3A_1036, %swap3A_1037], %swap3A_1040 {strides = array<i32>} : memref<3x1024xf32, #tpu.memory_space<vmem>>, vector<1x16xf32>,
    %swap3A_1041 = arith.constant 2 : i32
    %swap3A_1042 = arith.index_cast %swap3A_1041 : i32 to index
    %swap3A_1043 = arith.constant 672 : index
    %swap3A_1044 = tpu.vector_load %arg5[%swap3A_1042, %swap3A_1043] {strides = array<i32>} : memref<3x1024xf32, #tpu.memory_space<vmem>>, vector<1x16xf32>,
    %swap3A_1045 = vector.shape_cast %swap3A_1044 : vector<1x16xf32> to vector<16xf32>
    %swap3A_1046 = vector.shape_cast %mul3A_1028 : vector<16xf32> to vector<1x16xf32>
    tpu.vector_store %arg5[%swap3A_1042, %swap3A_1043], %swap3A_1046 {strides = array<i32>} : memref<3x1024xf32, #tpu.memory_space<vmem>>, vector<1x16xf32>,
    %get3A_1047 = arith.constant 688 : index
    %get3A_1048 = tpu.vector_load %arg4[%get3A_1047] {strides = array<i32>} : memref<1024xf32, #tpu.memory_space<vmem>>, vector<16xf32>,
    %get3A_1049 = vector.shape_cast %get3A_1048 : vector<16xf32> to vector<16xf32>
    %mul3A_1050 = arith.constant -1.000000e+06 : f32
    %mul3A_1051 = vector.broadcast %mul3A_1050 : f32 to vector<16xf32>
    %mul3A_1052 = arith.mulf %get3A_1049, %mul3A_1051 : vector<16xf32>
    %swap3A_1053 = arith.constant 0 : i32
    %swap3A_1054 = arith.index_cast %swap3A_1053 : i32 to index
    %swap3A_1055 = arith.constant 688 : index
    %swap3A_1056 = tpu.vector_load %arg5[%swap3A_1054, %swap3A_1055] {strides = array<i32>} : memref<3x1024xf32, #tpu.memory_space<vmem>>, vector<1x16xf32>,
    %swap3A_1057 = vector.shape_cast %swap3A_1056 : vector<1x16xf32> to vector<16xf32>
    %swap3A_1058 = vector.shape_cast %mul3A_1052 : vector<16xf32> to vector<1x16xf32>
    tpu.vector_store %arg5[%swap3A_1054, %swap3A_1055], %swap3A_1058 {strides = array<i32>} : memref<3x1024xf32, #tpu.memory_space<vmem>>, vector<1x16xf32>,
    %swap3A_1059 = arith.constant 1 : i32
    %swap3A_1060 = arith.index_cast %swap3A_1059 : i32 to index
    %swap3A_1061 = arith.constant 688 : index
    %swap3A_1062 = tpu.vector_load %arg5[%swap3A_1060, %swap3A_1061] {strides = array<i32>} : memref<3x1024xf32, #tpu.memory_space<vmem>>, vector<1x16xf32>,
    %swap3A_1063 = vector.shape_cast %swap3A_1062 : vector<1x16xf32> to vector<16xf32>
    %swap3A_1064 = vector.shape_cast %mul3A_1052 : vector<16xf32> to vector<1x16xf32>
    tpu.vector_store %arg5[%swap3A_1060, %swap3A_1061], %swap3A_1064 {strides = array<i32>} : memref<3x1024xf32, #tpu.memory_space<vmem>>, vector<1x16xf32>,
    %swap3A_1065 = arith.constant 2 : i32
    %swap3A_1066 = arith.index_cast %swap3A_1065 : i32 to index
    %swap3A_1067 = arith.constant 688 : index
    %swap3A_1068 = tpu.vector_load %arg5[%swap3A_1066, %swap3A_1067] {strides = array<i32>} : memref<3x1024xf32, #tpu.memory_space<vmem>>, vector<1x16xf32>,
    %swap3A_1069 = vector.shape_cast %swap3A_1068 : vector<1x16xf32> to vector<16xf32>
    %swap3A_1070 = vector.shape_cast %mul3A_1052 : vector<16xf32> to vector<1x16xf32>
    tpu.vector_store %arg5[%swap3A_1066, %swap3A_1067], %swap3A_1070 {strides = array<i32>} : memref<3x1024xf32, #tpu.memory_space<vmem>>, vector<1x16xf32>,
    %get3A_1071 = arith.constant 704 : index
    %get3A_1072 = tpu.vector_load %arg4[%get3A_1071] {strides = array<i32>} : memref<1024xf32, #tpu.memory_space<vmem>>, vector<16xf32>,
    %get3A_1073 = vector.shape_cast %get3A_1072 : vector<16xf32> to vector<16xf32>
    %mul3A_1074 = arith.constant -1.000000e+06 : f32
    %mul3A_1075 = vector.broadcast %mul3A_1074 : f32 to vector<16xf32>
    %mul3A_1076 = arith.mulf %get3A_1073, %mul3A_1075 : vector<16xf32>
    %swap3A_1077 = arith.constant 0 : i32
    %swap3A_1078 = arith.index_cast %swap3A_1077 : i32 to index
    %swap3A_1079 = arith.constant 704 : index
    %swap3A_1080 = tpu.vector_load %arg5[%swap3A_1078, %swap3A_1079] {strides = array<i32>} : memref<3x1024xf32, #tpu.memory_space<vmem>>, vector<1x16xf32>,
    %swap3A_1081 = vector.shape_cast %swap3A_1080 : vector<1x16xf32> to vector<16xf32>
    %swap3A_1082 = vector.shape_cast %mul3A_1076 : vector<16xf32> to vector<1x16xf32>
    tpu.vector_store %arg5[%swap3A_1078, %swap3A_1079], %swap3A_1082 {strides = array<i32>} : memref<3x1024xf32, #tpu.memory_space<vmem>>, vector<1x16xf32>,
    %swap3A_1083 = arith.constant 1 : i32
    %swap3A_1084 = arith.index_cast %swap3A_1083 : i32 to index
    %swap3A_1085 = arith.constant 704 : index
    %swap3A_1086 = tpu.vector_load %arg5[%swap3A_1084, %swap3A_1085] {strides = array<i32>} : memref<3x1024xf32, #tpu.memory_space<vmem>>, vector<1x16xf32>,
    %swap3A_1087 = vector.shape_cast %swap3A_1086 : vector<1x16xf32> to vector<16xf32>
    %swap3A_1088 = vector.shape_cast %mul3A_1076 : vector<16xf32> to vector<1x16xf32>
    tpu.vector_store %arg5[%swap3A_1084, %swap3A_1085], %swap3A_1088 {strides = array<i32>} : memref<3x1024xf32, #tpu.memory_space<vmem>>, vector<1x16xf32>,
    %swap3A_1089 = arith.constant 2 : i32
    %swap3A_1090 = arith.index_cast %swap3A_1089 : i32 to index
    %swap3A_1091 = arith.constant 704 : index
    %swap3A_1092 = tpu.vector_load %arg5[%swap3A_1090, %swap3A_1091] {strides = array<i32>} : memref<3x1024xf32, #tpu.memory_space<vmem>>, vector<1x16xf32>,
    %swap3A_1093 = vector.shape_cast %swap3A_1092 : vector<1x16xf32> to vector<16xf32>
    %swap3A_1094 = vector.shape_cast %mul3A_1076 : vector<16xf32> to vector<1x16xf32>
    tpu.vector_store %arg5[%swap3A_1090, %swap3A_1091], %swap3A_1094 {strides = array<i32>} : memref<3x1024xf32, #tpu.memory_space<vmem>>, vector<1x16xf32>,
    %get3A_1095 = arith.constant 720 : index
    %get3A_1096 = tpu.vector_load %arg4[%get3A_1095] {strides = array<i32>} : memref<1024xf32, #tpu.memory_space<vmem>>, vector<16xf32>,
    %get3A_1097 = vector.shape_cast %get3A_1096 : vector<16xf32> to vector<16xf32>
    %mul3A_1098 = arith.constant -1.000000e+06 : f32
    %mul3A_1099 = vector.broadcast %mul3A_1098 : f32 to vector<16xf32>
    %mul3A_1100 = arith.mulf %get3A_1097, %mul3A_1099 : vector<16xf32>
    %swap3A_1101 = arith.constant 0 : i32
    %swap3A_1102 = arith.index_cast %swap3A_1101 : i32 to index
    %swap3A_1103 = arith.constant 720 : index
    %swap3A_1104 = tpu.vector_load %arg5[%swap3A_1102, %swap3A_1103] {strides = array<i32>} : memref<3x1024xf32, #tpu.memory_space<vmem>>, vector<1x16xf32>,
    %swap3A_1105 = vector.shape_cast %swap3A_1104 : vector<1x16xf32> to vector<16xf32>
    %swap3A_1106 = vector.shape_cast %mul3A_1100 : vector<16xf32> to vector<1x16xf32>
    tpu.vector_store %arg5[%swap3A_1102, %swap3A_1103], %swap3A_1106 {strides = array<i32>} : memref<3x1024xf32, #tpu.memory_space<vmem>>, vector<1x16xf32>,
    %swap3A_1107 = arith.constant 1 : i32
    %swap3A_1108 = arith.index_cast %swap3A_1107 : i32 to index
    %swap3A_1109 = arith.constant 720 : index
    %swap3A_1110 = tpu.vector_load %arg5[%swap3A_1108, %swap3A_1109] {strides = array<i32>} : memref<3x1024xf32, #tpu.memory_space<vmem>>, vector<1x16xf32>,
    %swap3A_1111 = vector.shape_cast %swap3A_1110 : vector<1x16xf32> to vector<16xf32>
    %swap3A_1112 = vector.shape_cast %mul3A_1100 : vector<16xf32> to vector<1x16xf32>
    tpu.vector_store %arg5[%swap3A_1108, %swap3A_1109], %swap3A_1112 {strides = array<i32>} : memref<3x1024xf32, #tpu.memory_space<vmem>>, vector<1x16xf32>,
    %swap3A_1113 = arith.constant 2 : i32
    %swap3A_1114 = arith.index_cast %swap3A_1113 : i32 to index
    %swap3A_1115 = arith.constant 720 : index
    %swap3A_1116 = tpu.vector_load %arg5[%swap3A_1114, %swap3A_1115] {strides = array<i32>} : memref<3x1024xf32, #tpu.memory_space<vmem>>, vector<1x16xf32>,
    %swap3A_1117 = vector.shape_cast %swap3A_1116 : vector<1x16xf32> to vector<16xf32>
    %swap3A_1118 = vector.shape_cast %mul3A_1100 : vector<16xf32> to vector<1x16xf32>
    tpu.vector_store %arg5[%swap3A_1114, %swap3A_1115], %swap3A_1118 {strides = array<i32>} : memref<3x1024xf32, #tpu.memory_space<vmem>>, vector<1x16xf32>,
    %get3A_1119 = arith.constant 736 : index
    %get3A_1120 = tpu.vector_load %arg4[%get3A_1119] {strides = array<i32>} : memref<1024xf32, #tpu.memory_space<vmem>>, vector<16xf32>,
    %get3A_1121 = vector.shape_cast %get3A_1120 : vector<16xf32> to vector<16xf32>
    %mul3A_1122 = arith.constant -1.000000e+06 : f32
    %mul3A_1123 = vector.broadcast %mul3A_1122 : f32 to vector<16xf32>
    %mul3A_1124 = arith.mulf %get3A_1121, %mul3A_1123 : vector<16xf32>
    %swap3A_1125 = arith.constant 0 : i32
    %swap3A_1126 = arith.index_cast %swap3A_1125 : i32 to index
    %swap3A_1127 = arith.constant 736 : index
    %swap3A_1128 = tpu.vector_load %arg5[%swap3A_1126, %swap3A_1127] {strides = array<i32>} : memref<3x1024xf32, #tpu.memory_space<vmem>>, vector<1x16xf32>,
    %swap3A_1129 = vector.shape_cast %swap3A_1128 : vector<1x16xf32> to vector<16xf32>
    %swap3A_1130 = vector.shape_cast %mul3A_1124 : vector<16xf32> to vector<1x16xf32>
    tpu.vector_store %arg5[%swap3A_1126, %swap3A_1127], %swap3A_1130 {strides = array<i32>} : memref<3x1024xf32, #tpu.memory_space<vmem>>, vector<1x16xf32>,
    %swap3A_1131 = arith.constant 1 : i32
    %swap3A_1132 = arith.index_cast %swap3A_1131 : i32 to index
    %swap3A_1133 = arith.constant 736 : index
    %swap3A_1134 = tpu.vector_load %arg5[%swap3A_1132, %swap3A_1133] {strides = array<i32>} : memref<3x1024xf32, #tpu.memory_space<vmem>>, vector<1x16xf32>,
    %swap3A_1135 = vector.shape_cast %swap3A_1134 : vector<1x16xf32> to vector<16xf32>
    %swap3A_1136 = vector.shape_cast %mul3A_1124 : vector<16xf32> to vector<1x16xf32>
    tpu.vector_store %arg5[%swap3A_1132, %swap3A_1133], %swap3A_1136 {strides = array<i32>} : memref<3x1024xf32, #tpu.memory_space<vmem>>, vector<1x16xf32>,
    %swap3A_1137 = arith.constant 2 : i32
    %swap3A_1138 = arith.index_cast %swap3A_1137 : i32 to index
    %swap3A_1139 = arith.constant 736 : index
    %swap3A_1140 = tpu.vector_load %arg5[%swap3A_1138, %swap3A_1139] {strides = array<i32>} : memref<3x1024xf32, #tpu.memory_space<vmem>>, vector<1x16xf32>,
    %swap3A_1141 = vector.shape_cast %swap3A_1140 : vector<1x16xf32> to vector<16xf32>
    %swap3A_1142 = vector.shape_cast %mul3A_1124 : vector<16xf32> to vector<1x16xf32>
    tpu.vector_store %arg5[%swap3A_1138, %swap3A_1139], %swap3A_1142 {strides = array<i32>} : memref<3x1024xf32, #tpu.memory_space<vmem>>, vector<1x16xf32>,
    %get3A_1143 = arith.constant 752 : index
    %get3A_1144 = tpu.vector_load %arg4[%get3A_1143] {strides = array<i32>} : memref<1024xf32, #tpu.memory_space<vmem>>, vector<16xf32>,
    %get3A_1145 = vector.shape_cast %get3A_1144 : vector<16xf32> to vector<16xf32>
    %mul3A_1146 = arith.constant -1.000000e+06 : f32
    %mul3A_1147 = vector.broadcast %mul3A_1146 : f32 to vector<16xf32>
    %mul3A_1148 = arith.mulf %get3A_1145, %mul3A_1147 : vector<16xf32>
    %swap3A_1149 = arith.constant 0 : i32
    %swap3A_1150 = arith.index_cast %swap3A_1149 : i32 to index
    %swap3A_1151 = arith.constant 752 : index
    %swap3A_1152 = tpu.vector_load %arg5[%swap3A_1150, %swap3A_1151] {strides = array<i32>} : memref<3x1024xf32, #tpu.memory_space<vmem>>, vector<1x16xf32>,
    %swap3A_1153 = vector.shape_cast %swap3A_1152 : vector<1x16xf32> to vector<16xf32>
    %swap3A_1154 = vector.shape_cast %mul3A_1148 : vector<16xf32> to vector<1x16xf32>
    tpu.vector_store %arg5[%swap3A_1150, %swap3A_1151], %swap3A_1154 {strides = array<i32>} : memref<3x1024xf32, #tpu.memory_space<vmem>>, vector<1x16xf32>,
    %swap3A_1155 = arith.constant 1 : i32
    %swap3A_1156 = arith.index_cast %swap3A_1155 : i32 to index
    %swap3A_1157 = arith.constant 752 : index
    %swap3A_1158 = tpu.vector_load %arg5[%swap3A_1156, %swap3A_1157] {strides = array<i32>} : memref<3x1024xf32, #tpu.memory_space<vmem>>, vector<1x16xf32>,
    %swap3A_1159 = vector.shape_cast %swap3A_1158 : vector<1x16xf32> to vector<16xf32>
    %swap3A_1160 = vector.shape_cast %mul3A_1148 : vector<16xf32> to vector<1x16xf32>
    tpu.vector_store %arg5[%swap3A_1156, %swap3A_1157], %swap3A_1160 {strides = array<i32>} : memref<3x1024xf32, #tpu.memory_space<vmem>>, vector<1x16xf32>,
    %swap3A_1161 = arith.constant 2 : i32
    %swap3A_1162 = arith.index_cast %swap3A_1161 : i32 to index
    %swap3A_1163 = arith.constant 752 : index
    %swap3A_1164 = tpu.vector_load %arg5[%swap3A_1162, %swap3A_1163] {strides = array<i32>} : memref<3x1024xf32, #tpu.memory_space<vmem>>, vector<1x16xf32>,
    %swap3A_1165 = vector.shape_cast %swap3A_1164 : vector<1x16xf32> to vector<16xf32>
    %swap3A_1166 = vector.shape_cast %mul3A_1148 : vector<16xf32> to vector<1x16xf32>
    tpu.vector_store %arg5[%swap3A_1162, %swap3A_1163], %swap3A_1166 {strides = array<i32>} : memref<3x1024xf32, #tpu.memory_space<vmem>>, vector<1x16xf32>,
    %get3A_1167 = arith.constant 768 : index
    %get3A_1168 = tpu.vector_load %arg4[%get3A_1167] {strides = array<i32>} : memref<1024xf32, #tpu.memory_space<vmem>>, vector<16xf32>,
    %get3A_1169 = vector.shape_cast %get3A_1168 : vector<16xf32> to vector<16xf32>
    %mul3A_1170 = arith.constant -1.000000e+06 : f32
    %mul3A_1171 = vector.broadcast %mul3A_1170 : f32 to vector<16xf32>
    %mul3A_1172 = arith.mulf %get3A_1169, %mul3A_1171 : vector<16xf32>
    %swap3A_1173 = arith.constant 0 : i32
    %swap3A_1174 = arith.index_cast %swap3A_1173 : i32 to index
    %swap3A_1175 = arith.constant 768 : index
    %swap3A_1176 = tpu.vector_load %arg5[%swap3A_1174, %swap3A_1175] {strides = array<i32>} : memref<3x1024xf32, #tpu.memory_space<vmem>>, vector<1x16xf32>,
    %swap3A_1177 = vector.shape_cast %swap3A_1176 : vector<1x16xf32> to vector<16xf32>
    %swap3A_1178 = vector.shape_cast %mul3A_1172 : vector<16xf32> to vector<1x16xf32>
    tpu.vector_store %arg5[%swap3A_1174, %swap3A_1175], %swap3A_1178 {strides = array<i32>} : memref<3x1024xf32, #tpu.memory_space<vmem>>, vector<1x16xf32>,
    %swap3A_1179 = arith.constant 1 : i32
    %swap3A_1180 = arith.index_cast %swap3A_1179 : i32 to index
    %swap3A_1181 = arith.constant 768 : index
    %swap3A_1182 = tpu.vector_load %arg5[%swap3A_1180, %swap3A_1181] {strides = array<i32>} : memref<3x1024xf32, #tpu.memory_space<vmem>>, vector<1x16xf32>,
    %swap3A_1183 = vector.shape_cast %swap3A_1182 : vector<1x16xf32> to vector<16xf32>
    %swap3A_1184 = vector.shape_cast %mul3A_1172 : vector<16xf32> to vector<1x16xf32>
    tpu.vector_store %arg5[%swap3A_1180, %swap3A_1181], %swap3A_1184 {strides = array<i32>} : memref<3x1024xf32, #tpu.memory_space<vmem>>, vector<1x16xf32>,
    %swap3A_1185 = arith.constant 2 : i32
    %swap3A_1186 = arith.index_cast %swap3A_1185 : i32 to index
    %swap3A_1187 = arith.constant 768 : index
    %swap3A_1188 = tpu.vector_load %arg5[%swap3A_1186, %swap3A_1187] {strides = array<i32>} : memref<3x1024xf32, #tpu.memory_space<vmem>>, vector<1x16xf32>,
    %swap3A_1189 = vector.shape_cast %swap3A_1188 : vector<1x16xf32> to vector<16xf32>
    %swap3A_1190 = vector.shape_cast %mul3A_1172 : vector<16xf32> to vector<1x16xf32>
    tpu.vector_store %arg5[%swap3A_1186, %swap3A_1187], %swap3A_1190 {strides = array<i32>} : memref<3x1024xf32, #tpu.memory_space<vmem>>, vector<1x16xf32>,
    %get3A_1191 = arith.constant 784 : index
    %get3A_1192 = tpu.vector_load %arg4[%get3A_1191] {strides = array<i32>} : memref<1024xf32, #tpu.memory_space<vmem>>, vector<16xf32>,
    %get3A_1193 = vector.shape_cast %get3A_1192 : vector<16xf32> to vector<16xf32>
    %mul3A_1194 = arith.constant -1.000000e+06 : f32
    %mul3A_1195 = vector.broadcast %mul3A_1194 : f32 to vector<16xf32>
    %mul3A_1196 = arith.mulf %get3A_1193, %mul3A_1195 : vector<16xf32>
    %swap3A_1197 = arith.constant 0 : i32
    %swap3A_1198 = arith.index_cast %swap3A_1197 : i32 to index
    %swap3A_1199 = arith.constant 784 : index
    %swap3A_1200 = tpu.vector_load %arg5[%swap3A_1198, %swap3A_1199] {strides = array<i32>} : memref<3x1024xf32, #tpu.memory_space<vmem>>, vector<1x16xf32>,
    %swap3A_1201 = vector.shape_cast %swap3A_1200 : vector<1x16xf32> to vector<16xf32>
    %swap3A_1202 = vector.shape_cast %mul3A_1196 : vector<16xf32> to vector<1x16xf32>
    tpu.vector_store %arg5[%swap3A_1198, %swap3A_1199], %swap3A_1202 {strides = array<i32>} : memref<3x1024xf32, #tpu.memory_space<vmem>>, vector<1x16xf32>,
    %swap3A_1203 = arith.constant 1 : i32
    %swap3A_1204 = arith.index_cast %swap3A_1203 : i32 to index
    %swap3A_1205 = arith.constant 784 : index
    %swap3A_1206 = tpu.vector_load %arg5[%swap3A_1204, %swap3A_1205] {strides = array<i32>} : memref<3x1024xf32, #tpu.memory_space<vmem>>, vector<1x16xf32>,
    %swap3A_1207 = vector.shape_cast %swap3A_1206 : vector<1x16xf32> to vector<16xf32>
    %swap3A_1208 = vector.shape_cast %mul3A_1196 : vector<16xf32> to vector<1x16xf32>
    tpu.vector_store %arg5[%swap3A_1204, %swap3A_1205], %swap3A_1208 {strides = array<i32>} : memref<3x1024xf32, #tpu.memory_space<vmem>>, vector<1x16xf32>,
    %swap3A_1209 = arith.constant 2 : i32
    %swap3A_1210 = arith.index_cast %swap3A_1209 : i32 to index
    %swap3A_1211 = arith.constant 784 : index
    %swap3A_1212 = tpu.vector_load %arg5[%swap3A_1210, %swap3A_1211] {strides = array<i32>} : memref<3x1024xf32, #tpu.memory_space<vmem>>, vector<1x16xf32>,
    %swap3A_1213 = vector.shape_cast %swap3A_1212 : vector<1x16xf32> to vector<16xf32>
    %swap3A_1214 = vector.shape_cast %mul3A_1196 : vector<16xf32> to vector<1x16xf32>
    tpu.vector_store %arg5[%swap3A_1210, %swap3A_1211], %swap3A_1214 {strides = array<i32>} : memref<3x1024xf32, #tpu.memory_space<vmem>>, vector<1x16xf32>,
    %get3A_1215 = arith.constant 800 : index
    %get3A_1216 = tpu.vector_load %arg4[%get3A_1215] {strides = array<i32>} : memref<1024xf32, #tpu.memory_space<vmem>>, vector<16xf32>,
    %get3A_1217 = vector.shape_cast %get3A_1216 : vector<16xf32> to vector<16xf32>
    %mul3A_1218 = arith.constant -1.000000e+06 : f32
    %mul3A_1219 = vector.broadcast %mul3A_1218 : f32 to vector<16xf32>
    %mul3A_1220 = arith.mulf %get3A_1217, %mul3A_1219 : vector<16xf32>
    %swap3A_1221 = arith.constant 0 : i32
    %swap3A_1222 = arith.index_cast %swap3A_1221 : i32 to index
    %swap3A_1223 = arith.constant 800 : index
    %swap3A_1224 = tpu.vector_load %arg5[%swap3A_1222, %swap3A_1223] {strides = array<i32>} : memref<3x1024xf32, #tpu.memory_space<vmem>>, vector<1x16xf32>,
    %swap3A_1225 = vector.shape_cast %swap3A_1224 : vector<1x16xf32> to vector<16xf32>
    %swap3A_1226 = vector.shape_cast %mul3A_1220 : vector<16xf32> to vector<1x16xf32>
    tpu.vector_store %arg5[%swap3A_1222, %swap3A_1223], %swap3A_1226 {strides = array<i32>} : memref<3x1024xf32, #tpu.memory_space<vmem>>, vector<1x16xf32>,
    %swap3A_1227 = arith.constant 1 : i32
    %swap3A_1228 = arith.index_cast %swap3A_1227 : i32 to index
    %swap3A_1229 = arith.constant 800 : index
    %swap3A_1230 = tpu.vector_load %arg5[%swap3A_1228, %swap3A_1229] {strides = array<i32>} : memref<3x1024xf32, #tpu.memory_space<vmem>>, vector<1x16xf32>,
    %swap3A_1231 = vector.shape_cast %swap3A_1230 : vector<1x16xf32> to vector<16xf32>
    %swap3A_1232 = vector.shape_cast %mul3A_1220 : vector<16xf32> to vector<1x16xf32>
    tpu.vector_store %arg5[%swap3A_1228, %swap3A_1229], %swap3A_1232 {strides = array<i32>} : memref<3x1024xf32, #tpu.memory_space<vmem>>, vector<1x16xf32>,
    %swap3A_1233 = arith.constant 2 : i32
    %swap3A_1234 = arith.index_cast %swap3A_1233 : i32 to index
    %swap3A_1235 = arith.constant 800 : index
    %swap3A_1236 = tpu.vector_load %arg5[%swap3A_1234, %swap3A_1235] {strides = array<i32>} : memref<3x1024xf32, #tpu.memory_space<vmem>>, vector<1x16xf32>,
    %swap3A_1237 = vector.shape_cast %swap3A_1236 : vector<1x16xf32> to vector<16xf32>
    %swap3A_1238 = vector.shape_cast %mul3A_1220 : vector<16xf32> to vector<1x16xf32>
    tpu.vector_store %arg5[%swap3A_1234, %swap3A_1235], %swap3A_1238 {strides = array<i32>} : memref<3x1024xf32, #tpu.memory_space<vmem>>, vector<1x16xf32>,
    %get3A_1239 = arith.constant 816 : index
    %get3A_1240 = tpu.vector_load %arg4[%get3A_1239] {strides = array<i32>} : memref<1024xf32, #tpu.memory_space<vmem>>, vector<16xf32>,
    %get3A_1241 = vector.shape_cast %get3A_1240 : vector<16xf32> to vector<16xf32>
    %mul3A_1242 = arith.constant -1.000000e+06 : f32
    %mul3A_1243 = vector.broadcast %mul3A_1242 : f32 to vector<16xf32>
    %mul3A_1244 = arith.mulf %get3A_1241, %mul3A_1243 : vector<16xf32>
    %swap3A_1245 = arith.constant 0 : i32
    %swap3A_1246 = arith.index_cast %swap3A_1245 : i32 to index
    %swap3A_1247 = arith.constant 816 : index
    %swap3A_1248 = tpu.vector_load %arg5[%swap3A_1246, %swap3A_1247] {strides = array<i32>} : memref<3x1024xf32, #tpu.memory_space<vmem>>, vector<1x16xf32>,
    %swap3A_1249 = vector.shape_cast %swap3A_1248 : vector<1x16xf32> to vector<16xf32>
    %swap3A_1250 = vector.shape_cast %mul3A_1244 : vector<16xf32> to vector<1x16xf32>
    tpu.vector_store %arg5[%swap3A_1246, %swap3A_1247], %swap3A_1250 {strides = array<i32>} : memref<3x1024xf32, #tpu.memory_space<vmem>>, vector<1x16xf32>,
    %swap3A_1251 = arith.constant 1 : i32
    %swap3A_1252 = arith.index_cast %swap3A_1251 : i32 to index
    %swap3A_1253 = arith.constant 816 : index
    %swap3A_1254 = tpu.vector_load %arg5[%swap3A_1252, %swap3A_1253] {strides = array<i32>} : memref<3x1024xf32, #tpu.memory_space<vmem>>, vector<1x16xf32>,
    %swap3A_1255 = vector.shape_cast %swap3A_1254 : vector<1x16xf32> to vector<16xf32>
    %swap3A_1256 = vector.shape_cast %mul3A_1244 : vector<16xf32> to vector<1x16xf32>
    tpu.vector_store %arg5[%swap3A_1252, %swap3A_1253], %swap3A_1256 {strides = array<i32>} : memref<3x1024xf32, #tpu.memory_space<vmem>>, vector<1x16xf32>,
    %swap3A_1257 = arith.constant 2 : i32
    %swap3A_1258 = arith.index_cast %swap3A_1257 : i32 to index
    %swap3A_1259 = arith.constant 816 : index
    %swap3A_1260 = tpu.vector_load %arg5[%swap3A_1258, %swap3A_1259] {strides = array<i32>} : memref<3x1024xf32, #tpu.memory_space<vmem>>, vector<1x16xf32>,
    %swap3A_1261 = vector.shape_cast %swap3A_1260 : vector<1x16xf32> to vector<16xf32>
    %swap3A_1262 = vector.shape_cast %mul3A_1244 : vector<16xf32> to vector<1x16xf32>
    tpu.vector_store %arg5[%swap3A_1258, %swap3A_1259], %swap3A_1262 {strides = array<i32>} : memref<3x1024xf32, #tpu.memory_space<vmem>>, vector<1x16xf32>,
    %get3A_1263 = arith.constant 832 : index
    %get3A_1264 = tpu.vector_load %arg4[%get3A_1263] {strides = array<i32>} : memref<1024xf32, #tpu.memory_space<vmem>>, vector<16xf32>,
    %get3A_1265 = vector.shape_cast %get3A_1264 : vector<16xf32> to vector<16xf32>
    %mul3A_1266 = arith.constant -1.000000e+06 : f32
    %mul3A_1267 = vector.broadcast %mul3A_1266 : f32 to vector<16xf32>
    %mul3A_1268 = arith.mulf %get3A_1265, %mul3A_1267 : vector<16xf32>
    %swap3A_1269 = arith.constant 0 : i32
    %swap3A_1270 = arith.index_cast %swap3A_1269 : i32 to index
    %swap3A_1271 = arith.constant 832 : index
    %swap3A_1272 = tpu.vector_load %arg5[%swap3A_1270, %swap3A_1271] {strides = array<i32>} : memref<3x1024xf32, #tpu.memory_space<vmem>>, vector<1x16xf32>,
    %swap3A_1273 = vector.shape_cast %swap3A_1272 : vector<1x16xf32> to vector<16xf32>
    %swap3A_1274 = vector.shape_cast %mul3A_1268 : vector<16xf32> to vector<1x16xf32>
    tpu.vector_store %arg5[%swap3A_1270, %swap3A_1271], %swap3A_1274 {strides = array<i32>} : memref<3x1024xf32, #tpu.memory_space<vmem>>, vector<1x16xf32>,
    %swap3A_1275 = arith.constant 1 : i32
    %swap3A_1276 = arith.index_cast %swap3A_1275 : i32 to index
    %swap3A_1277 = arith.constant 832 : index
    %swap3A_1278 = tpu.vector_load %arg5[%swap3A_1276, %swap3A_1277] {strides = array<i32>} : memref<3x1024xf32, #tpu.memory_space<vmem>>, vector<1x16xf32>,
    %swap3A_1279 = vector.shape_cast %swap3A_1278 : vector<1x16xf32> to vector<16xf32>
    %swap3A_1280 = vector.shape_cast %mul3A_1268 : vector<16xf32> to vector<1x16xf32>
    tpu.vector_store %arg5[%swap3A_1276, %swap3A_1277], %swap3A_1280 {strides = array<i32>} : memref<3x1024xf32, #tpu.memory_space<vmem>>, vector<1x16xf32>,
    %swap3A_1281 = arith.constant 2 : i32
    %swap3A_1282 = arith.index_cast %swap3A_1281 : i32 to index
    %swap3A_1283 = arith.constant 832 : index
    %swap3A_1284 = tpu.vector_load %arg5[%swap3A_1282, %swap3A_1283] {strides = array<i32>} : memref<3x1024xf32, #tpu.memory_space<vmem>>, vector<1x16xf32>,
    %swap3A_1285 = vector.shape_cast %swap3A_1284 : vector<1x16xf32> to vector<16xf32>
    %swap3A_1286 = vector.shape_cast %mul3A_1268 : vector<16xf32> to vector<1x16xf32>
    tpu.vector_store %arg5[%swap3A_1282, %swap3A_1283], %swap3A_1286 {strides = array<i32>} : memref<3x1024xf32, #tpu.memory_space<vmem>>, vector<1x16xf32>,
    %get3A_1287 = arith.constant 848 : index
    %get3A_1288 = tpu.vector_load %arg4[%get3A_1287] {strides = array<i32>} : memref<1024xf32, #tpu.memory_space<vmem>>, vector<16xf32>,
    %get3A_1289 = vector.shape_cast %get3A_1288 : vector<16xf32> to vector<16xf32>
    %mul3A_1290 = arith.constant -1.000000e+06 : f32
    %mul3A_1291 = vector.broadcast %mul3A_1290 : f32 to vector<16xf32>
    %mul3A_1292 = arith.mulf %get3A_1289, %mul3A_1291 : vector<16xf32>
    %swap3A_1293 = arith.constant 0 : i32
    %swap3A_1294 = arith.index_cast %swap3A_1293 : i32 to index
    %swap3A_1295 = arith.constant 848 : index
    %swap3A_1296 = tpu.vector_load %arg5[%swap3A_1294, %swap3A_1295] {strides = array<i32>} : memref<3x1024xf32, #tpu.memory_space<vmem>>, vector<1x16xf32>,
    %swap3A_1297 = vector.shape_cast %swap3A_1296 : vector<1x16xf32> to vector<16xf32>
    %swap3A_1298 = vector.shape_cast %mul3A_1292 : vector<16xf32> to vector<1x16xf32>
    tpu.vector_store %arg5[%swap3A_1294, %swap3A_1295], %swap3A_1298 {strides = array<i32>} : memref<3x1024xf32, #tpu.memory_space<vmem>>, vector<1x16xf32>,
    %swap3A_1299 = arith.constant 1 : i32
    %swap3A_1300 = arith.index_cast %swap3A_1299 : i32 to index
    %swap3A_1301 = arith.constant 848 : index
    %swap3A_1302 = tpu.vector_load %arg5[%swap3A_1300, %swap3A_1301] {strides = array<i32>} : memref<3x1024xf32, #tpu.memory_space<vmem>>, vector<1x16xf32>,
    %swap3A_1303 = vector.shape_cast %swap3A_1302 : vector<1x16xf32> to vector<16xf32>
    %swap3A_1304 = vector.shape_cast %mul3A_1292 : vector<16xf32> to vector<1x16xf32>
    tpu.vector_store %arg5[%swap3A_1300, %swap3A_1301], %swap3A_1304 {strides = array<i32>} : memref<3x1024xf32, #tpu.memory_space<vmem>>, vector<1x16xf32>,
    %swap3A_1305 = arith.constant 2 : i32
    %swap3A_1306 = arith.index_cast %swap3A_1305 : i32 to index
    %swap3A_1307 = arith.constant 848 : index
    %swap3A_1308 = tpu.vector_load %arg5[%swap3A_1306, %swap3A_1307] {strides = array<i32>} : memref<3x1024xf32, #tpu.memory_space<vmem>>, vector<1x16xf32>,
    %swap3A_1309 = vector.shape_cast %swap3A_1308 : vector<1x16xf32> to vector<16xf32>
    %swap3A_1310 = vector.shape_cast %mul3A_1292 : vector<16xf32> to vector<1x16xf32>
    tpu.vector_store %arg5[%swap3A_1306, %swap3A_1307], %swap3A_1310 {strides = array<i32>} : memref<3x1024xf32, #tpu.memory_space<vmem>>, vector<1x16xf32>,
    %get3A_1311 = arith.constant 864 : index
    %get3A_1312 = tpu.vector_load %arg4[%get3A_1311] {strides = array<i32>} : memref<1024xf32, #tpu.memory_space<vmem>>, vector<16xf32>,
    %get3A_1313 = vector.shape_cast %get3A_1312 : vector<16xf32> to vector<16xf32>
    %mul3A_1314 = arith.constant -1.000000e+06 : f32
    %mul3A_1315 = vector.broadcast %mul3A_1314 : f32 to vector<16xf32>
    %mul3A_1316 = arith.mulf %get3A_1313, %mul3A_1315 : vector<16xf32>
    %swap3A_1317 = arith.constant 0 : i32
    %swap3A_1318 = arith.index_cast %swap3A_1317 : i32 to index
    %swap3A_1319 = arith.constant 864 : index
    %swap3A_1320 = tpu.vector_load %arg5[%swap3A_1318, %swap3A_1319] {strides = array<i32>} : memref<3x1024xf32, #tpu.memory_space<vmem>>, vector<1x16xf32>,
    %swap3A_1321 = vector.shape_cast %swap3A_1320 : vector<1x16xf32> to vector<16xf32>
    %swap3A_1322 = vector.shape_cast %mul3A_1316 : vector<16xf32> to vector<1x16xf32>
    tpu.vector_store %arg5[%swap3A_1318, %swap3A_1319], %swap3A_1322 {strides = array<i32>} : memref<3x1024xf32, #tpu.memory_space<vmem>>, vector<1x16xf32>,
    %swap3A_1323 = arith.constant 1 : i32
    %swap3A_1324 = arith.index_cast %swap3A_1323 : i32 to index
    %swap3A_1325 = arith.constant 864 : index
    %swap3A_1326 = tpu.vector_load %arg5[%swap3A_1324, %swap3A_1325] {strides = array<i32>} : memref<3x1024xf32, #tpu.memory_space<vmem>>, vector<1x16xf32>,
    %swap3A_1327 = vector.shape_cast %swap3A_1326 : vector<1x16xf32> to vector<16xf32>
    %swap3A_1328 = vector.shape_cast %mul3A_1316 : vector<16xf32> to vector<1x16xf32>
    tpu.vector_store %arg5[%swap3A_1324, %swap3A_1325], %swap3A_1328 {strides = array<i32>} : memref<3x1024xf32, #tpu.memory_space<vmem>>, vector<1x16xf32>,
    %swap3A_1329 = arith.constant 2 : i32
    %swap3A_1330 = arith.index_cast %swap3A_1329 : i32 to index
    %swap3A_1331 = arith.constant 864 : index
    %swap3A_1332 = tpu.vector_load %arg5[%swap3A_1330, %swap3A_1331] {strides = array<i32>} : memref<3x1024xf32, #tpu.memory_space<vmem>>, vector<1x16xf32>,
    %swap3A_1333 = vector.shape_cast %swap3A_1332 : vector<1x16xf32> to vector<16xf32>
    %swap3A_1334 = vector.shape_cast %mul3A_1316 : vector<16xf32> to vector<1x16xf32>
    tpu.vector_store %arg5[%swap3A_1330, %swap3A_1331], %swap3A_1334 {strides = array<i32>} : memref<3x1024xf32, #tpu.memory_space<vmem>>, vector<1x16xf32>,
    %get3A_1335 = arith.constant 880 : index
    %get3A_1336 = tpu.vector_load %arg4[%get3A_1335] {strides = array<i32>} : memref<1024xf32, #tpu.memory_space<vmem>>, vector<16xf32>,
    %get3A_1337 = vector.shape_cast %get3A_1336 : vector<16xf32> to vector<16xf32>
    %mul3A_1338 = arith.constant -1.000000e+06 : f32
    %mul3A_1339 = vector.broadcast %mul3A_1338 : f32 to vector<16xf32>
    %mul3A_1340 = arith.mulf %get3A_1337, %mul3A_1339 : vector<16xf32>
    %swap3A_1341 = arith.constant 0 : i32
    %swap3A_1342 = arith.index_cast %swap3A_1341 : i32 to index
    %swap3A_1343 = arith.constant 880 : index
    %swap3A_1344 = tpu.vector_load %arg5[%swap3A_1342, %swap3A_1343] {strides = array<i32>} : memref<3x1024xf32, #tpu.memory_space<vmem>>, vector<1x16xf32>,
    %swap3A_1345 = vector.shape_cast %swap3A_1344 : vector<1x16xf32> to vector<16xf32>
    %swap3A_1346 = vector.shape_cast %mul3A_1340 : vector<16xf32> to vector<1x16xf32>
    tpu.vector_store %arg5[%swap3A_1342, %swap3A_1343], %swap3A_1346 {strides = array<i32>} : memref<3x1024xf32, #tpu.memory_space<vmem>>, vector<1x16xf32>,
    %swap3A_1347 = arith.constant 1 : i32
    %swap3A_1348 = arith.index_cast %swap3A_1347 : i32 to index
    %swap3A_1349 = arith.constant 880 : index
    %swap3A_1350 = tpu.vector_load %arg5[%swap3A_1348, %swap3A_1349] {strides = array<i32>} : memref<3x1024xf32, #tpu.memory_space<vmem>>, vector<1x16xf32>,
    %swap3A_1351 = vector.shape_cast %swap3A_1350 : vector<1x16xf32> to vector<16xf32>
    %swap3A_1352 = vector.shape_cast %mul3A_1340 : vector<16xf32> to vector<1x16xf32>
    tpu.vector_store %arg5[%swap3A_1348, %swap3A_1349], %swap3A_1352 {strides = array<i32>} : memref<3x1024xf32, #tpu.memory_space<vmem>>, vector<1x16xf32>,
    %swap3A_1353 = arith.constant 2 : i32
    %swap3A_1354 = arith.index_cast %swap3A_1353 : i32 to index
    %swap3A_1355 = arith.constant 880 : index
    %swap3A_1356 = tpu.vector_load %arg5[%swap3A_1354, %swap3A_1355] {strides = array<i32>} : memref<3x1024xf32, #tpu.memory_space<vmem>>, vector<1x16xf32>,
    %swap3A_1357 = vector.shape_cast %swap3A_1356 : vector<1x16xf32> to vector<16xf32>
    %swap3A_1358 = vector.shape_cast %mul3A_1340 : vector<16xf32> to vector<1x16xf32>
    tpu.vector_store %arg5[%swap3A_1354, %swap3A_1355], %swap3A_1358 {strides = array<i32>} : memref<3x1024xf32, #tpu.memory_space<vmem>>, vector<1x16xf32>,
    %get3A_1359 = arith.constant 896 : index
    %get3A_1360 = tpu.vector_load %arg4[%get3A_1359] {strides = array<i32>} : memref<1024xf32, #tpu.memory_space<vmem>>, vector<16xf32>,
    %get3A_1361 = vector.shape_cast %get3A_1360 : vector<16xf32> to vector<16xf32>
    %mul3A_1362 = arith.constant -1.000000e+06 : f32
    %mul3A_1363 = vector.broadcast %mul3A_1362 : f32 to vector<16xf32>
    %mul3A_1364 = arith.mulf %get3A_1361, %mul3A_1363 : vector<16xf32>
    %swap3A_1365 = arith.constant 0 : i32
    %swap3A_1366 = arith.index_cast %swap3A_1365 : i32 to index
    %swap3A_1367 = arith.constant 896 : index
    %swap3A_1368 = tpu.vector_load %arg5[%swap3A_1366, %swap3A_1367] {strides = array<i32>} : memref<3x1024xf32, #tpu.memory_space<vmem>>, vector<1x16xf32>,
    %swap3A_1369 = vector.shape_cast %swap3A_1368 : vector<1x16xf32> to vector<16xf32>
    %swap3A_1370 = vector.shape_cast %mul3A_1364 : vector<16xf32> to vector<1x16xf32>
    tpu.vector_store %arg5[%swap3A_1366, %swap3A_1367], %swap3A_1370 {strides = array<i32>} : memref<3x1024xf32, #tpu.memory_space<vmem>>, vector<1x16xf32>,
    %swap3A_1371 = arith.constant 1 : i32
    %swap3A_1372 = arith.index_cast %swap3A_1371 : i32 to index
    %swap3A_1373 = arith.constant 896 : index
    %swap3A_1374 = tpu.vector_load %arg5[%swap3A_1372, %swap3A_1373] {strides = array<i32>} : memref<3x1024xf32, #tpu.memory_space<vmem>>, vector<1x16xf32>,
    %swap3A_1375 = vector.shape_cast %swap3A_1374 : vector<1x16xf32> to vector<16xf32>
    %swap3A_1376 = vector.shape_cast %mul3A_1364 : vector<16xf32> to vector<1x16xf32>
    tpu.vector_store %arg5[%swap3A_1372, %swap3A_1373], %swap3A_1376 {strides = array<i32>} : memref<3x1024xf32, #tpu.memory_space<vmem>>, vector<1x16xf32>,
    %swap3A_1377 = arith.constant 2 : i32
    %swap3A_1378 = arith.index_cast %swap3A_1377 : i32 to index
    %swap3A_1379 = arith.constant 896 : index
    %swap3A_1380 = tpu.vector_load %arg5[%swap3A_1378, %swap3A_1379] {strides = array<i32>} : memref<3x1024xf32, #tpu.memory_space<vmem>>, vector<1x16xf32>,
    %swap3A_1381 = vector.shape_cast %swap3A_1380 : vector<1x16xf32> to vector<16xf32>
    %swap3A_1382 = vector.shape_cast %mul3A_1364 : vector<16xf32> to vector<1x16xf32>
    tpu.vector_store %arg5[%swap3A_1378, %swap3A_1379], %swap3A_1382 {strides = array<i32>} : memref<3x1024xf32, #tpu.memory_space<vmem>>, vector<1x16xf32>,
    %get3A_1383 = arith.constant 912 : index
    %get3A_1384 = tpu.vector_load %arg4[%get3A_1383] {strides = array<i32>} : memref<1024xf32, #tpu.memory_space<vmem>>, vector<16xf32>,
    %get3A_1385 = vector.shape_cast %get3A_1384 : vector<16xf32> to vector<16xf32>
    %mul3A_1386 = arith.constant -1.000000e+06 : f32
    %mul3A_1387 = vector.broadcast %mul3A_1386 : f32 to vector<16xf32>
    %mul3A_1388 = arith.mulf %get3A_1385, %mul3A_1387 : vector<16xf32>
    %swap3A_1389 = arith.constant 0 : i32
    %swap3A_1390 = arith.index_cast %swap3A_1389 : i32 to index
    %swap3A_1391 = arith.constant 912 : index
    %swap3A_1392 = tpu.vector_load %arg5[%swap3A_1390, %swap3A_1391] {strides = array<i32>} : memref<3x1024xf32, #tpu.memory_space<vmem>>, vector<1x16xf32>,
    %swap3A_1393 = vector.shape_cast %swap3A_1392 : vector<1x16xf32> to vector<16xf32>
    %swap3A_1394 = vector.shape_cast %mul3A_1388 : vector<16xf32> to vector<1x16xf32>
    tpu.vector_store %arg5[%swap3A_1390, %swap3A_1391], %swap3A_1394 {strides = array<i32>} : memref<3x1024xf32, #tpu.memory_space<vmem>>, vector<1x16xf32>,
    %swap3A_1395 = arith.constant 1 : i32
    %swap3A_1396 = arith.index_cast %swap3A_1395 : i32 to index
    %swap3A_1397 = arith.constant 912 : index
    %swap3A_1398 = tpu.vector_load %arg5[%swap3A_1396, %swap3A_1397] {strides = array<i32>} : memref<3x1024xf32, #tpu.memory_space<vmem>>, vector<1x16xf32>,
    %swap3A_1399 = vector.shape_cast %swap3A_1398 : vector<1x16xf32> to vector<16xf32>
    %swap3A_1400 = vector.shape_cast %mul3A_1388 : vector<16xf32> to vector<1x16xf32>
    tpu.vector_store %arg5[%swap3A_1396, %swap3A_1397], %swap3A_1400 {strides = array<i32>} : memref<3x1024xf32, #tpu.memory_space<vmem>>, vector<1x16xf32>,
    %swap3A_1401 = arith.constant 2 : i32
    %swap3A_1402 = arith.index_cast %swap3A_1401 : i32 to index
    %swap3A_1403 = arith.constant 912 : index
    %swap3A_1404 = tpu.vector_load %arg5[%swap3A_1402, %swap3A_1403] {strides = array<i32>} : memref<3x1024xf32, #tpu.memory_space<vmem>>, vector<1x16xf32>,
    %swap3A_1405 = vector.shape_cast %swap3A_1404 : vector<1x16xf32> to vector<16xf32>
    %swap3A_1406 = vector.shape_cast %mul3A_1388 : vector<16xf32> to vector<1x16xf32>
    tpu.vector_store %arg5[%swap3A_1402, %swap3A_1403], %swap3A_1406 {strides = array<i32>} : memref<3x1024xf32, #tpu.memory_space<vmem>>, vector<1x16xf32>,
    %get3A_1407 = arith.constant 928 : index
    %get3A_1408 = tpu.vector_load %arg4[%get3A_1407] {strides = array<i32>} : memref<1024xf32, #tpu.memory_space<vmem>>, vector<16xf32>,
    %get3A_1409 = vector.shape_cast %get3A_1408 : vector<16xf32> to vector<16xf32>
    %mul3A_1410 = arith.constant -1.000000e+06 : f32
    %mul3A_1411 = vector.broadcast %mul3A_1410 : f32 to vector<16xf32>
    %mul3A_1412 = arith.mulf %get3A_1409, %mul3A_1411 : vector<16xf32>
    %swap3A_1413 = arith.constant 0 : i32
    %swap3A_1414 = arith.index_cast %swap3A_1413 : i32 to index
    %swap3A_1415 = arith.constant 928 : index
    %swap3A_1416 = tpu.vector_load %arg5[%swap3A_1414, %swap3A_1415] {strides = array<i32>} : memref<3x1024xf32, #tpu.memory_space<vmem>>, vector<1x16xf32>,
    %swap3A_1417 = vector.shape_cast %swap3A_1416 : vector<1x16xf32> to vector<16xf32>
    %swap3A_1418 = vector.shape_cast %mul3A_1412 : vector<16xf32> to vector<1x16xf32>
    tpu.vector_store %arg5[%swap3A_1414, %swap3A_1415], %swap3A_1418 {strides = array<i32>} : memref<3x1024xf32, #tpu.memory_space<vmem>>, vector<1x16xf32>,
    %swap3A_1419 = arith.constant 1 : i32
    %swap3A_1420 = arith.index_cast %swap3A_1419 : i32 to index
    %swap3A_1421 = arith.constant 928 : index
    %swap3A_1422 = tpu.vector_load %arg5[%swap3A_1420, %swap3A_1421] {strides = array<i32>} : memref<3x1024xf32, #tpu.memory_space<vmem>>, vector<1x16xf32>,
    %swap3A_1423 = vector.shape_cast %swap3A_1422 : vector<1x16xf32> to vector<16xf32>
    %swap3A_1424 = vector.shape_cast %mul3A_1412 : vector<16xf32> to vector<1x16xf32>
    tpu.vector_store %arg5[%swap3A_1420, %swap3A_1421], %swap3A_1424 {strides = array<i32>} : memref<3x1024xf32, #tpu.memory_space<vmem>>, vector<1x16xf32>,
    %swap3A_1425 = arith.constant 2 : i32
    %swap3A_1426 = arith.index_cast %swap3A_1425 : i32 to index
    %swap3A_1427 = arith.constant 928 : index
    %swap3A_1428 = tpu.vector_load %arg5[%swap3A_1426, %swap3A_1427] {strides = array<i32>} : memref<3x1024xf32, #tpu.memory_space<vmem>>, vector<1x16xf32>,
    %swap3A_1429 = vector.shape_cast %swap3A_1428 : vector<1x16xf32> to vector<16xf32>
    %swap3A_1430 = vector.shape_cast %mul3A_1412 : vector<16xf32> to vector<1x16xf32>
    tpu.vector_store %arg5[%swap3A_1426, %swap3A_1427], %swap3A_1430 {strides = array<i32>} : memref<3x1024xf32, #tpu.memory_space<vmem>>, vector<1x16xf32>,
    %get3A_1431 = arith.constant 944 : index
    %get3A_1432 = tpu.vector_load %arg4[%get3A_1431] {strides = array<i32>} : memref<1024xf32, #tpu.memory_space<vmem>>, vector<16xf32>,
    %get3A_1433 = vector.shape_cast %get3A_1432 : vector<16xf32> to vector<16xf32>
    %mul3A_1434 = arith.constant -1.000000e+06 : f32
    %mul3A_1435 = vector.broadcast %mul3A_1434 : f32 to vector<16xf32>
    %mul3A_1436 = arith.mulf %get3A_1433, %mul3A_1435 : vector<16xf32>
    %swap3A_1437 = arith.constant 0 : i32
    %swap3A_1438 = arith.index_cast %swap3A_1437 : i32 to index
    %swap3A_1439 = arith.constant 944 : index
    %swap3A_1440 = tpu.vector_load %arg5[%swap3A_1438, %swap3A_1439] {strides = array<i32>} : memref<3x1024xf32, #tpu.memory_space<vmem>>, vector<1x16xf32>,
    %swap3A_1441 = vector.shape_cast %swap3A_1440 : vector<1x16xf32> to vector<16xf32>
    %swap3A_1442 = vector.shape_cast %mul3A_1436 : vector<16xf32> to vector<1x16xf32>
    tpu.vector_store %arg5[%swap3A_1438, %swap3A_1439], %swap3A_1442 {strides = array<i32>} : memref<3x1024xf32, #tpu.memory_space<vmem>>, vector<1x16xf32>,
    %swap3A_1443 = arith.constant 1 : i32
    %swap3A_1444 = arith.index_cast %swap3A_1443 : i32 to index
    %swap3A_1445 = arith.constant 944 : index
    %swap3A_1446 = tpu.vector_load %arg5[%swap3A_1444, %swap3A_1445] {strides = array<i32>} : memref<3x1024xf32, #tpu.memory_space<vmem>>, vector<1x16xf32>,
    %swap3A_1447 = vector.shape_cast %swap3A_1446 : vector<1x16xf32> to vector<16xf32>
    %swap3A_1448 = vector.shape_cast %mul3A_1436 : vector<16xf32> to vector<1x16xf32>
    tpu.vector_store %arg5[%swap3A_1444, %swap3A_1445], %swap3A_1448 {strides = array<i32>} : memref<3x1024xf32, #tpu.memory_space<vmem>>, vector<1x16xf32>,
    %swap3A_1449 = arith.constant 2 : i32
    %swap3A_1450 = arith.index_cast %swap3A_1449 : i32 to index
    %swap3A_1451 = arith.constant 944 : index
    %swap3A_1452 = tpu.vector_load %arg5[%swap3A_1450, %swap3A_1451] {strides = array<i32>} : memref<3x1024xf32, #tpu.memory_space<vmem>>, vector<1x16xf32>,
    %swap3A_1453 = vector.shape_cast %swap3A_1452 : vector<1x16xf32> to vector<16xf32>
    %swap3A_1454 = vector.shape_cast %mul3A_1436 : vector<16xf32> to vector<1x16xf32>
    tpu.vector_store %arg5[%swap3A_1450, %swap3A_1451], %swap3A_1454 {strides = array<i32>} : memref<3x1024xf32, #tpu.memory_space<vmem>>, vector<1x16xf32>,
    %get3A_1455 = arith.constant 960 : index
    %get3A_1456 = tpu.vector_load %arg4[%get3A_1455] {strides = array<i32>} : memref<1024xf32, #tpu.memory_space<vmem>>, vector<16xf32>,
    %get3A_1457 = vector.shape_cast %get3A_1456 : vector<16xf32> to vector<16xf32>
    %mul3A_1458 = arith.constant -1.000000e+06 : f32
    %mul3A_1459 = vector.broadcast %mul3A_1458 : f32 to vector<16xf32>
    %mul3A_1460 = arith.mulf %get3A_1457, %mul3A_1459 : vector<16xf32>
    %swap3A_1461 = arith.constant 0 : i32
    %swap3A_1462 = arith.index_cast %swap3A_1461 : i32 to index
    %swap3A_1463 = arith.constant 960 : index
    %swap3A_1464 = tpu.vector_load %arg5[%swap3A_1462, %swap3A_1463] {strides = array<i32>} : memref<3x1024xf32, #tpu.memory_space<vmem>>, vector<1x16xf32>,
    %swap3A_1465 = vector.shape_cast %swap3A_1464 : vector<1x16xf32> to vector<16xf32>
    %swap3A_1466 = vector.shape_cast %mul3A_1460 : vector<16xf32> to vector<1x16xf32>
    tpu.vector_store %arg5[%swap3A_1462, %swap3A_1463], %swap3A_1466 {strides = array<i32>} : memref<3x1024xf32, #tpu.memory_space<vmem>>, vector<1x16xf32>,
    %swap3A_1467 = arith.constant 1 : i32
    %swap3A_1468 = arith.index_cast %swap3A_1467 : i32 to index
    %swap3A_1469 = arith.constant 960 : index
    %swap3A_1470 = tpu.vector_load %arg5[%swap3A_1468, %swap3A_1469] {strides = array<i32>} : memref<3x1024xf32, #tpu.memory_space<vmem>>, vector<1x16xf32>,
    %swap3A_1471 = vector.shape_cast %swap3A_1470 : vector<1x16xf32> to vector<16xf32>
    %swap3A_1472 = vector.shape_cast %mul3A_1460 : vector<16xf32> to vector<1x16xf32>
    tpu.vector_store %arg5[%swap3A_1468, %swap3A_1469], %swap3A_1472 {strides = array<i32>} : memref<3x1024xf32, #tpu.memory_space<vmem>>, vector<1x16xf32>,
    %swap3A_1473 = arith.constant 2 : i32
    %swap3A_1474 = arith.index_cast %swap3A_1473 : i32 to index
    %swap3A_1475 = arith.constant 960 : index
    %swap3A_1476 = tpu.vector_load %arg5[%swap3A_1474, %swap3A_1475] {strides = array<i32>} : memref<3x1024xf32, #tpu.memory_space<vmem>>, vector<1x16xf32>,
    %swap3A_1477 = vector.shape_cast %swap3A_1476 : vector<1x16xf32> to vector<16xf32>
    %swap3A_1478 = vector.shape_cast %mul3A_1460 : vector<16xf32> to vector<1x16xf32>
    tpu.vector_store %arg5[%swap3A_1474, %swap3A_1475], %swap3A_1478 {strides = array<i32>} : memref<3x1024xf32, #tpu.memory_space<vmem>>, vector<1x16xf32>,
    %get3A_1479 = arith.constant 976 : index
    %get3A_1480 = tpu.vector_load %arg4[%get3A_1479] {strides = array<i32>} : memref<1024xf32, #tpu.memory_space<vmem>>, vector<16xf32>,
    %get3A_1481 = vector.shape_cast %get3A_1480 : vector<16xf32> to vector<16xf32>
    %mul3A_1482 = arith.constant -1.000000e+06 : f32
    %mul3A_1483 = vector.broadcast %mul3A_1482 : f32 to vector<16xf32>
    %mul3A_1484 = arith.mulf %get3A_1481, %mul3A_1483 : vector<16xf32>
    %swap3A_1485 = arith.constant 0 : i32
    %swap3A_1486 = arith.index_cast %swap3A_1485 : i32 to index
    %swap3A_1487 = arith.constant 976 : index
    %swap3A_1488 = tpu.vector_load %arg5[%swap3A_1486, %swap3A_1487] {strides = array<i32>} : memref<3x1024xf32, #tpu.memory_space<vmem>>, vector<1x16xf32>,
    %swap3A_1489 = vector.shape_cast %swap3A_1488 : vector<1x16xf32> to vector<16xf32>
    %swap3A_1490 = vector.shape_cast %mul3A_1484 : vector<16xf32> to vector<1x16xf32>
    tpu.vector_store %arg5[%swap3A_1486, %swap3A_1487], %swap3A_1490 {strides = array<i32>} : memref<3x1024xf32, #tpu.memory_space<vmem>>, vector<1x16xf32>,
    %swap3A_1491 = arith.constant 1 : i32
    %swap3A_1492 = arith.index_cast %swap3A_1491 : i32 to index
    %swap3A_1493 = arith.constant 976 : index
    %swap3A_1494 = tpu.vector_load %arg5[%swap3A_1492, %swap3A_1493] {strides = array<i32>} : memref<3x1024xf32, #tpu.memory_space<vmem>>, vector<1x16xf32>,
    %swap3A_1495 = vector.shape_cast %swap3A_1494 : vector<1x16xf32> to vector<16xf32>
    %swap3A_1496 = vector.shape_cast %mul3A_1484 : vector<16xf32> to vector<1x16xf32>
    tpu.vector_store %arg5[%swap3A_1492, %swap3A_1493], %swap3A_1496 {strides = array<i32>} : memref<3x1024xf32, #tpu.memory_space<vmem>>, vector<1x16xf32>,
    %swap3A_1497 = arith.constant 2 : i32
    %swap3A_1498 = arith.index_cast %swap3A_1497 : i32 to index
    %swap3A_1499 = arith.constant 976 : index
    %swap3A_1500 = tpu.vector_load %arg5[%swap3A_1498, %swap3A_1499] {strides = array<i32>} : memref<3x1024xf32, #tpu.memory_space<vmem>>, vector<1x16xf32>,
    %swap3A_1501 = vector.shape_cast %swap3A_1500 : vector<1x16xf32> to vector<16xf32>
    %swap3A_1502 = vector.shape_cast %mul3A_1484 : vector<16xf32> to vector<1x16xf32>
    tpu.vector_store %arg5[%swap3A_1498, %swap3A_1499], %swap3A_1502 {strides = array<i32>} : memref<3x1024xf32, #tpu.memory_space<vmem>>, vector<1x16xf32>,
    %get3A_1503 = arith.constant 992 : index
    %get3A_1504 = tpu.vector_load %arg4[%get3A_1503] {strides = array<i32>} : memref<1024xf32, #tpu.memory_space<vmem>>, vector<16xf32>,
    %get3A_1505 = vector.shape_cast %get3A_1504 : vector<16xf32> to vector<16xf32>
    %mul3A_1506 = arith.constant -1.000000e+06 : f32
    %mul3A_1507 = vector.broadcast %mul3A_1506 : f32 to vector<16xf32>
    %mul3A_1508 = arith.mulf %get3A_1505, %mul3A_1507 : vector<16xf32>
    %swap3A_1509 = arith.constant 0 : i32
    %swap3A_1510 = arith.index_cast %swap3A_1509 : i32 to index
    %swap3A_1511 = arith.constant 992 : index
    %swap3A_1512 = tpu.vector_load %arg5[%swap3A_1510, %swap3A_1511] {strides = array<i32>} : memref<3x1024xf32, #tpu.memory_space<vmem>>, vector<1x16xf32>,
    %swap3A_1513 = vector.shape_cast %swap3A_1512 : vector<1x16xf32> to vector<16xf32>
    %swap3A_1514 = vector.shape_cast %mul3A_1508 : vector<16xf32> to vector<1x16xf32>
    tpu.vector_store %arg5[%swap3A_1510, %swap3A_1511], %swap3A_1514 {strides = array<i32>} : memref<3x1024xf32, #tpu.memory_space<vmem>>, vector<1x16xf32>,
    %swap3A_1515 = arith.constant 1 : i32
    %swap3A_1516 = arith.index_cast %swap3A_1515 : i32 to index
    %swap3A_1517 = arith.constant 992 : index
    %swap3A_1518 = tpu.vector_load %arg5[%swap3A_1516, %swap3A_1517] {strides = array<i32>} : memref<3x1024xf32, #tpu.memory_space<vmem>>, vector<1x16xf32>,
    %swap3A_1519 = vector.shape_cast %swap3A_1518 : vector<1x16xf32> to vector<16xf32>
    %swap3A_1520 = vector.shape_cast %mul3A_1508 : vector<16xf32> to vector<1x16xf32>
    tpu.vector_store %arg5[%swap3A_1516, %swap3A_1517], %swap3A_1520 {strides = array<i32>} : memref<3x1024xf32, #tpu.memory_space<vmem>>, vector<1x16xf32>,
    %swap3A_1521 = arith.constant 2 : i32
    %swap3A_1522 = arith.index_cast %swap3A_1521 : i32 to index
    %swap3A_1523 = arith.constant 992 : index
    %swap3A_1524 = tpu.vector_load %arg5[%swap3A_1522, %swap3A_1523] {strides = array<i32>} : memref<3x1024xf32, #tpu.memory_space<vmem>>, vector<1x16xf32>,
    %swap3A_1525 = vector.shape_cast %swap3A_1524 : vector<1x16xf32> to vector<16xf32>
    %swap3A_1526 = vector.shape_cast %mul3A_1508 : vector<16xf32> to vector<1x16xf32>
    tpu.vector_store %arg5[%swap3A_1522, %swap3A_1523], %swap3A_1526 {strides = array<i32>} : memref<3x1024xf32, #tpu.memory_space<vmem>>, vector<1x16xf32>,
    %get3A_1527 = arith.constant 1008 : index
    %get3A_1528 = tpu.vector_load %arg4[%get3A_1527] {strides = array<i32>} : memref<1024xf32, #tpu.memory_space<vmem>>, vector<16xf32>,
    %get3A_1529 = vector.shape_cast %get3A_1528 : vector<16xf32> to vector<16xf32>
    %mul3A_1530 = arith.constant -1.000000e+06 : f32
    %mul3A_1531 = vector.broadcast %mul3A_1530 : f32 to vector<16xf32>
    %mul3A_1532 = arith.mulf %get3A_1529, %mul3A_1531 : vector<16xf32>
    %swap3A_1533 = arith.constant 0 : i32
    %swap3A_1534 = arith.index_cast %swap3A_1533 : i32 to index
    %swap3A_1535 = arith.constant 1008 : index
    %swap3A_1536 = tpu.vector_load %arg5[%swap3A_1534, %swap3A_1535] {strides = array<i32>} : memref<3x1024xf32, #tpu.memory_space<vmem>>, vector<1x16xf32>,
    %swap3A_1537 = vector.shape_cast %swap3A_1536 : vector<1x16xf32> to vector<16xf32>
    %swap3A_1538 = vector.shape_cast %mul3A_1532 : vector<16xf32> to vector<1x16xf32>
    tpu.vector_store %arg5[%swap3A_1534, %swap3A_1535], %swap3A_1538 {strides = array<i32>} : memref<3x1024xf32, #tpu.memory_space<vmem>>, vector<1x16xf32>,
    %swap3A_1539 = arith.constant 1 : i32
    %swap3A_1540 = arith.index_cast %swap3A_1539 : i32 to index
    %swap3A_1541 = arith.constant 1008 : index
    %swap3A_1542 = tpu.vector_load %arg5[%swap3A_1540, %swap3A_1541] {strides = array<i32>} : memref<3x1024xf32, #tpu.memory_space<vmem>>, vector<1x16xf32>,
    %swap3A_1543 = vector.shape_cast %swap3A_1542 : vector<1x16xf32> to vector<16xf32>
    %swap3A_1544 = vector.shape_cast %mul3A_1532 : vector<16xf32> to vector<1x16xf32>
    tpu.vector_store %arg5[%swap3A_1540, %swap3A_1541], %swap3A_1544 {strides = array<i32>} : memref<3x1024xf32, #tpu.memory_space<vmem>>, vector<1x16xf32>,
    %swap3A_1545 = arith.constant 2 : i32
    %swap3A_1546 = arith.index_cast %swap3A_1545 : i32 to index
    %swap3A_1547 = arith.constant 1008 : index
    %swap3A_1548 = tpu.vector_load %arg5[%swap3A_1546, %swap3A_1547] {strides = array<i32>} : memref<3x1024xf32, #tpu.memory_space<vmem>>, vector<1x16xf32>,
    %swap3A_1549 = vector.shape_cast %swap3A_1548 : vector<1x16xf32> to vector<16xf32>
    %swap3A_1550 = vector.shape_cast %mul3A_1532 : vector<16xf32> to vector<1x16xf32>
    tpu.vector_store %arg5[%swap3A_1546, %swap3A_1547], %swap3A_1550 {strides = array<i32>} : memref<3x1024xf32, #tpu.memory_space<vmem>>, vector<1x16xf32>,
    %mul3A_1551 = arith.constant 16 : i32
    %mul3A_1552 = arith.muli %add3A, %mul3A_1551 : i32
    %add3A_1553 = arith.constant 0 : i32
    %add3A_1554 = arith.addi %mul3A_1552, %add3A_1553 : i32
    %dma_start3A = arith.constant 0 : i32
    %dma_start3A_1555 = arith.constant 0 : i32
    %dma_start3A_1556 = tpu.memref_slice %arg3[%add3A_1554, %dma_start3A, %dma_start3A_1555] : memref<512x3x1024xf32, #tpu.memory_space<hbm>> -> memref<1x3x1024xf32, #tpu.memory_space<hbm>>
    %dma_start3A_1557 = tpu.memref_squeeze %dma_start3A_1556 : memref<1x3x1024xf32, #tpu.memory_space<hbm>> -> memref<3x1024xf32, #tpu.memory_space<hbm>>
    %dma_start3A_1558 = arith.constant 0 : i32
    %dma_start3A_1559 = arith.constant 0 : i32
    %dma_start3A_1560 = tpu.memref_slice %arg3[%add3A_1554, %dma_start3A_1558, %dma_start3A_1559] : memref<512x3x1024xf32, #tpu.memory_space<hbm>> -> memref<1x3x1024xf32, #tpu.memory_space<hbm>>
    %dma_start3A_1561 = tpu.memref_squeeze %dma_start3A_1560 : memref<1x3x1024xf32, #tpu.memory_space<hbm>> -> memref<3x1024xf32, #tpu.memory_space<hbm>>
    tpu.enqueue_dma source(%arg5 : memref<3x1024xf32, #tpu.memory_space<vmem>>) target(%dma_start3A_1561 : memref<3x1024xf32, #tpu.memory_space<hbm>>) target_semaphore(%arg6 : memref<!tpu.dma_semaphore, #tpu.memory_space<semaphore_mem>>)
    %mul3A_1562 = arith.constant 16 : i32
    %mul3A_1563 = arith.muli %add3A, %mul3A_1562 : i32
    %add3A_1564 = arith.constant 1 : i32
    %add3A_1565 = arith.addi %mul3A_1563, %add3A_1564 : i32
    %dma_start3A_1566 = arith.constant 0 : i32
    %dma_start3A_1567 = arith.constant 0 : i32
    %dma_start3A_1568 = tpu.memref_slice %arg3[%add3A_1565, %dma_start3A_1566, %dma_start3A_1567] : memref<512x3x1024xf32, #tpu.memory_space<hbm>> -> memref<1x3x1024xf32, #tpu.memory_space<hbm>>
    %dma_start3A_1569 = tpu.memref_squeeze %dma_start3A_1568 : memref<1x3x1024xf32, #tpu.memory_space<hbm>> -> memref<3x1024xf32, #tpu.memory_space<hbm>>
    %dma_start3A_1570 = arith.constant 0 : i32
    %dma_start3A_1571 = arith.constant 0 : i32
    %dma_start3A_1572 = tpu.memref_slice %arg3[%add3A_1565, %dma_start3A_1570, %dma_start3A_1571] : memref<512x3x1024xf32, #tpu.memory_space<hbm>> -> memref<1x3x1024xf32, #tpu.memory_space<hbm>>
    %dma_start3A_1573 = tpu.memref_squeeze %dma_start3A_1572 : memref<1x3x1024xf32, #tpu.memory_space<hbm>> -> memref<3x1024xf32, #tpu.memory_space<hbm>>
    tpu.enqueue_dma source(%arg5 : memref<3x1024xf32, #tpu.memory_space<vmem>>) target(%dma_start3A_1573 : memref<3x1024xf32, #tpu.memory_space<hbm>>) target_semaphore(%arg6 : memref<!tpu.dma_semaphore, #tpu.memory_space<semaphore_mem>>)
    %mul3A_1574 = arith.constant 16 : i32
    %mul3A_1575 = arith.muli %add3A, %mul3A_1574 : i32
    %add3A_1576 = arith.constant 2 : i32
    %add3A_1577 = arith.addi %mul3A_1575, %add3A_1576 : i32
    %dma_start3A_1578 = arith.constant 0 : i32
    %dma_start3A_1579 = arith.constant 0 : i32
    %dma_start3A_1580 = tpu.memref_slice %arg3[%add3A_1577, %dma_start3A_1578, %dma_start3A_1579] : memref<512x3x1024xf32, #tpu.memory_space<hbm>> -> memref<1x3x1024xf32, #tpu.memory_space<hbm>>
    %dma_start3A_1581 = tpu.memref_squeeze %dma_start3A_1580 : memref<1x3x1024xf32, #tpu.memory_space<hbm>> -> memref<3x1024xf32, #tpu.memory_space<hbm>>
    %dma_start3A_1582 = arith.constant 0 : i32
    %dma_start3A_1583 = arith.constant 0 : i32
    %dma_start3A_1584 = tpu.memref_slice %arg3[%add3A_1577, %dma_start3A_1582, %dma_start3A_1583] : memref<512x3x1024xf32, #tpu.memory_space<hbm>> -> memref<1x3x1024xf32, #tpu.memory_space<hbm>>
    %dma_start3A_1585 = tpu.memref_squeeze %dma_start3A_1584 : memref<1x3x1024xf32, #tpu.memory_space<hbm>> -> memref<3x1024xf32, #tpu.memory_space<hbm>>
    tpu.enqueue_dma source(%arg5 : memref<3x1024xf32, #tpu.memory_space<vmem>>) target(%dma_start3A_1585 : memref<3x1024xf32, #tpu.memory_space<hbm>>) target_semaphore(%arg6 : memref<!tpu.dma_semaphore, #tpu.memory_space<semaphore_mem>>)
    %mul3A_1586 = arith.constant 16 : i32
    %mul3A_1587 = arith.muli %add3A, %mul3A_1586 : i32
    %add3A_1588 = arith.constant 3 : i32
    %add3A_1589 = arith.addi %mul3A_1587, %add3A_1588 : i32
    %dma_start3A_1590 = arith.constant 0 : i32
    %dma_start3A_1591 = arith.constant 0 : i32
    %dma_start3A_1592 = tpu.memref_slice %arg3[%add3A_1589, %dma_start3A_1590, %dma_start3A_1591] : memref<512x3x1024xf32, #tpu.memory_space<hbm>> -> memref<1x3x1024xf32, #tpu.memory_space<hbm>>
    %dma_start3A_1593 = tpu.memref_squeeze %dma_start3A_1592 : memref<1x3x1024xf32, #tpu.memory_space<hbm>> -> memref<3x1024xf32, #tpu.memory_space<hbm>>
    %dma_start3A_1594 = arith.constant 0 : i32
    %dma_start3A_1595 = arith.constant 0 : i32
    %dma_start3A_1596 = tpu.memref_slice %arg3[%add3A_1589, %dma_start3A_1594, %dma_start3A_1595] : memref<512x3x1024xf32, #tpu.memory_space<hbm>> -> memref<1x3x1024xf32, #tpu.memory_space<hbm>>
    %dma_start3A_1597 = tpu.memref_squeeze %dma_start3A_1596 : memref<1x3x1024xf32, #tpu.memory_space<hbm>> -> memref<3x1024xf32, #tpu.memory_space<hbm>>
    tpu.enqueue_dma source(%arg5 : memref<3x1024xf32, #tpu.memory_space<vmem>>) target(%dma_start3A_1597 : memref<3x1024xf32, #tpu.memory_space<hbm>>) target_semaphore(%arg6 : memref<!tpu.dma_semaphore, #tpu.memory_space<semaphore_mem>>)
    %mul3A_1598 = arith.constant 16 : i32
    %mul3A_1599 = arith.muli %add3A, %mul3A_1598 : i32
    %add3A_1600 = arith.constant 4 : i32
    %add3A_1601 = arith.addi %mul3A_1599, %add3A_1600 : i32
    %dma_start3A_1602 = arith.constant 0 : i32
    %dma_start3A_1603 = arith.constant 0 : i32
    %dma_start3A_1604 = tpu.memref_slice %arg3[%add3A_1601, %dma_start3A_1602, %dma_start3A_1603] : memref<512x3x1024xf32, #tpu.memory_space<hbm>> -> memref<1x3x1024xf32, #tpu.memory_space<hbm>>
    %dma_start3A_1605 = tpu.memref_squeeze %dma_start3A_1604 : memref<1x3x1024xf32, #tpu.memory_space<hbm>> -> memref<3x1024xf32, #tpu.memory_space<hbm>>
    %dma_start3A_1606 = arith.constant 0 : i32
    %dma_start3A_1607 = arith.constant 0 : i32
    %dma_start3A_1608 = tpu.memref_slice %arg3[%add3A_1601, %dma_start3A_1606, %dma_start3A_1607] : memref<512x3x1024xf32, #tpu.memory_space<hbm>> -> memref<1x3x1024xf32, #tpu.memory_space<hbm>>
    %dma_start3A_1609 = tpu.memref_squeeze %dma_start3A_1608 : memref<1x3x1024xf32, #tpu.memory_space<hbm>> -> memref<3x1024xf32, #tpu.memory_space<hbm>>
    tpu.enqueue_dma source(%arg5 : memref<3x1024xf32, #tpu.memory_space<vmem>>) target(%dma_start3A_1609 : memref<3x1024xf32, #tpu.memory_space<hbm>>) target_semaphore(%arg6 : memref<!tpu.dma_semaphore, #tpu.memory_space<semaphore_mem>>)
    %mul3A_1610 = arith.constant 16 : i32
    %mul3A_1611 = arith.muli %add3A, %mul3A_1610 : i32
    %add3A_1612 = arith.constant 5 : i32
    %add3A_1613 = arith.addi %mul3A_1611, %add3A_1612 : i32
    %dma_start3A_1614 = arith.constant 0 : i32
    %dma_start3A_1615 = arith.constant 0 : i32
    %dma_start3A_1616 = tpu.memref_slice %arg3[%add3A_1613, %dma_start3A_1614, %dma_start3A_1615] : memref<512x3x1024xf32, #tpu.memory_space<hbm>> -> memref<1x3x1024xf32, #tpu.memory_space<hbm>>
    %dma_start3A_1617 = tpu.memref_squeeze %dma_start3A_1616 : memref<1x3x1024xf32, #tpu.memory_space<hbm>> -> memref<3x1024xf32, #tpu.memory_space<hbm>>
    %dma_start3A_1618 = arith.constant 0 : i32
    %dma_start3A_1619 = arith.constant 0 : i32
    %dma_start3A_1620 = tpu.memref_slice %arg3[%add3A_1613, %dma_start3A_1618, %dma_start3A_1619] : memref<512x3x1024xf32, #tpu.memory_space<hbm>> -> memref<1x3x1024xf32, #tpu.memory_space<hbm>>
    %dma_start3A_1621 = tpu.memref_squeeze %dma_start3A_1620 : memref<1x3x1024xf32, #tpu.memory_space<hbm>> -> memref<3x1024xf32, #tpu.memory_space<hbm>>
    tpu.enqueue_dma source(%arg5 : memref<3x1024xf32, #tpu.memory_space<vmem>>) target(%dma_start3A_1621 : memref<3x1024xf32, #tpu.memory_space<hbm>>) target_semaphore(%arg6 : memref<!tpu.dma_semaphore, #tpu.memory_space<semaphore_mem>>)
    %mul3A_1622 = arith.constant 16 : i32
    %mul3A_1623 = arith.muli %add3A, %mul3A_1622 : i32
    %add3A_1624 = arith.constant 6 : i32
    %add3A_1625 = arith.addi %mul3A_1623, %add3A_1624 : i32
    %dma_start3A_1626 = arith.constant 0 : i32
    %dma_start3A_1627 = arith.constant 0 : i32
    %dma_start3A_1628 = tpu.memref_slice %arg3[%add3A_1625, %dma_start3A_1626, %dma_start3A_1627] : memref<512x3x1024xf32, #tpu.memory_space<hbm>> -> memref<1x3x1024xf32, #tpu.memory_space<hbm>>
    %dma_start3A_1629 = tpu.memref_squeeze %dma_start3A_1628 : memref<1x3x1024xf32, #tpu.memory_space<hbm>> -> memref<3x1024xf32, #tpu.memory_space<hbm>>
    %dma_start3A_1630 = arith.constant 0 : i32
    %dma_start3A_1631 = arith.constant 0 : i32
    %dma_start3A_1632 = tpu.memref_slice %arg3[%add3A_1625, %dma_start3A_1630, %dma_start3A_1631] : memref<512x3x1024xf32, #tpu.memory_space<hbm>> -> memref<1x3x1024xf32, #tpu.memory_space<hbm>>
    %dma_start3A_1633 = tpu.memref_squeeze %dma_start3A_1632 : memref<1x3x1024xf32, #tpu.memory_space<hbm>> -> memref<3x1024xf32, #tpu.memory_space<hbm>>
    tpu.enqueue_dma source(%arg5 : memref<3x1024xf32, #tpu.memory_space<vmem>>) target(%dma_start3A_1633 : memref<3x1024xf32, #tpu.memory_space<hbm>>) target_semaphore(%arg6 : memref<!tpu.dma_semaphore, #tpu.memory_space<semaphore_mem>>)
    %mul3A_1634 = arith.constant 16 : i32
    %mul3A_1635 = arith.muli %add3A, %mul3A_1634 : i32
    %add3A_1636 = arith.constant 7 : i32
    %add3A_1637 = arith.addi %mul3A_1635, %add3A_1636 : i32
    %dma_start3A_1638 = arith.constant 0 : i32
    %dma_start3A_1639 = arith.constant 0 : i32
    %dma_start3A_1640 = tpu.memref_slice %arg3[%add3A_1637, %dma_start3A_1638, %dma_start3A_1639] : memref<512x3x1024xf32, #tpu.memory_space<hbm>> -> memref<1x3x1024xf32, #tpu.memory_space<hbm>>
    %dma_start3A_1641 = tpu.memref_squeeze %dma_start3A_1640 : memref<1x3x1024xf32, #tpu.memory_space<hbm>> -> memref<3x1024xf32, #tpu.memory_space<hbm>>
    %dma_start3A_1642 = arith.constant 0 : i32
    %dma_start3A_1643 = arith.constant 0 : i32
    %dma_start3A_1644 = tpu.memref_slice %arg3[%add3A_1637, %dma_start3A_1642, %dma_start3A_1643] : memref<512x3x1024xf32, #tpu.memory_space<hbm>> -> memref<1x3x1024xf32, #tpu.memory_space<hbm>>
    %dma_start3A_1645 = tpu.memref_squeeze %dma_start3A_1644 : memref<1x3x1024xf32, #tpu.memory_space<hbm>> -> memref<3x1024xf32, #tpu.memory_space<hbm>>
    tpu.enqueue_dma source(%arg5 : memref<3x1024xf32, #tpu.memory_space<vmem>>) target(%dma_start3A_1645 : memref<3x1024xf32, #tpu.memory_space<hbm>>) target_semaphore(%arg6 : memref<!tpu.dma_semaphore, #tpu.memory_space<semaphore_mem>>)
    %mul3A_1646 = arith.constant 16 : i32
    %mul3A_1647 = arith.muli %add3A, %mul3A_1646 : i32
    %add3A_1648 = arith.constant 8 : i32
    %add3A_1649 = arith.addi %mul3A_1647, %add3A_1648 : i32
    %dma_start3A_1650 = arith.constant 0 : i32
    %dma_start3A_1651 = arith.constant 0 : i32
    %dma_start3A_1652 = tpu.memref_slice %arg3[%add3A_1649, %dma_start3A_1650, %dma_start3A_1651] : memref<512x3x1024xf32, #tpu.memory_space<hbm>> -> memref<1x3x1024xf32, #tpu.memory_space<hbm>>
    %dma_start3A_1653 = tpu.memref_squeeze %dma_start3A_1652 : memref<1x3x1024xf32, #tpu.memory_space<hbm>> -> memref<3x1024xf32, #tpu.memory_space<hbm>>
    %dma_start3A_1654 = arith.constant 0 : i32
    %dma_start3A_1655 = arith.constant 0 : i32
    %dma_start3A_1656 = tpu.memref_slice %arg3[%add3A_1649, %dma_start3A_1654, %dma_start3A_1655] : memref<512x3x1024xf32, #tpu.memory_space<hbm>> -> memref<1x3x1024xf32, #tpu.memory_space<hbm>>
    %dma_start3A_1657 = tpu.memref_squeeze %dma_start3A_1656 : memref<1x3x1024xf32, #tpu.memory_space<hbm>> -> memref<3x1024xf32, #tpu.memory_space<hbm>>
    tpu.enqueue_dma source(%arg5 : memref<3x1024xf32, #tpu.memory_space<vmem>>) target(%dma_start3A_1657 : memref<3x1024xf32, #tpu.memory_space<hbm>>) target_semaphore(%arg6 : memref<!tpu.dma_semaphore, #tpu.memory_space<semaphore_mem>>)
    %mul3A_1658 = arith.constant 16 : i32
    %mul3A_1659 = arith.muli %add3A, %mul3A_1658 : i32
    %add3A_1660 = arith.constant 9 : i32
    %add3A_1661 = arith.addi %mul3A_1659, %add3A_1660 : i32
    %dma_start3A_1662 = arith.constant 0 : i32
    %dma_start3A_1663 = arith.constant 0 : i32
    %dma_start3A_1664 = tpu.memref_slice %arg3[%add3A_1661, %dma_start3A_1662, %dma_start3A_1663] : memref<512x3x1024xf32, #tpu.memory_space<hbm>> -> memref<1x3x1024xf32, #tpu.memory_space<hbm>>
    %dma_start3A_1665 = tpu.memref_squeeze %dma_start3A_1664 : memref<1x3x1024xf32, #tpu.memory_space<hbm>> -> memref<3x1024xf32, #tpu.memory_space<hbm>>
    %dma_start3A_1666 = arith.constant 0 : i32
    %dma_start3A_1667 = arith.constant 0 : i32
    %dma_start3A_1668 = tpu.memref_slice %arg3[%add3A_1661, %dma_start3A_1666, %dma_start3A_1667] : memref<512x3x1024xf32, #tpu.memory_space<hbm>> -> memref<1x3x1024xf32, #tpu.memory_space<hbm>>
    %dma_start3A_1669 = tpu.memref_squeeze %dma_start3A_1668 : memref<1x3x1024xf32, #tpu.memory_space<hbm>> -> memref<3x1024xf32, #tpu.memory_space<hbm>>
    tpu.enqueue_dma source(%arg5 : memref<3x1024xf32, #tpu.memory_space<vmem>>) target(%dma_start3A_1669 : memref<3x1024xf32, #tpu.memory_space<hbm>>) target_semaphore(%arg6 : memref<!tpu.dma_semaphore, #tpu.memory_space<semaphore_mem>>)
    %mul3A_1670 = arith.constant 16 : i32
    %mul3A_1671 = arith.muli %add3A, %mul3A_1670 : i32
    %add3A_1672 = arith.constant 10 : i32
    %add3A_1673 = arith.addi %mul3A_1671, %add3A_1672 : i32
    %dma_start3A_1674 = arith.constant 0 : i32
    %dma_start3A_1675 = arith.constant 0 : i32
    %dma_start3A_1676 = tpu.memref_slice %arg3[%add3A_1673, %dma_start3A_1674, %dma_start3A_1675] : memref<512x3x1024xf32, #tpu.memory_space<hbm>> -> memref<1x3x1024xf32, #tpu.memory_space<hbm>>
    %dma_start3A_1677 = tpu.memref_squeeze %dma_start3A_1676 : memref<1x3x1024xf32, #tpu.memory_space<hbm>> -> memref<3x1024xf32, #tpu.memory_space<hbm>>
    %dma_start3A_1678 = arith.constant 0 : i32
    %dma_start3A_1679 = arith.constant 0 : i32
    %dma_start3A_1680 = tpu.memref_slice %arg3[%add3A_1673, %dma_start3A_1678, %dma_start3A_1679] : memref<512x3x1024xf32, #tpu.memory_space<hbm>> -> memref<1x3x1024xf32, #tpu.memory_space<hbm>>
    %dma_start3A_1681 = tpu.memref_squeeze %dma_start3A_1680 : memref<1x3x1024xf32, #tpu.memory_space<hbm>> -> memref<3x1024xf32, #tpu.memory_space<hbm>>
    tpu.enqueue_dma source(%arg5 : memref<3x1024xf32, #tpu.memory_space<vmem>>) target(%dma_start3A_1681 : memref<3x1024xf32, #tpu.memory_space<hbm>>) target_semaphore(%arg6 : memref<!tpu.dma_semaphore, #tpu.memory_space<semaphore_mem>>)
    %mul3A_1682 = arith.constant 16 : i32
    %mul3A_1683 = arith.muli %add3A, %mul3A_1682 : i32
    %add3A_1684 = arith.constant 11 : i32
    %add3A_1685 = arith.addi %mul3A_1683, %add3A_1684 : i32
    %dma_start3A_1686 = arith.constant 0 : i32
    %dma_start3A_1687 = arith.constant 0 : i32
    %dma_start3A_1688 = tpu.memref_slice %arg3[%add3A_1685, %dma_start3A_1686, %dma_start3A_1687] : memref<512x3x1024xf32, #tpu.memory_space<hbm>> -> memref<1x3x1024xf32, #tpu.memory_space<hbm>>
    %dma_start3A_1689 = tpu.memref_squeeze %dma_start3A_1688 : memref<1x3x1024xf32, #tpu.memory_space<hbm>> -> memref<3x1024xf32, #tpu.memory_space<hbm>>
    %dma_start3A_1690 = arith.constant 0 : i32
    %dma_start3A_1691 = arith.constant 0 : i32
    %dma_start3A_1692 = tpu.memref_slice %arg3[%add3A_1685, %dma_start3A_1690, %dma_start3A_1691] : memref<512x3x1024xf32, #tpu.memory_space<hbm>> -> memref<1x3x1024xf32, #tpu.memory_space<hbm>>
    %dma_start3A_1693 = tpu.memref_squeeze %dma_start3A_1692 : memref<1x3x1024xf32, #tpu.memory_space<hbm>> -> memref<3x1024xf32, #tpu.memory_space<hbm>>
    tpu.enqueue_dma source(%arg5 : memref<3x1024xf32, #tpu.memory_space<vmem>>) target(%dma_start3A_1693 : memref<3x1024xf32, #tpu.memory_space<hbm>>) target_semaphore(%arg6 : memref<!tpu.dma_semaphore, #tpu.memory_space<semaphore_mem>>)
    %mul3A_1694 = arith.constant 16 : i32
    %mul3A_1695 = arith.muli %add3A, %mul3A_1694 : i32
    %add3A_1696 = arith.constant 12 : i32
    %add3A_1697 = arith.addi %mul3A_1695, %add3A_1696 : i32
    %dma_start3A_1698 = arith.constant 0 : i32
    %dma_start3A_1699 = arith.constant 0 : i32
    %dma_start3A_1700 = tpu.memref_slice %arg3[%add3A_1697, %dma_start3A_1698, %dma_start3A_1699] : memref<512x3x1024xf32, #tpu.memory_space<hbm>> -> memref<1x3x1024xf32, #tpu.memory_space<hbm>>
    %dma_start3A_1701 = tpu.memref_squeeze %dma_start3A_1700 : memref<1x3x1024xf32, #tpu.memory_space<hbm>> -> memref<3x1024xf32, #tpu.memory_space<hbm>>
    %dma_start3A_1702 = arith.constant 0 : i32
    %dma_start3A_1703 = arith.constant 0 : i32
    %dma_start3A_1704 = tpu.memref_slice %arg3[%add3A_1697, %dma_start3A_1702, %dma_start3A_1703] : memref<512x3x1024xf32, #tpu.memory_space<hbm>> -> memref<1x3x1024xf32, #tpu.memory_space<hbm>>
    %dma_start3A_1705 = tpu.memref_squeeze %dma_start3A_1704 : memref<1x3x1024xf32, #tpu.memory_space<hbm>> -> memref<3x1024xf32, #tpu.memory_space<hbm>>
    tpu.enqueue_dma source(%arg5 : memref<3x1024xf32, #tpu.memory_space<vmem>>) target(%dma_start3A_1705 : memref<3x1024xf32, #tpu.memory_space<hbm>>) target_semaphore(%arg6 : memref<!tpu.dma_semaphore, #tpu.memory_space<semaphore_mem>>)
    %mul3A_1706 = arith.constant 16 : i32
    %mul3A_1707 = arith.muli %add3A, %mul3A_1706 : i32
    %add3A_1708 = arith.constant 13 : i32
    %add3A_1709 = arith.addi %mul3A_1707, %add3A_1708 : i32
    %dma_start3A_1710 = arith.constant 0 : i32
    %dma_start3A_1711 = arith.constant 0 : i32
    %dma_start3A_1712 = tpu.memref_slice %arg3[%add3A_1709, %dma_start3A_1710, %dma_start3A_1711] : memref<512x3x1024xf32, #tpu.memory_space<hbm>> -> memref<1x3x1024xf32, #tpu.memory_space<hbm>>
    %dma_start3A_1713 = tpu.memref_squeeze %dma_start3A_1712 : memref<1x3x1024xf32, #tpu.memory_space<hbm>> -> memref<3x1024xf32, #tpu.memory_space<hbm>>
    %dma_start3A_1714 = arith.constant 0 : i32
    %dma_start3A_1715 = arith.constant 0 : i32
    %dma_start3A_1716 = tpu.memref_slice %arg3[%add3A_1709, %dma_start3A_1714, %dma_start3A_1715] : memref<512x3x1024xf32, #tpu.memory_space<hbm>> -> memref<1x3x1024xf32, #tpu.memory_space<hbm>>
    %dma_start3A_1717 = tpu.memref_squeeze %dma_start3A_1716 : memref<1x3x1024xf32, #tpu.memory_space<hbm>> -> memref<3x1024xf32, #tpu.memory_space<hbm>>
    tpu.enqueue_dma source(%arg5 : memref<3x1024xf32, #tpu.memory_space<vmem>>) target(%dma_start3A_1717 : memref<3x1024xf32, #tpu.memory_space<hbm>>) target_semaphore(%arg6 : memref<!tpu.dma_semaphore, #tpu.memory_space<semaphore_mem>>)
    %mul3A_1718 = arith.constant 16 : i32
    %mul3A_1719 = arith.muli %add3A, %mul3A_1718 : i32
    %add3A_1720 = arith.constant 14 : i32
    %add3A_1721 = arith.addi %mul3A_1719, %add3A_1720 : i32
    %dma_start3A_1722 = arith.constant 0 : i32
    %dma_start3A_1723 = arith.constant 0 : i32
    %dma_start3A_1724 = tpu.memref_slice %arg3[%add3A_1721, %dma_start3A_1722, %dma_start3A_1723] : memref<512x3x1024xf32, #tpu.memory_space<hbm>> -> memref<1x3x1024xf32, #tpu.memory_space<hbm>>
    %dma_start3A_1725 = tpu.memref_squeeze %dma_start3A_1724 : memref<1x3x1024xf32, #tpu.memory_space<hbm>> -> memref<3x1024xf32, #tpu.memory_space<hbm>>
    %dma_start3A_1726 = arith.constant 0 : i32
    %dma_start3A_1727 = arith.constant 0 : i32
    %dma_start3A_1728 = tpu.memref_slice %arg3[%add3A_1721, %dma_start3A_1726, %dma_start3A_1727] : memref<512x3x1024xf32, #tpu.memory_space<hbm>> -> memref<1x3x1024xf32, #tpu.memory_space<hbm>>
    %dma_start3A_1729 = tpu.memref_squeeze %dma_start3A_1728 : memref<1x3x1024xf32, #tpu.memory_space<hbm>> -> memref<3x1024xf32, #tpu.memory_space<hbm>>
    tpu.enqueue_dma source(%arg5 : memref<3x1024xf32, #tpu.memory_space<vmem>>) target(%dma_start3A_1729 : memref<3x1024xf32, #tpu.memory_space<hbm>>) target_semaphore(%arg6 : memref<!tpu.dma_semaphore, #tpu.memory_space<semaphore_mem>>)
    %mul3A_1730 = arith.constant 16 : i32
    %mul3A_1731 = arith.muli %add3A, %mul3A_1730 : i32
    %add3A_1732 = arith.constant 15 : i32
    %add3A_1733 = arith.addi %mul3A_1731, %add3A_1732 : i32
    %dma_start3A_1734 = arith.constant 0 : i32
    %dma_start3A_1735 = arith.constant 0 : i32
    %dma_start3A_1736 = tpu.memref_slice %arg3[%add3A_1733, %dma_start3A_1734, %dma_start3A_1735] : memref<512x3x1024xf32, #tpu.memory_space<hbm>> -> memref<1x3x1024xf32, #tpu.memory_space<hbm>>
    %dma_start3A_1737 = tpu.memref_squeeze %dma_start3A_1736 : memref<1x3x1024xf32, #tpu.memory_space<hbm>> -> memref<3x1024xf32, #tpu.memory_space<hbm>>
    %dma_start3A_1738 = arith.constant 0 : i32
    %dma_start3A_1739 = arith.constant 0 : i32
    %dma_start3A_1740 = tpu.memref_slice %arg3[%add3A_1733, %dma_start3A_1738, %dma_start3A_1739] : memref<512x3x1024xf32, #tpu.memory_space<hbm>> -> memref<1x3x1024xf32, #tpu.memory_space<hbm>>
    %dma_start3A_1741 = tpu.memref_squeeze %dma_start3A_1740 : memref<1x3x1024xf32, #tpu.memory_space<hbm>> -> memref<3x1024xf32, #tpu.memory_space<hbm>>
    tpu.enqueue_dma source(%arg5 : memref<3x1024xf32, #tpu.memory_space<vmem>>) target(%dma_start3A_1741 : memref<3x1024xf32, #tpu.memory_space<hbm>>) target_semaphore(%arg6 : memref<!tpu.dma_semaphore, #tpu.memory_space<semaphore_mem>>)
    %dma_wait3A = arith.constant 0 : i32
    %dma_wait3A_1742 = arith.constant 0 : i32
    %dma_wait3A_1743 = tpu.memref_slice %arg3[%add3A_1554, %dma_wait3A, %dma_wait3A_1742] : memref<512x3x1024xf32, #tpu.memory_space<hbm>> -> memref<1x3x1024xf32, #tpu.memory_space<hbm>>
    %dma_wait3A_1744 = tpu.memref_squeeze %dma_wait3A_1743 : memref<1x3x1024xf32, #tpu.memory_space<hbm>> -> memref<3x1024xf32, #tpu.memory_space<hbm>>
    %dma_wait3A_1745 = arith.constant 0 : i32
    %dma_wait3A_1746 = arith.constant 0 : i32
    %dma_wait3A_1747 = tpu.memref_slice %arg3[%add3A_1554, %dma_wait3A_1745, %dma_wait3A_1746] : memref<512x3x1024xf32, #tpu.memory_space<hbm>> -> memref<1x3x1024xf32, #tpu.memory_space<hbm>>
    %dma_wait3A_1748 = tpu.memref_squeeze %dma_wait3A_1747 : memref<1x3x1024xf32, #tpu.memory_space<hbm>> -> memref<3x1024xf32, #tpu.memory_space<hbm>>
    tpu.wait_dma2 semaphore(%arg6 : memref<!tpu.dma_semaphore, #tpu.memory_space<semaphore_mem>>) src(%arg5 : memref<3x1024xf32, #tpu.memory_space<vmem>>) dst(%dma_wait3A_1748 : memref<3x1024xf32, #tpu.memory_space<hbm>>)
    %dma_wait3A_1749 = arith.constant 0 : i32
    %dma_wait3A_1750 = arith.constant 0 : i32
    %dma_wait3A_1751 = tpu.memref_slice %arg3[%add3A_1565, %dma_wait3A_1749, %dma_wait3A_1750] : memref<512x3x1024xf32, #tpu.memory_space<hbm>> -> memref<1x3x1024xf32, #tpu.memory_space<hbm>>
    %dma_wait3A_1752 = tpu.memref_squeeze %dma_wait3A_1751 : memref<1x3x1024xf32, #tpu.memory_space<hbm>> -> memref<3x1024xf32, #tpu.memory_space<hbm>>
    %dma_wait3A_1753 = arith.constant 0 : i32
    %dma_wait3A_1754 = arith.constant 0 : i32
    %dma_wait3A_1755 = tpu.memref_slice %arg3[%add3A_1565, %dma_wait3A_1753, %dma_wait3A_1754] : memref<512x3x1024xf32, #tpu.memory_space<hbm>> -> memref<1x3x1024xf32, #tpu.memory_space<hbm>>
    %dma_wait3A_1756 = tpu.memref_squeeze %dma_wait3A_1755 : memref<1x3x1024xf32, #tpu.memory_space<hbm>> -> memref<3x1024xf32, #tpu.memory_space<hbm>>
    tpu.wait_dma2 semaphore(%arg6 : memref<!tpu.dma_semaphore, #tpu.memory_space<semaphore_mem>>) src(%arg5 : memref<3x1024xf32, #tpu.memory_space<vmem>>) dst(%dma_wait3A_1756 : memref<3x1024xf32, #tpu.memory_space<hbm>>)
    %dma_wait3A_1757 = arith.constant 0 : i32
    %dma_wait3A_1758 = arith.constant 0 : i32
    %dma_wait3A_1759 = tpu.memref_slice %arg3[%add3A_1577, %dma_wait3A_1757, %dma_wait3A_1758] : memref<512x3x1024xf32, #tpu.memory_space<hbm>> -> memref<1x3x1024xf32, #tpu.memory_space<hbm>>
    %dma_wait3A_1760 = tpu.memref_squeeze %dma_wait3A_1759 : memref<1x3x1024xf32, #tpu.memory_space<hbm>> -> memref<3x1024xf32, #tpu.memory_space<hbm>>
    %dma_wait3A_1761 = arith.constant 0 : i32
    %dma_wait3A_1762 = arith.constant 0 : i32
    %dma_wait3A_1763 = tpu.memref_slice %arg3[%add3A_1577, %dma_wait3A_1761, %dma_wait3A_1762] : memref<512x3x1024xf32, #tpu.memory_space<hbm>> -> memref<1x3x1024xf32, #tpu.memory_space<hbm>>
    %dma_wait3A_1764 = tpu.memref_squeeze %dma_wait3A_1763 : memref<1x3x1024xf32, #tpu.memory_space<hbm>> -> memref<3x1024xf32, #tpu.memory_space<hbm>>
    tpu.wait_dma2 semaphore(%arg6 : memref<!tpu.dma_semaphore, #tpu.memory_space<semaphore_mem>>) src(%arg5 : memref<3x1024xf32, #tpu.memory_space<vmem>>) dst(%dma_wait3A_1764 : memref<3x1024xf32, #tpu.memory_space<hbm>>)
    %dma_wait3A_1765 = arith.constant 0 : i32
    %dma_wait3A_1766 = arith.constant 0 : i32
    %dma_wait3A_1767 = tpu.memref_slice %arg3[%add3A_1589, %dma_wait3A_1765, %dma_wait3A_1766] : memref<512x3x1024xf32, #tpu.memory_space<hbm>> -> memref<1x3x1024xf32, #tpu.memory_space<hbm>>
    %dma_wait3A_1768 = tpu.memref_squeeze %dma_wait3A_1767 : memref<1x3x1024xf32, #tpu.memory_space<hbm>> -> memref<3x1024xf32, #tpu.memory_space<hbm>>
    %dma_wait3A_1769 = arith.constant 0 : i32
    %dma_wait3A_1770 = arith.constant 0 : i32
    %dma_wait3A_1771 = tpu.memref_slice %arg3[%add3A_1589, %dma_wait3A_1769, %dma_wait3A_1770] : memref<512x3x1024xf32, #tpu.memory_space<hbm>> -> memref<1x3x1024xf32, #tpu.memory_space<hbm>>
    %dma_wait3A_1772 = tpu.memref_squeeze %dma_wait3A_1771 : memref<1x3x1024xf32, #tpu.memory_space<hbm>> -> memref<3x1024xf32, #tpu.memory_space<hbm>>
    tpu.wait_dma2 semaphore(%arg6 : memref<!tpu.dma_semaphore, #tpu.memory_space<semaphore_mem>>) src(%arg5 : memref<3x1024xf32, #tpu.memory_space<vmem>>) dst(%dma_wait3A_1772 : memref<3x1024xf32, #tpu.memory_space<hbm>>)
    %dma_wait3A_1773 = arith.constant 0 : i32
    %dma_wait3A_1774 = arith.constant 0 : i32
    %dma_wait3A_1775 = tpu.memref_slice %arg3[%add3A_1601, %dma_wait3A_1773, %dma_wait3A_1774] : memref<512x3x1024xf32, #tpu.memory_space<hbm>> -> memref<1x3x1024xf32, #tpu.memory_space<hbm>>
    %dma_wait3A_1776 = tpu.memref_squeeze %dma_wait3A_1775 : memref<1x3x1024xf32, #tpu.memory_space<hbm>> -> memref<3x1024xf32, #tpu.memory_space<hbm>>
    %dma_wait3A_1777 = arith.constant 0 : i32
    %dma_wait3A_1778 = arith.constant 0 : i32
    %dma_wait3A_1779 = tpu.memref_slice %arg3[%add3A_1601, %dma_wait3A_1777, %dma_wait3A_1778] : memref<512x3x1024xf32, #tpu.memory_space<hbm>> -> memref<1x3x1024xf32, #tpu.memory_space<hbm>>
    %dma_wait3A_1780 = tpu.memref_squeeze %dma_wait3A_1779 : memref<1x3x1024xf32, #tpu.memory_space<hbm>> -> memref<3x1024xf32, #tpu.memory_space<hbm>>
    tpu.wait_dma2 semaphore(%arg6 : memref<!tpu.dma_semaphore, #tpu.memory_space<semaphore_mem>>) src(%arg5 : memref<3x1024xf32, #tpu.memory_space<vmem>>) dst(%dma_wait3A_1780 : memref<3x1024xf32, #tpu.memory_space<hbm>>)
    %dma_wait3A_1781 = arith.constant 0 : i32
    %dma_wait3A_1782 = arith.constant 0 : i32
    %dma_wait3A_1783 = tpu.memref_slice %arg3[%add3A_1613, %dma_wait3A_1781, %dma_wait3A_1782] : memref<512x3x1024xf32, #tpu.memory_space<hbm>> -> memref<1x3x1024xf32, #tpu.memory_space<hbm>>
    %dma_wait3A_1784 = tpu.memref_squeeze %dma_wait3A_1783 : memref<1x3x1024xf32, #tpu.memory_space<hbm>> -> memref<3x1024xf32, #tpu.memory_space<hbm>>
    %dma_wait3A_1785 = arith.constant 0 : i32
    %dma_wait3A_1786 = arith.constant 0 : i32
    %dma_wait3A_1787 = tpu.memref_slice %arg3[%add3A_1613, %dma_wait3A_1785, %dma_wait3A_1786] : memref<512x3x1024xf32, #tpu.memory_space<hbm>> -> memref<1x3x1024xf32, #tpu.memory_space<hbm>>
    %dma_wait3A_1788 = tpu.memref_squeeze %dma_wait3A_1787 : memref<1x3x1024xf32, #tpu.memory_space<hbm>> -> memref<3x1024xf32, #tpu.memory_space<hbm>>
    tpu.wait_dma2 semaphore(%arg6 : memref<!tpu.dma_semaphore, #tpu.memory_space<semaphore_mem>>) src(%arg5 : memref<3x1024xf32, #tpu.memory_space<vmem>>) dst(%dma_wait3A_1788 : memref<3x1024xf32, #tpu.memory_space<hbm>>)
    %dma_wait3A_1789 = arith.constant 0 : i32
    %dma_wait3A_1790 = arith.constant 0 : i32
    %dma_wait3A_1791 = tpu.memref_slice %arg3[%add3A_1625, %dma_wait3A_1789, %dma_wait3A_1790] : memref<512x3x1024xf32, #tpu.memory_space<hbm>> -> memref<1x3x1024xf32, #tpu.memory_space<hbm>>
    %dma_wait3A_1792 = tpu.memref_squeeze %dma_wait3A_1791 : memref<1x3x1024xf32, #tpu.memory_space<hbm>> -> memref<3x1024xf32, #tpu.memory_space<hbm>>
    %dma_wait3A_1793 = arith.constant 0 : i32
    %dma_wait3A_1794 = arith.constant 0 : i32
    %dma_wait3A_1795 = tpu.memref_slice %arg3[%add3A_1625, %dma_wait3A_1793, %dma_wait3A_1794] : memref<512x3x1024xf32, #tpu.memory_space<hbm>> -> memref<1x3x1024xf32, #tpu.memory_space<hbm>>
    %dma_wait3A_1796 = tpu.memref_squeeze %dma_wait3A_1795 : memref<1x3x1024xf32, #tpu.memory_space<hbm>> -> memref<3x1024xf32, #tpu.memory_space<hbm>>
    tpu.wait_dma2 semaphore(%arg6 : memref<!tpu.dma_semaphore, #tpu.memory_space<semaphore_mem>>) src(%arg5 : memref<3x1024xf32, #tpu.memory_space<vmem>>) dst(%dma_wait3A_1796 : memref<3x1024xf32, #tpu.memory_space<hbm>>)
    %dma_wait3A_1797 = arith.constant 0 : i32
    %dma_wait3A_1798 = arith.constant 0 : i32
    %dma_wait3A_1799 = tpu.memref_slice %arg3[%add3A_1637, %dma_wait3A_1797, %dma_wait3A_1798] : memref<512x3x1024xf32, #tpu.memory_space<hbm>> -> memref<1x3x1024xf32, #tpu.memory_space<hbm>>
    %dma_wait3A_1800 = tpu.memref_squeeze %dma_wait3A_1799 : memref<1x3x1024xf32, #tpu.memory_space<hbm>> -> memref<3x1024xf32, #tpu.memory_space<hbm>>
    %dma_wait3A_1801 = arith.constant 0 : i32
    %dma_wait3A_1802 = arith.constant 0 : i32
    %dma_wait3A_1803 = tpu.memref_slice %arg3[%add3A_1637, %dma_wait3A_1801, %dma_wait3A_1802] : memref<512x3x1024xf32, #tpu.memory_space<hbm>> -> memref<1x3x1024xf32, #tpu.memory_space<hbm>>
    %dma_wait3A_1804 = tpu.memref_squeeze %dma_wait3A_1803 : memref<1x3x1024xf32, #tpu.memory_space<hbm>> -> memref<3x1024xf32, #tpu.memory_space<hbm>>
    tpu.wait_dma2 semaphore(%arg6 : memref<!tpu.dma_semaphore, #tpu.memory_space<semaphore_mem>>) src(%arg5 : memref<3x1024xf32, #tpu.memory_space<vmem>>) dst(%dma_wait3A_1804 : memref<3x1024xf32, #tpu.memory_space<hbm>>)
    %dma_wait3A_1805 = arith.constant 0 : i32
    %dma_wait3A_1806 = arith.constant 0 : i32
    %dma_wait3A_1807 = tpu.memref_slice %arg3[%add3A_1649, %dma_wait3A_1805, %dma_wait3A_1806] : memref<512x3x1024xf32, #tpu.memory_space<hbm>> -> memref<1x3x1024xf32, #tpu.memory_space<hbm>>
    %dma_wait3A_1808 = tpu.memref_squeeze %dma_wait3A_1807 : memref<1x3x1024xf32, #tpu.memory_space<hbm>> -> memref<3x1024xf32, #tpu.memory_space<hbm>>
    %dma_wait3A_1809 = arith.constant 0 : i32
    %dma_wait3A_1810 = arith.constant 0 : i32
    %dma_wait3A_1811 = tpu.memref_slice %arg3[%add3A_1649, %dma_wait3A_1809, %dma_wait3A_1810] : memref<512x3x1024xf32, #tpu.memory_space<hbm>> -> memref<1x3x1024xf32, #tpu.memory_space<hbm>>
    %dma_wait3A_1812 = tpu.memref_squeeze %dma_wait3A_1811 : memref<1x3x1024xf32, #tpu.memory_space<hbm>> -> memref<3x1024xf32, #tpu.memory_space<hbm>>
    tpu.wait_dma2 semaphore(%arg6 : memref<!tpu.dma_semaphore, #tpu.memory_space<semaphore_mem>>) src(%arg5 : memref<3x1024xf32, #tpu.memory_space<vmem>>) dst(%dma_wait3A_1812 : memref<3x1024xf32, #tpu.memory_space<hbm>>)
    %dma_wait3A_1813 = arith.constant 0 : i32
    %dma_wait3A_1814 = arith.constant 0 : i32
    %dma_wait3A_1815 = tpu.memref_slice %arg3[%add3A_1661, %dma_wait3A_1813, %dma_wait3A_1814] : memref<512x3x1024xf32, #tpu.memory_space<hbm>> -> memref<1x3x1024xf32, #tpu.memory_space<hbm>>
    %dma_wait3A_1816 = tpu.memref_squeeze %dma_wait3A_1815 : memref<1x3x1024xf32, #tpu.memory_space<hbm>> -> memref<3x1024xf32, #tpu.memory_space<hbm>>
    %dma_wait3A_1817 = arith.constant 0 : i32
    %dma_wait3A_1818 = arith.constant 0 : i32
    %dma_wait3A_1819 = tpu.memref_slice %arg3[%add3A_1661, %dma_wait3A_1817, %dma_wait3A_1818] : memref<512x3x1024xf32, #tpu.memory_space<hbm>> -> memref<1x3x1024xf32, #tpu.memory_space<hbm>>
    %dma_wait3A_1820 = tpu.memref_squeeze %dma_wait3A_1819 : memref<1x3x1024xf32, #tpu.memory_space<hbm>> -> memref<3x1024xf32, #tpu.memory_space<hbm>>
    tpu.wait_dma2 semaphore(%arg6 : memref<!tpu.dma_semaphore, #tpu.memory_space<semaphore_mem>>) src(%arg5 : memref<3x1024xf32, #tpu.memory_space<vmem>>) dst(%dma_wait3A_1820 : memref<3x1024xf32, #tpu.memory_space<hbm>>)
    %dma_wait3A_1821 = arith.constant 0 : i32
    %dma_wait3A_1822 = arith.constant 0 : i32
    %dma_wait3A_1823 = tpu.memref_slice %arg3[%add3A_1673, %dma_wait3A_1821, %dma_wait3A_1822] : memref<512x3x1024xf32, #tpu.memory_space<hbm>> -> memref<1x3x1024xf32, #tpu.memory_space<hbm>>
    %dma_wait3A_1824 = tpu.memref_squeeze %dma_wait3A_1823 : memref<1x3x1024xf32, #tpu.memory_space<hbm>> -> memref<3x1024xf32, #tpu.memory_space<hbm>>
    %dma_wait3A_1825 = arith.constant 0 : i32
    %dma_wait3A_1826 = arith.constant 0 : i32
    %dma_wait3A_1827 = tpu.memref_slice %arg3[%add3A_1673, %dma_wait3A_1825, %dma_wait3A_1826] : memref<512x3x1024xf32, #tpu.memory_space<hbm>> -> memref<1x3x1024xf32, #tpu.memory_space<hbm>>
    %dma_wait3A_1828 = tpu.memref_squeeze %dma_wait3A_1827 : memref<1x3x1024xf32, #tpu.memory_space<hbm>> -> memref<3x1024xf32, #tpu.memory_space<hbm>>
    tpu.wait_dma2 semaphore(%arg6 : memref<!tpu.dma_semaphore, #tpu.memory_space<semaphore_mem>>) src(%arg5 : memref<3x1024xf32, #tpu.memory_space<vmem>>) dst(%dma_wait3A_1828 : memref<3x1024xf32, #tpu.memory_space<hbm>>)
    %dma_wait3A_1829 = arith.constant 0 : i32
    %dma_wait3A_1830 = arith.constant 0 : i32
    %dma_wait3A_1831 = tpu.memref_slice %arg3[%add3A_1685, %dma_wait3A_1829, %dma_wait3A_1830] : memref<512x3x1024xf32, #tpu.memory_space<hbm>> -> memref<1x3x1024xf32, #tpu.memory_space<hbm>>
    %dma_wait3A_1832 = tpu.memref_squeeze %dma_wait3A_1831 : memref<1x3x1024xf32, #tpu.memory_space<hbm>> -> memref<3x1024xf32, #tpu.memory_space<hbm>>
    %dma_wait3A_1833 = arith.constant 0 : i32
    %dma_wait3A_1834 = arith.constant 0 : i32
    %dma_wait3A_1835 = tpu.memref_slice %arg3[%add3A_1685, %dma_wait3A_1833, %dma_wait3A_1834] : memref<512x3x1024xf32, #tpu.memory_space<hbm>> -> memref<1x3x1024xf32, #tpu.memory_space<hbm>>
    %dma_wait3A_1836 = tpu.memref_squeeze %dma_wait3A_1835 : memref<1x3x1024xf32, #tpu.memory_space<hbm>> -> memref<3x1024xf32, #tpu.memory_space<hbm>>
    tpu.wait_dma2 semaphore(%arg6 : memref<!tpu.dma_semaphore, #tpu.memory_space<semaphore_mem>>) src(%arg5 : memref<3x1024xf32, #tpu.memory_space<vmem>>) dst(%dma_wait3A_1836 : memref<3x1024xf32, #tpu.memory_space<hbm>>)
    %dma_wait3A_1837 = arith.constant 0 : i32
    %dma_wait3A_1838 = arith.constant 0 : i32
    %dma_wait3A_1839 = tpu.memref_slice %arg3[%add3A_1697, %dma_wait3A_1837, %dma_wait3A_1838] : memref<512x3x1024xf32, #tpu.memory_space<hbm>> -> memref<1x3x1024xf32, #tpu.memory_space<hbm>>
    %dma_wait3A_1840 = tpu.memref_squeeze %dma_wait3A_1839 : memref<1x3x1024xf32, #tpu.memory_space<hbm>> -> memref<3x1024xf32, #tpu.memory_space<hbm>>
    %dma_wait3A_1841 = arith.constant 0 : i32
    %dma_wait3A_1842 = arith.constant 0 : i32
    %dma_wait3A_1843 = tpu.memref_slice %arg3[%add3A_1697, %dma_wait3A_1841, %dma_wait3A_1842] : memref<512x3x1024xf32, #tpu.memory_space<hbm>> -> memref<1x3x1024xf32, #tpu.memory_space<hbm>>
    %dma_wait3A_1844 = tpu.memref_squeeze %dma_wait3A_1843 : memref<1x3x1024xf32, #tpu.memory_space<hbm>> -> memref<3x1024xf32, #tpu.memory_space<hbm>>
    tpu.wait_dma2 semaphore(%arg6 : memref<!tpu.dma_semaphore, #tpu.memory_space<semaphore_mem>>) src(%arg5 : memref<3x1024xf32, #tpu.memory_space<vmem>>) dst(%dma_wait3A_1844 : memref<3x1024xf32, #tpu.memory_space<hbm>>)
    %dma_wait3A_1845 = arith.constant 0 : i32
    %dma_wait3A_1846 = arith.constant 0 : i32
    %dma_wait3A_1847 = tpu.memref_slice %arg3[%add3A_1709, %dma_wait3A_1845, %dma_wait3A_1846] : memref<512x3x1024xf32, #tpu.memory_space<hbm>> -> memref<1x3x1024xf32, #tpu.memory_space<hbm>>
    %dma_wait3A_1848 = tpu.memref_squeeze %dma_wait3A_1847 : memref<1x3x1024xf32, #tpu.memory_space<hbm>> -> memref<3x1024xf32, #tpu.memory_space<hbm>>
    %dma_wait3A_1849 = arith.constant 0 : i32
    %dma_wait3A_1850 = arith.constant 0 : i32
    %dma_wait3A_1851 = tpu.memref_slice %arg3[%add3A_1709, %dma_wait3A_1849, %dma_wait3A_1850] : memref<512x3x1024xf32, #tpu.memory_space<hbm>> -> memref<1x3x1024xf32, #tpu.memory_space<hbm>>
    %dma_wait3A_1852 = tpu.memref_squeeze %dma_wait3A_1851 : memref<1x3x1024xf32, #tpu.memory_space<hbm>> -> memref<3x1024xf32, #tpu.memory_space<hbm>>
    tpu.wait_dma2 semaphore(%arg6 : memref<!tpu.dma_semaphore, #tpu.memory_space<semaphore_mem>>) src(%arg5 : memref<3x1024xf32, #tpu.memory_space<vmem>>) dst(%dma_wait3A_1852 : memref<3x1024xf32, #tpu.memory_space<hbm>>)
    %dma_wait3A_1853 = arith.constant 0 : i32
    %dma_wait3A_1854 = arith.constant 0 : i32
    %dma_wait3A_1855 = tpu.memref_slice %arg3[%add3A_1721, %dma_wait3A_1853, %dma_wait3A_1854] : memref<512x3x1024xf32, #tpu.memory_space<hbm>> -> memref<1x3x1024xf32, #tpu.memory_space<hbm>>
    %dma_wait3A_1856 = tpu.memref_squeeze %dma_wait3A_1855 : memref<1x3x1024xf32, #tpu.memory_space<hbm>> -> memref<3x1024xf32, #tpu.memory_space<hbm>>
    %dma_wait3A_1857 = arith.constant 0 : i32
    %dma_wait3A_1858 = arith.constant 0 : i32
    %dma_wait3A_1859 = tpu.memref_slice %arg3[%add3A_1721, %dma_wait3A_1857, %dma_wait3A_1858] : memref<512x3x1024xf32, #tpu.memory_space<hbm>> -> memref<1x3x1024xf32, #tpu.memory_space<hbm>>
    %dma_wait3A_1860 = tpu.memref_squeeze %dma_wait3A_1859 : memref<1x3x1024xf32, #tpu.memory_space<hbm>> -> memref<3x1024xf32, #tpu.memory_space<hbm>>
    tpu.wait_dma2 semaphore(%arg6 : memref<!tpu.dma_semaphore, #tpu.memory_space<semaphore_mem>>) src(%arg5 : memref<3x1024xf32, #tpu.memory_space<vmem>>) dst(%dma_wait3A_1860 : memref<3x1024xf32, #tpu.memory_space<hbm>>)
    %dma_wait3A_1861 = arith.constant 0 : i32
    %dma_wait3A_1862 = arith.constant 0 : i32
    %dma_wait3A_1863 = tpu.memref_slice %arg3[%add3A_1733, %dma_wait3A_1861, %dma_wait3A_1862] : memref<512x3x1024xf32, #tpu.memory_space<hbm>> -> memref<1x3x1024xf32, #tpu.memory_space<hbm>>
    %dma_wait3A_1864 = tpu.memref_squeeze %dma_wait3A_1863 : memref<1x3x1024xf32, #tpu.memory_space<hbm>> -> memref<3x1024xf32, #tpu.memory_space<hbm>>
    %dma_wait3A_1865 = arith.constant 0 : i32
    %dma_wait3A_1866 = arith.constant 0 : i32
    %dma_wait3A_1867 = tpu.memref_slice %arg3[%add3A_1733, %dma_wait3A_1865, %dma_wait3A_1866] : memref<512x3x1024xf32, #tpu.memory_space<hbm>> -> memref<1x3x1024xf32, #tpu.memory_space<hbm>>
    %dma_wait3A_1868 = tpu.memref_squeeze %dma_wait3A_1867 : memref<1x3x1024xf32, #tpu.memory_space<hbm>> -> memref<3x1024xf32, #tpu.memory_space<hbm>>
    tpu.wait_dma2 semaphore(%arg6 : memref<!tpu.dma_semaphore, #tpu.memory_space<semaphore_mem>>) src(%arg5 : memref<3x1024xf32, #tpu.memory_space<vmem>>) dst(%dma_wait3A_1868 : memref<3x1024xf32, #tpu.memory_space<hbm>>)
    return
  }
}

module attributes {stable_mosaic.version = 14 : i64} {
  func.func @_tc_body(%arg0: memref<512x256xf32, #tpu.memory_space<vmem>>, %arg1: memref<1x512xi32, #tpu.memory_space<vmem>>) attributes {dimension_semantics = [], scalar_prefetch = 0 : i64, scratch_operands = 0 : i64, tpu.core_type = #tpu.core_type<tc>} {
    %iota3A = tpu.iota {dimensions = array<i32: 0>} : vector<512x256xi32>
    %iota3A_0 = tpu.iota {dimensions = array<i32: 1>} : vector<512x256xi32>
    %mul3A = arith.constant 256 : i32
    %mul3A_1 = vector.broadcast %mul3A : i32 to vector<512x256xi32>
    %mul3A_2 = arith.muli %iota3A, %mul3A_1 : vector<512x256xi32>
    %add3A = arith.addi %mul3A_2, %iota3A_0 : vector<512x256xi32>
    %broadcast_in_dim3A = arith.constant 0 : i32
    %broadcast_in_dim3A_3 = vector.broadcast %broadcast_in_dim3A : i32 to vector<512x256xi32>
    %add3A_4 = arith.constant -1829035798 : i32
    %add3A_5 = vector.broadcast %add3A_4 : i32 to vector<512x256xi32>
    %add3A_6 = arith.addi %broadcast_in_dim3A_3, %add3A_5 : vector<512x256xi32>
    %add3A_7 = arith.constant 255383827 : i32
    %add3A_8 = vector.broadcast %add3A_7 : i32 to vector<512x256xi32>
    %add3A_9 = arith.addi %add3A, %add3A_8 : vector<512x256xi32>
    %add3A_10 = arith.addi %add3A_6, %add3A_9 : vector<512x256xi32>
    %shift_left3A = arith.constant 13 : i32
    %shift_left3A_11 = vector.broadcast %shift_left3A : i32 to vector<512x256xi32>
    %shift_left3A_12 = arith.shli %add3A_9, %shift_left3A_11 : vector<512x256xi32>
    %shift_right_logical3A = arith.constant 19 : i32
    %shift_right_logical3A_13 = vector.broadcast %shift_right_logical3A : i32 to vector<512x256xi32>
    %shift_right_logical3A_14 = arith.shrui %add3A_9, %shift_right_logical3A_13 : vector<512x256xi32>
    %or3A = arith.ori %shift_left3A_12, %shift_right_logical3A_14 : vector<512x256xi32>
    %xor3A = arith.xori %add3A_10, %or3A : vector<512x256xi32>
    %add3A_15 = arith.addi %add3A_10, %xor3A : vector<512x256xi32>
    %shift_left3A_16 = arith.constant 15 : i32
    %shift_left3A_17 = vector.broadcast %shift_left3A_16 : i32 to vector<512x256xi32>
    %shift_left3A_18 = arith.shli %xor3A, %shift_left3A_17 : vector<512x256xi32>
    %shift_right_logical3A_19 = arith.constant 17 : i32
    %shift_right_logical3A_20 = vector.broadcast %shift_right_logical3A_19 : i32 to vector<512x256xi32>
    %shift_right_logical3A_21 = arith.shrui %xor3A, %shift_right_logical3A_20 : vector<512x256xi32>
    %or3A_22 = arith.ori %shift_left3A_18, %shift_right_logical3A_21 : vector<512x256xi32>
    %xor3A_23 = arith.xori %add3A_15, %or3A_22 : vector<512x256xi32>
    %add3A_24 = arith.addi %add3A_15, %xor3A_23 : vector<512x256xi32>
    %shift_left3A_25 = arith.constant 26 : i32
    %shift_left3A_26 = vector.broadcast %shift_left3A_25 : i32 to vector<512x256xi32>
    %shift_left3A_27 = arith.shli %xor3A_23, %shift_left3A_26 : vector<512x256xi32>
    %shift_right_logical3A_28 = arith.constant 6 : i32
    %shift_right_logical3A_29 = vector.broadcast %shift_right_logical3A_28 : i32 to vector<512x256xi32>
    %shift_right_logical3A_30 = arith.shrui %xor3A_23, %shift_right_logical3A_29 : vector<512x256xi32>
    %or3A_31 = arith.ori %shift_left3A_27, %shift_right_logical3A_30 : vector<512x256xi32>
    %xor3A_32 = arith.xori %add3A_24, %or3A_31 : vector<512x256xi32>
    %add3A_33 = arith.addi %add3A_24, %xor3A_32 : vector<512x256xi32>
    %shift_left3A_34 = arith.constant 6 : i32
    %shift_left3A_35 = vector.broadcast %shift_left3A_34 : i32 to vector<512x256xi32>
    %shift_left3A_36 = arith.shli %xor3A_32, %shift_left3A_35 : vector<512x256xi32>
    %shift_right_logical3A_37 = arith.constant 26 : i32
    %shift_right_logical3A_38 = vector.broadcast %shift_right_logical3A_37 : i32 to vector<512x256xi32>
    %shift_right_logical3A_39 = arith.shrui %xor3A_32, %shift_right_logical3A_38 : vector<512x256xi32>
    %or3A_40 = arith.ori %shift_left3A_36, %shift_right_logical3A_39 : vector<512x256xi32>
    %xor3A_41 = arith.xori %add3A_33, %or3A_40 : vector<512x256xi32>
    %add3A_42 = arith.constant 255383827 : i32
    %add3A_43 = vector.broadcast %add3A_42 : i32 to vector<512x256xi32>
    %add3A_44 = arith.addi %add3A_33, %add3A_43 : vector<512x256xi32>
    %add3A_45 = arith.constant -2045582813 : i32
    %add3A_46 = vector.broadcast %add3A_45 : i32 to vector<512x256xi32>
    %add3A_47 = arith.addi %xor3A_41, %add3A_46 : vector<512x256xi32>
    %add3A_48 = arith.constant 1 : i32
    %add3A_49 = vector.broadcast %add3A_48 : i32 to vector<512x256xi32>
    %add3A_50 = arith.addi %add3A_47, %add3A_49 : vector<512x256xi32>
    %add3A_51 = arith.addi %add3A_44, %add3A_50 : vector<512x256xi32>
    %shift_left3A_52 = arith.constant 17 : i32
    %shift_left3A_53 = vector.broadcast %shift_left3A_52 : i32 to vector<512x256xi32>
    %shift_left3A_54 = arith.shli %add3A_50, %shift_left3A_53 : vector<512x256xi32>
    %shift_right_logical3A_55 = arith.constant 15 : i32
    %shift_right_logical3A_56 = vector.broadcast %shift_right_logical3A_55 : i32 to vector<512x256xi32>
    %shift_right_logical3A_57 = arith.shrui %add3A_50, %shift_right_logical3A_56 : vector<512x256xi32>
    %or3A_58 = arith.ori %shift_left3A_54, %shift_right_logical3A_57 : vector<512x256xi32>
    %xor3A_59 = arith.xori %add3A_51, %or3A_58 : vector<512x256xi32>
    %add3A_60 = arith.addi %add3A_51, %xor3A_59 : vector<512x256xi32>
    %shift_left3A_61 = arith.constant 29 : i32
    %shift_left3A_62 = vector.broadcast %shift_left3A_61 : i32 to vector<512x256xi32>
    %shift_left3A_63 = arith.shli %xor3A_59, %shift_left3A_62 : vector<512x256xi32>
    %shift_right_logical3A_64 = arith.constant 3 : i32
    %shift_right_logical3A_65 = vector.broadcast %shift_right_logical3A_64 : i32 to vector<512x256xi32>
    %shift_right_logical3A_66 = arith.shrui %xor3A_59, %shift_right_logical3A_65 : vector<512x256xi32>
    %or3A_67 = arith.ori %shift_left3A_63, %shift_right_logical3A_66 : vector<512x256xi32>
    %xor3A_68 = arith.xori %add3A_60, %or3A_67 : vector<512x256xi32>
    %add3A_69 = arith.addi %add3A_60, %xor3A_68 : vector<512x256xi32>
    %shift_left3A_70 = arith.constant 16 : i32
    %shift_left3A_71 = vector.broadcast %shift_left3A_70 : i32 to vector<512x256xi32>
    %shift_left3A_72 = arith.shli %xor3A_68, %shift_left3A_71 : vector<512x256xi32>
    %shift_right_logical3A_73 = arith.constant 16 : i32
    %shift_right_logical3A_74 = vector.broadcast %shift_right_logical3A_73 : i32 to vector<512x256xi32>
    %shift_right_logical3A_75 = arith.shrui %xor3A_68, %shift_right_logical3A_74 : vector<512x256xi32>
    %or3A_76 = arith.ori %shift_left3A_72, %shift_right_logical3A_75 : vector<512x256xi32>
    %xor3A_77 = arith.xori %add3A_69, %or3A_76 : vector<512x256xi32>
    %add3A_78 = arith.addi %add3A_69, %xor3A_77 : vector<512x256xi32>
    %shift_left3A_79 = arith.constant 24 : i32
    %shift_left3A_80 = vector.broadcast %shift_left3A_79 : i32 to vector<512x256xi32>
    %shift_left3A_81 = arith.shli %xor3A_77, %shift_left3A_80 : vector<512x256xi32>
    %shift_right_logical3A_82 = arith.constant 8 : i32
    %shift_right_logical3A_83 = vector.broadcast %shift_right_logical3A_82 : i32 to vector<512x256xi32>
    %shift_right_logical3A_84 = arith.shrui %xor3A_77, %shift_right_logical3A_83 : vector<512x256xi32>
    %or3A_85 = arith.ori %shift_left3A_81, %shift_right_logical3A_84 : vector<512x256xi32>
    %xor3A_86 = arith.xori %add3A_78, %or3A_85 : vector<512x256xi32>
    %add3A_87 = arith.constant -2045582813 : i32
    %add3A_88 = vector.broadcast %add3A_87 : i32 to vector<512x256xi32>
    %add3A_89 = arith.addi %add3A_78, %add3A_88 : vector<512x256xi32>
    %add3A_90 = arith.constant -1829035798 : i32
    %add3A_91 = vector.broadcast %add3A_90 : i32 to vector<512x256xi32>
    %add3A_92 = arith.addi %xor3A_86, %add3A_91 : vector<512x256xi32>
    %add3A_93 = arith.constant 2 : i32
    %add3A_94 = vector.broadcast %add3A_93 : i32 to vector<512x256xi32>
    %add3A_95 = arith.addi %add3A_92, %add3A_94 : vector<512x256xi32>
    %add3A_96 = arith.addi %add3A_89, %add3A_95 : vector<512x256xi32>
    %shift_left3A_97 = arith.constant 13 : i32
    %shift_left3A_98 = vector.broadcast %shift_left3A_97 : i32 to vector<512x256xi32>
    %shift_left3A_99 = arith.shli %add3A_95, %shift_left3A_98 : vector<512x256xi32>
    %shift_right_logical3A_100 = arith.constant 19 : i32
    %shift_right_logical3A_101 = vector.broadcast %shift_right_logical3A_100 : i32 to vector<512x256xi32>
    %shift_right_logical3A_102 = arith.shrui %add3A_95, %shift_right_logical3A_101 : vector<512x256xi32>
    %or3A_103 = arith.ori %shift_left3A_99, %shift_right_logical3A_102 : vector<512x256xi32>
    %xor3A_104 = arith.xori %add3A_96, %or3A_103 : vector<512x256xi32>
    %add3A_105 = arith.addi %add3A_96, %xor3A_104 : vector<512x256xi32>
    %shift_left3A_106 = arith.constant 15 : i32
    %shift_left3A_107 = vector.broadcast %shift_left3A_106 : i32 to vector<512x256xi32>
    %shift_left3A_108 = arith.shli %xor3A_104, %shift_left3A_107 : vector<512x256xi32>
    %shift_right_logical3A_109 = arith.constant 17 : i32
    %shift_right_logical3A_110 = vector.broadcast %shift_right_logical3A_109 : i32 to vector<512x256xi32>
    %shift_right_logical3A_111 = arith.shrui %xor3A_104, %shift_right_logical3A_110 : vector<512x256xi32>
    %or3A_112 = arith.ori %shift_left3A_108, %shift_right_logical3A_111 : vector<512x256xi32>
    %xor3A_113 = arith.xori %add3A_105, %or3A_112 : vector<512x256xi32>
    %add3A_114 = arith.addi %add3A_105, %xor3A_113 : vector<512x256xi32>
    %shift_left3A_115 = arith.constant 26 : i32
    %shift_left3A_116 = vector.broadcast %shift_left3A_115 : i32 to vector<512x256xi32>
    %shift_left3A_117 = arith.shli %xor3A_113, %shift_left3A_116 : vector<512x256xi32>
    %shift_right_logical3A_118 = arith.constant 6 : i32
    %shift_right_logical3A_119 = vector.broadcast %shift_right_logical3A_118 : i32 to vector<512x256xi32>
    %shift_right_logical3A_120 = arith.shrui %xor3A_113, %shift_right_logical3A_119 : vector<512x256xi32>
    %or3A_121 = arith.ori %shift_left3A_117, %shift_right_logical3A_120 : vector<512x256xi32>
    %xor3A_122 = arith.xori %add3A_114, %or3A_121 : vector<512x256xi32>
    %add3A_123 = arith.addi %add3A_114, %xor3A_122 : vector<512x256xi32>
    %shift_left3A_124 = arith.constant 6 : i32
    %shift_left3A_125 = vector.broadcast %shift_left3A_124 : i32 to vector<512x256xi32>
    %shift_left3A_126 = arith.shli %xor3A_122, %shift_left3A_125 : vector<512x256xi32>
    %shift_right_logical3A_127 = arith.constant 26 : i32
    %shift_right_logical3A_128 = vector.broadcast %shift_right_logical3A_127 : i32 to vector<512x256xi32>
    %shift_right_logical3A_129 = arith.shrui %xor3A_122, %shift_right_logical3A_128 : vector<512x256xi32>
    %or3A_130 = arith.ori %shift_left3A_126, %shift_right_logical3A_129 : vector<512x256xi32>
    %xor3A_131 = arith.xori %add3A_123, %or3A_130 : vector<512x256xi32>
    %add3A_132 = arith.constant -1829035798 : i32
    %add3A_133 = vector.broadcast %add3A_132 : i32 to vector<512x256xi32>
    %add3A_134 = arith.addi %add3A_123, %add3A_133 : vector<512x256xi32>
    %add3A_135 = arith.constant 255383827 : i32
    %add3A_136 = vector.broadcast %add3A_135 : i32 to vector<512x256xi32>
    %add3A_137 = arith.addi %xor3A_131, %add3A_136 : vector<512x256xi32>
    %add3A_138 = arith.constant 3 : i32
    %add3A_139 = vector.broadcast %add3A_138 : i32 to vector<512x256xi32>
    %add3A_140 = arith.addi %add3A_137, %add3A_139 : vector<512x256xi32>
    %add3A_141 = arith.addi %add3A_134, %add3A_140 : vector<512x256xi32>
    %shift_left3A_142 = arith.constant 17 : i32
    %shift_left3A_143 = vector.broadcast %shift_left3A_142 : i32 to vector<512x256xi32>
    %shift_left3A_144 = arith.shli %add3A_140, %shift_left3A_143 : vector<512x256xi32>
    %shift_right_logical3A_145 = arith.constant 15 : i32
    %shift_right_logical3A_146 = vector.broadcast %shift_right_logical3A_145 : i32 to vector<512x256xi32>
    %shift_right_logical3A_147 = arith.shrui %add3A_140, %shift_right_logical3A_146 : vector<512x256xi32>
    %or3A_148 = arith.ori %shift_left3A_144, %shift_right_logical3A_147 : vector<512x256xi32>
    %xor3A_149 = arith.xori %add3A_141, %or3A_148 : vector<512x256xi32>
    %add3A_150 = arith.addi %add3A_141, %xor3A_149 : vector<512x256xi32>
    %shift_left3A_151 = arith.constant 29 : i32
    %shift_left3A_152 = vector.broadcast %shift_left3A_151 : i32 to vector<512x256xi32>
    %shift_left3A_153 = arith.shli %xor3A_149, %shift_left3A_152 : vector<512x256xi32>
    %shift_right_logical3A_154 = arith.constant 3 : i32
    %shift_right_logical3A_155 = vector.broadcast %shift_right_logical3A_154 : i32 to vector<512x256xi32>
    %shift_right_logical3A_156 = arith.shrui %xor3A_149, %shift_right_logical3A_155 : vector<512x256xi32>
    %or3A_157 = arith.ori %shift_left3A_153, %shift_right_logical3A_156 : vector<512x256xi32>
    %xor3A_158 = arith.xori %add3A_150, %or3A_157 : vector<512x256xi32>
    %add3A_159 = arith.addi %add3A_150, %xor3A_158 : vector<512x256xi32>
    %shift_left3A_160 = arith.constant 16 : i32
    %shift_left3A_161 = vector.broadcast %shift_left3A_160 : i32 to vector<512x256xi32>
    %shift_left3A_162 = arith.shli %xor3A_158, %shift_left3A_161 : vector<512x256xi32>
    %shift_right_logical3A_163 = arith.constant 16 : i32
    %shift_right_logical3A_164 = vector.broadcast %shift_right_logical3A_163 : i32 to vector<512x256xi32>
    %shift_right_logical3A_165 = arith.shrui %xor3A_158, %shift_right_logical3A_164 : vector<512x256xi32>
    %or3A_166 = arith.ori %shift_left3A_162, %shift_right_logical3A_165 : vector<512x256xi32>
    %xor3A_167 = arith.xori %add3A_159, %or3A_166 : vector<512x256xi32>
    %add3A_168 = arith.addi %add3A_159, %xor3A_167 : vector<512x256xi32>
    %shift_left3A_169 = arith.constant 24 : i32
    %shift_left3A_170 = vector.broadcast %shift_left3A_169 : i32 to vector<512x256xi32>
    %shift_left3A_171 = arith.shli %xor3A_167, %shift_left3A_170 : vector<512x256xi32>
    %shift_right_logical3A_172 = arith.constant 8 : i32
    %shift_right_logical3A_173 = vector.broadcast %shift_right_logical3A_172 : i32 to vector<512x256xi32>
    %shift_right_logical3A_174 = arith.shrui %xor3A_167, %shift_right_logical3A_173 : vector<512x256xi32>
    %or3A_175 = arith.ori %shift_left3A_171, %shift_right_logical3A_174 : vector<512x256xi32>
    %xor3A_176 = arith.xori %add3A_168, %or3A_175 : vector<512x256xi32>
    %add3A_177 = arith.constant 255383827 : i32
    %add3A_178 = vector.broadcast %add3A_177 : i32 to vector<512x256xi32>
    %add3A_179 = arith.addi %add3A_168, %add3A_178 : vector<512x256xi32>
    %add3A_180 = arith.constant -2045582813 : i32
    %add3A_181 = vector.broadcast %add3A_180 : i32 to vector<512x256xi32>
    %add3A_182 = arith.addi %xor3A_176, %add3A_181 : vector<512x256xi32>
    %add3A_183 = arith.constant 4 : i32
    %add3A_184 = vector.broadcast %add3A_183 : i32 to vector<512x256xi32>
    %add3A_185 = arith.addi %add3A_182, %add3A_184 : vector<512x256xi32>
    %add3A_186 = arith.addi %add3A_179, %add3A_185 : vector<512x256xi32>
    %shift_left3A_187 = arith.constant 13 : i32
    %shift_left3A_188 = vector.broadcast %shift_left3A_187 : i32 to vector<512x256xi32>
    %shift_left3A_189 = arith.shli %add3A_185, %shift_left3A_188 : vector<512x256xi32>
    %shift_right_logical3A_190 = arith.constant 19 : i32
    %shift_right_logical3A_191 = vector.broadcast %shift_right_logical3A_190 : i32 to vector<512x256xi32>
    %shift_right_logical3A_192 = arith.shrui %add3A_185, %shift_right_logical3A_191 : vector<512x256xi32>
    %or3A_193 = arith.ori %shift_left3A_189, %shift_right_logical3A_192 : vector<512x256xi32>
    %xor3A_194 = arith.xori %add3A_186, %or3A_193 : vector<512x256xi32>
    %add3A_195 = arith.addi %add3A_186, %xor3A_194 : vector<512x256xi32>
    %shift_left3A_196 = arith.constant 15 : i32
    %shift_left3A_197 = vector.broadcast %shift_left3A_196 : i32 to vector<512x256xi32>
    %shift_left3A_198 = arith.shli %xor3A_194, %shift_left3A_197 : vector<512x256xi32>
    %shift_right_logical3A_199 = arith.constant 17 : i32
    %shift_right_logical3A_200 = vector.broadcast %shift_right_logical3A_199 : i32 to vector<512x256xi32>
    %shift_right_logical3A_201 = arith.shrui %xor3A_194, %shift_right_logical3A_200 : vector<512x256xi32>
    %or3A_202 = arith.ori %shift_left3A_198, %shift_right_logical3A_201 : vector<512x256xi32>
    %xor3A_203 = arith.xori %add3A_195, %or3A_202 : vector<512x256xi32>
    %add3A_204 = arith.addi %add3A_195, %xor3A_203 : vector<512x256xi32>
    %shift_left3A_205 = arith.constant 26 : i32
    %shift_left3A_206 = vector.broadcast %shift_left3A_205 : i32 to vector<512x256xi32>
    %shift_left3A_207 = arith.shli %xor3A_203, %shift_left3A_206 : vector<512x256xi32>
    %shift_right_logical3A_208 = arith.constant 6 : i32
    %shift_right_logical3A_209 = vector.broadcast %shift_right_logical3A_208 : i32 to vector<512x256xi32>
    %shift_right_logical3A_210 = arith.shrui %xor3A_203, %shift_right_logical3A_209 : vector<512x256xi32>
    %or3A_211 = arith.ori %shift_left3A_207, %shift_right_logical3A_210 : vector<512x256xi32>
    %xor3A_212 = arith.xori %add3A_204, %or3A_211 : vector<512x256xi32>
    %add3A_213 = arith.addi %add3A_204, %xor3A_212 : vector<512x256xi32>
    %shift_left3A_214 = arith.constant 6 : i32
    %shift_left3A_215 = vector.broadcast %shift_left3A_214 : i32 to vector<512x256xi32>
    %shift_left3A_216 = arith.shli %xor3A_212, %shift_left3A_215 : vector<512x256xi32>
    %shift_right_logical3A_217 = arith.constant 26 : i32
    %shift_right_logical3A_218 = vector.broadcast %shift_right_logical3A_217 : i32 to vector<512x256xi32>
    %shift_right_logical3A_219 = arith.shrui %xor3A_212, %shift_right_logical3A_218 : vector<512x256xi32>
    %or3A_220 = arith.ori %shift_left3A_216, %shift_right_logical3A_219 : vector<512x256xi32>
    %xor3A_221 = arith.xori %add3A_213, %or3A_220 : vector<512x256xi32>
    %add3A_222 = arith.constant -2045582813 : i32
    %add3A_223 = vector.broadcast %add3A_222 : i32 to vector<512x256xi32>
    %add3A_224 = arith.addi %add3A_213, %add3A_223 : vector<512x256xi32>
    %add3A_225 = arith.constant -1829035798 : i32
    %add3A_226 = vector.broadcast %add3A_225 : i32 to vector<512x256xi32>
    %add3A_227 = arith.addi %xor3A_221, %add3A_226 : vector<512x256xi32>
    %add3A_228 = arith.constant 5 : i32
    %add3A_229 = vector.broadcast %add3A_228 : i32 to vector<512x256xi32>
    %add3A_230 = arith.addi %add3A_227, %add3A_229 : vector<512x256xi32>
    %xor3A_231 = arith.xori %add3A_224, %add3A_230 : vector<512x256xi32>
    %shift_right_logical3A_232 = arith.constant 9 : i32
    %shift_right_logical3A_233 = vector.broadcast %shift_right_logical3A_232 : i32 to vector<512x256xi32>
    %shift_right_logical3A_234 = arith.shrui %xor3A_231, %shift_right_logical3A_233 : vector<512x256xi32>
    %or3A_235 = arith.constant 1065353216 : i32
    %or3A_236 = vector.broadcast %or3A_235 : i32 to vector<512x256xi32>
    %or3A_237 = arith.ori %shift_right_logical3A_234, %or3A_236 : vector<512x256xi32>
    %bitcast_convert_type3A = tpu.bitcast %or3A_237 : vector<512x256xi32> -> vector<512x256xf32>
    %sub3A = arith.constant 1.000000e+00 : f32
    %sub3A_238 = vector.broadcast %sub3A : f32 to vector<512x256xf32>
    %sub3A_239 = arith.subf %bitcast_convert_type3A, %sub3A_238 : vector<512x256xf32>
    %mul3A_240 = arith.constant 2.000000e+00 : f32
    %mul3A_241 = vector.broadcast %mul3A_240 : f32 to vector<512x256xf32>
    %mul3A_242 = arith.mulf %sub3A_239, %mul3A_241 : vector<512x256xf32>
    %add3A_243 = arith.constant -0.99999994 : f32
    %add3A_244 = vector.broadcast %add3A_243 : f32 to vector<512x256xf32>
    %add3A_245 = arith.addf %mul3A_242, %add3A_244 : vector<512x256xf32>
    %max3A = arith.constant -0.99999994 : f32
    %max3A_246 = vector.broadcast %max3A : f32 to vector<512x256xf32>
    %max3A_247 = arith.maximumf %max3A_246, %add3A_245 : vector<512x256xf32>
    %neg3A = arith.constant 0.000000e+00 : f32
    %neg3A_248 = vector.broadcast %neg3A : f32 to vector<512x256xf32>
    %neg3A_249 = arith.subf %neg3A_248, %max3A_247 : vector<512x256xf32>
    %mul3A_250 = arith.mulf %neg3A_249, %max3A_247 : vector<512x256xf32>
    %log1p3A = math.log1p %mul3A_250 : vector<512x256xf32>
    %neg3A_251 = arith.constant 0.000000e+00 : f32
    %neg3A_252 = vector.broadcast %neg3A_251 : f32 to vector<512x256xf32>
    %neg3A_253 = arith.subf %neg3A_252, %log1p3A : vector<512x256xf32>
    %sub3A_254 = arith.constant 2.500000e+00 : f32
    %sub3A_255 = vector.broadcast %sub3A_254 : f32 to vector<512x256xf32>
    %sub3A_256 = arith.subf %neg3A_253, %sub3A_255 : vector<512x256xf32>
    %broadcast_in_dim3A_257 = arith.constant 2.81022636E-8 : f32
    %broadcast_in_dim3A_258 = vector.broadcast %broadcast_in_dim3A_257 : f32 to vector<512x256xf32>
    %mul3A_259 = arith.mulf %broadcast_in_dim3A_258, %sub3A_256 : vector<512x256xf32>
    %add3A_260 = arith.constant 3.43273939E-7 : f32
    %add3A_261 = vector.broadcast %add3A_260 : f32 to vector<512x256xf32>
    %add3A_262 = arith.addf %mul3A_259, %add3A_261 : vector<512x256xf32>
    %mul3A_263 = arith.mulf %add3A_262, %sub3A_256 : vector<512x256xf32>
    %add3A_264 = arith.constant -3.5233877E-6 : f32
    %add3A_265 = vector.broadcast %add3A_264 : f32 to vector<512x256xf32>
    %add3A_266 = arith.addf %mul3A_263, %add3A_265 : vector<512x256xf32>
    %mul3A_267 = arith.mulf %add3A_266, %sub3A_256 : vector<512x256xf32>
    %add3A_268 = arith.constant -4.39150654E-6 : f32
    %add3A_269 = vector.broadcast %add3A_268 : f32 to vector<512x256xf32>
    %add3A_270 = arith.addf %mul3A_267, %add3A_269 : vector<512x256xf32>
    %mul3A_271 = arith.mulf %add3A_270, %sub3A_256 : vector<512x256xf32>
    %add3A_272 = arith.constant 2.1858087E-4 : f32
    %add3A_273 = vector.broadcast %add3A_272 : f32 to vector<512x256xf32>
    %add3A_274 = arith.addf %mul3A_271, %add3A_273 : vector<512x256xf32>
    %mul3A_275 = arith.mulf %add3A_274, %sub3A_256 : vector<512x256xf32>
    %add3A_276 = arith.constant -0.00125372503 : f32
    %add3A_277 = vector.broadcast %add3A_276 : f32 to vector<512x256xf32>
    %add3A_278 = arith.addf %mul3A_275, %add3A_277 : vector<512x256xf32>
    %mul3A_279 = arith.mulf %add3A_278, %sub3A_256 : vector<512x256xf32>
    %add3A_280 = arith.constant -0.00417768164 : f32
    %add3A_281 = vector.broadcast %add3A_280 : f32 to vector<512x256xf32>
    %add3A_282 = arith.addf %mul3A_279, %add3A_281 : vector<512x256xf32>
    %mul3A_283 = arith.mulf %add3A_282, %sub3A_256 : vector<512x256xf32>
    %add3A_284 = arith.constant 0.246640727 : f32
    %add3A_285 = vector.broadcast %add3A_284 : f32 to vector<512x256xf32>
    %add3A_286 = arith.addf %mul3A_283, %add3A_285 : vector<512x256xf32>
    %mul3A_287 = arith.mulf %add3A_286, %sub3A_256 : vector<512x256xf32>
    %add3A_288 = arith.constant 1.50140941 : f32
    %add3A_289 = vector.broadcast %add3A_288 : f32 to vector<512x256xf32>
    %add3A_290 = arith.addf %mul3A_287, %add3A_289 : vector<512x256xf32>
    %sqrt3A = math.sqrt %neg3A_253 : vector<512x256xf32>
    %sub3A_291 = arith.constant 3.000000e+00 : f32
    %sub3A_292 = vector.broadcast %sub3A_291 : f32 to vector<512x256xf32>
    %sub3A_293 = arith.subf %sqrt3A, %sub3A_292 : vector<512x256xf32>
    %broadcast_in_dim3A_294 = arith.constant -2.00214257E-4 : f32
    %broadcast_in_dim3A_295 = vector.broadcast %broadcast_in_dim3A_294 : f32 to vector<512x256xf32>
    %mul3A_296 = arith.mulf %broadcast_in_dim3A_295, %sub3A_293 : vector<512x256xf32>
    %add3A_297 = arith.constant 1.00950558E-4 : f32
    %add3A_298 = vector.broadcast %add3A_297 : f32 to vector<512x256xf32>
    %add3A_299 = arith.addf %mul3A_296, %add3A_298 : vector<512x256xf32>
    %mul3A_300 = arith.mulf %add3A_299, %sub3A_293 : vector<512x256xf32>
    %add3A_301 = arith.constant 0.00134934322 : f32
    %add3A_302 = vector.broadcast %add3A_301 : f32 to vector<512x256xf32>
    %add3A_303 = arith.addf %mul3A_300, %add3A_302 : vector<512x256xf32>
    %mul3A_304 = arith.mulf %add3A_303, %sub3A_293 : vector<512x256xf32>
    %add3A_305 = arith.constant -0.00367342844 : f32
    %add3A_306 = vector.broadcast %add3A_305 : f32 to vector<512x256xf32>
    %add3A_307 = arith.addf %mul3A_304, %add3A_306 : vector<512x256xf32>
    %mul3A_308 = arith.mulf %add3A_307, %sub3A_293 : vector<512x256xf32>
    %add3A_309 = arith.constant 0.00573950773 : f32
    %add3A_310 = vector.broadcast %add3A_309 : f32 to vector<512x256xf32>
    %add3A_311 = arith.addf %mul3A_308, %add3A_310 : vector<512x256xf32>
    %mul3A_312 = arith.mulf %add3A_311, %sub3A_293 : vector<512x256xf32>
    %add3A_313 = arith.constant -0.0076224613 : f32
    %add3A_314 = vector.broadcast %add3A_313 : f32 to vector<512x256xf32>
    %add3A_315 = arith.addf %mul3A_312, %add3A_314 : vector<512x256xf32>
    %mul3A_316 = arith.mulf %add3A_315, %sub3A_293 : vector<512x256xf32>
    %add3A_317 = arith.constant 0.00943887047 : f32
    %add3A_318 = vector.broadcast %add3A_317 : f32 to vector<512x256xf32>
    %add3A_319 = arith.addf %mul3A_316, %add3A_318 : vector<512x256xf32>
    %mul3A_320 = arith.mulf %add3A_319, %sub3A_293 : vector<512x256xf32>
    %add3A_321 = arith.constant 1.00167406 : f32
    %add3A_322 = vector.broadcast %add3A_321 : f32 to vector<512x256xf32>
    %add3A_323 = arith.addf %mul3A_320, %add3A_322 : vector<512x256xf32>
    %mul3A_324 = arith.mulf %add3A_323, %sub3A_293 : vector<512x256xf32>
    %add3A_325 = arith.constant 2.83297682 : f32
    %add3A_326 = vector.broadcast %add3A_325 : f32 to vector<512x256xf32>
    %add3A_327 = arith.addf %mul3A_324, %add3A_326 : vector<512x256xf32>
    %lt3A = arith.constant 5.000000e+00 : f32
    %lt3A_328 = vector.broadcast %lt3A : f32 to vector<512x256xf32>
    %lt3A_329 = arith.cmpf olt, %neg3A_253, %lt3A_328 : vector<512x256xf32>
    %select_n3A = arith.select %lt3A_329, %add3A_290, %add3A_327 : vector<512x256xi1>, vector<512x256xf32>
    %mul3A_330 = arith.constant 1.41421354 : f32
    %mul3A_331 = vector.broadcast %mul3A_330 : f32 to vector<512x256xf32>
    %mul3A_332 = arith.mulf %mul3A_331, %select_n3A : vector<512x256xf32>
    %mul3A_333 = arith.mulf %mul3A_332, %max3A_247 : vector<512x256xf32>
    %swap3A = arith.constant 0 : index
    %swap3A_334 = arith.constant 0 : index
    %swap3A_335 = vector.load %arg0[%swap3A, %swap3A_334] : memref<512x256xf32, #tpu.memory_space<vmem>>, vector<512x256xf32>
    tpu.vector_store %arg0[%swap3A, %swap3A_334], %mul3A_333 {strides = array<i32>} : memref<512x256xf32, #tpu.memory_space<vmem>>, vector<512x256xf32>,
    %iota3A_336 = tpu.iota {dimensions = array<i32: 1>} : vector<1x512xi32>
    %jit3A = arith.constant 64 : i32
    %div3A = vector.broadcast %jit3A : i32 to vector<1x512xi32>
    %div3A_337 = arith.divsi %iota3A_336, %div3A : vector<1x512xi32>
    %sign3A = arith.constant 0 : i32
    %sign3A_338 = vector.broadcast %sign3A : i32 to vector<1x512xi32>
    %sign3A_339 = arith.cmpi sgt, %iota3A_336, %sign3A_338 : vector<1x512xi32>
    %sign3A_340 = arith.extui %sign3A_339 : vector<1x512xi1> to vector<1x512xi32>
    %sign3A_341 = arith.constant 0 : i32
    %sign3A_342 = vector.broadcast %sign3A_341 : i32 to vector<1x512xi32>
    %sign3A_343 = arith.cmpi slt, %iota3A_336, %sign3A_342 : vector<1x512xi32>
    %sign3A_344 = arith.extui %sign3A_343 : vector<1x512xi1> to vector<1x512xi32>
    %sign3A_345 = arith.subi %sign3A_340, %sign3A_344 : vector<1x512xi32>
    %sign3A_346 = arith.constant 0 : i32
    %sign3A_347 = arith.cmpi sgt, %jit3A, %sign3A_346 : i32
    %sign3A_348 = arith.extui %sign3A_347 : i1 to i32
    %sign3A_349 = arith.constant 0 : i32
    %sign3A_350 = arith.cmpi slt, %jit3A, %sign3A_349 : i32
    %sign3A_351 = arith.extui %sign3A_350 : i1 to i32
    %sign3A_352 = arith.subi %sign3A_348, %sign3A_351 : i32
    %ne3A = vector.broadcast %sign3A_352 : i32 to vector<1x512xi32>
    %ne3A_353 = arith.cmpi ne, %sign3A_345, %ne3A : vector<1x512xi32>
    %rem3A = vector.broadcast %jit3A : i32 to vector<1x512xi32>
    %rem3A_354 = arith.remsi %iota3A_336, %rem3A : vector<1x512xi32>
    %ne3A_355 = arith.constant 0 : i32
    %ne3A_356 = vector.broadcast %ne3A_355 : i32 to vector<1x512xi32>
    %ne3A_357 = arith.cmpi ne, %rem3A_354, %ne3A_356 : vector<1x512xi32>
    %and3A = arith.andi %ne3A_353, %ne3A_357 : vector<1x512xi1>
    %sub3A_358 = arith.constant 1 : i32
    %sub3A_359 = vector.broadcast %sub3A_358 : i32 to vector<1x512xi32>
    %sub3A_360 = arith.subi %div3A_337, %sub3A_359 : vector<1x512xi32>
    %select_n3A_361 = arith.select %and3A, %sub3A_360, %div3A_337 : vector<1x512xi1>, vector<1x512xi32>
    %swap3A_362 = arith.constant 0 : index
    %swap3A_363 = arith.constant 0 : index
    %swap3A_364 = vector.load %arg1[%swap3A_362, %swap3A_363] : memref<1x512xi32, #tpu.memory_space<vmem>>, vector<1x512xi32>
    tpu.vector_store %arg1[%swap3A_362, %swap3A_363], %select_n3A_361 {strides = array<i32>} : memref<1x512xi32, #tpu.memory_space<vmem>>, vector<1x512xi32>,
    return
  }
}

</mosaic_0001>

<sc_bundles>
// kernel: kernel.4.cloned.1.call-start
scs
__scs_entry_jumppad:
0x0: {  	(pc) =	sbr.rel $0x88, $3  }
0x1: {  	(tag) =	ssettag $0x0;
	lr =	simm.s32 $0x1  }
0x2: {  	[smem:$0x3FA0] =	sst lr;
	_ =	strace $0xD0000000  }
0x3: {  	_ = 	snop  }
0x4: {  	_ = 	snop  }
0x5: {  	_ = 	snop  }
0x6: {  	_ = 	snop  }
0x7: {  	_ = 	snop  }
__scs_overlays_trampoline_lowered:
0x8: {  	[smem:$0x3FAF] =	sst s0  }
0x9: {  	[smem:$0x3FB0] =	sst s1  }
0xa: {  	[smem:$0x3FB1] =	sst s2  }
0xb: {  	[smem:$0x3FB2] =	sst s3  }
0xc: {  	[smem:$0x3FB3] =	sst s4  }
0xd: {  	[smem:$0x3FB4] =	sst s5  }
0xe: {  	[smem:$0x3FB5] =	sst s6  }
0xf: {  	[smem:$0x3FB6] =	sst s7  }
0x10: {  	[smem:$0x3FB7] =	sst s8  }
0x11: {  	[smem:$0x3FB8] =	sst s9;
	s0 =	simm.s32 @!p0 $0x0  }
0x12: {  	s1 =	sld [smem:$0x3F9E];
	s0 =	simm.s32 @p0 $0x1  }
0x13: {  	[smem:$0x3FB9] =	sst s0;
	s0 =	simm.s32 @!p1 $0x0  }
0x14: {  	s2 =	sld [smem:$0x3F9D];
	s0 =	simm.s32 @p1 $0x1  }
0x15: {  	[smem:$0x3FBA] =	sst s0;
	s0 =	simm.s32 @!p2 $0x0  }
0x16: {  	s3 =	sld [smem:$0x3FDB];
	s0 =	simm.s32 @p2 $0x1  }
0x17: {  	s4 =	simm.s32 $0x1BF5;
	[smem:$0x3FBC] =	sst s0  }
0x18: {  	s0 =	sld [smem:$0x3F9F];
	_ =	swait.ge [sflag:s4], $0x0  }
0x19: {  	s7 =	sld [smem:$0x3FA0]  }
0x1a: {  	s8 =	sadd.s32 $0xFFFFE003, lr  }
0x1b: {  	s9 =	sadd.s32 $0xFFFFFEF7, lr;
	s5 =	simm.s32 $0xFFFFFFFF;
	p2 =	slt.u32 s8, $0xFFFFF086  }
0x1c: {  	p1 =	slt.u32 s9, $0xF7A;
	s5 =	simm.s32 @!p2 $0x0  }
0x1d: {  	s5 =	simm.s32 @p1 $0x1;
	p0 =	seq.s32 s7, s2  }
0x1e: {  	s7 =	smul.u32 @!p0 $0xF7A, s2;
	p2 =	seq.s32 @!p0 s5, $0x0  }
0x1f: {  	s9 =	smul.u32 $0xF7A, s1;
	s8 =	simm.s32 @!p0 $0x1BF5;
	p2 =	por !p2, p0  }
0x20: {  	[sflag:s8] =	ssyncset.s32 @!p0 $0xFFFFF086;
	s6 =	sadd.s32 @!p0 s3, s7;
	s7 =	simm.s32 @!p0 $0x108  }
0x21: {  	s3 =	sadd.s32 s3, s9;
	s6 =	sadd.s32 @!p0 $0x88, s6;
	s7 =	simm.s32 @p2 $0x1082  }
0x22: {  	[simem:s7], [sflag:s8] =	dma.local @!p0 [hbm:s6], $0xF7A  }
0x23: {  	s9 =	sor.u32 $0xD0000000, s2;
	s6 =	simm.s32 $0x108;
	_ =	swait.ge @!p0 [sflag:s8], $0x0  }
0x24: {  	s3 =	sadd.s32 $0x88, s3;
	s6 =	simm.s32 @!p1 $0x1082;
	[sflag:s4] =	ssyncset.s32 $0xFFFFF086  }
0x25: {  	[simem:s6], [sflag:s4] =	dma.local [hbm:s3], $0xF7A  }
0x26: {  	[smem:$0x3FA0] =	sst s1;
	(tag) =	ssettag s2;
	_ =	strace s9  }
0x27: {  	s1 =	sld [smem:$0x3FB0]  }
0x28: {  	s2 =	sld [smem:$0x3FB1]  }
0x29: {  	s4 =	sld [smem:$0x3FB3]  }
0x2a: {  	p0 =	seq.s32 s5, $0x0;
	s5 =	sld [smem:$0x3FB4]  }
0x2b: {  	s6 =	sld [smem:$0x3FB5]  }
0x2c: {  	s7 =	sld [smem:$0x3FB6]  }
0x2d: {  	s3 =	simm.s32 $0x108;
	s8 =	sld [smem:$0x3FB7]  }
0x2e: {  	s3 =	simm.s32 @!p0 $0x1082;
	s9 =	sld [smem:$0x3FB8]  }
0x2f: {  	lr =	sadd.s32 s0, s3;
	s0 =	sld [smem:$0x3FAF]  }
0x30: {  	s3 =	sld [smem:$0x3FB2]  }
0x31: {  	[smem:$0x3FBB] =	sst s10  }
0x32: {  	s10 =	sld [smem:$0x3FB9];
	_ =	sdelay $0x3  }
0x33: {  	p0 =	seq.s32 s10, $0x1;
	s10 =	sld [smem:$0x3FBB];
	_ =	sdelay $0x3  }
0x34: {  	[smem:$0x3FBB] =	sst s10  }
0x35: {  	s10 =	sld [smem:$0x3FBA];
	_ =	sdelay $0x3  }
0x36: {  	p1 =	seq.s32 s10, $0x1;
	s10 =	sld [smem:$0x3FBB];
	_ =	sdelay $0x3  }
0x37: {  	[smem:$0x3FBB] =	sst s10  }
0x38: {  	s10 =	sld [smem:$0x3FBC]  }
0x39: {  	_ = 	snop;
	(pc) =	sbr.ind lr, $3  }
0x3a: {  	_ = 	snop  }
0x3b: {  	_ = 	snop  }
0x3c: {  	p2 =	seq.s32 s10, $0x1;
	s10 =	sld [smem:$0x3FBB]  }
0x3d: {  	_ =	shalt  }
0x3e: {  	_ =	shalt  }
0x3f: {  	_ =	shalt  }
0x40: {  	_ =	shalt  }
0x41: {  	_ =	shalt  }
0x42: {  	_ =	shalt  }
0x43: {  	_ =	shalt  }
0x44: {  	_ =	shalt  }
0x45: {  	_ =	shalt  }
0x46: {  	_ =	shalt  }
0x47: {  	_ =	shalt  }
0x48: {  	_ =	shalt  }
0x49: {  	_ =	shalt  }
0x4a: {  	_ =	shalt  }
0x4b: {  	_ =	shalt  }
0x4c: {  	_ =	shalt  }
0x4d: {  	_ =	shalt  }
0x4e: {  	_ =	shalt  }
0x4f: {  	_ =	shalt  }
0x50: {  	_ =	shalt  }
0x51: {  	_ =	shalt  }
0x52: {  	_ =	shalt  }
0x53: {  	_ =	shalt  }
0x54: {  	_ =	shalt  }
0x55: {  	_ =	shalt  }
0x56: {  	_ =	shalt  }
0x57: {  	_ =	shalt  }
0x58: {  	_ =	shalt  }
0x59: {  	_ =	shalt  }
0x5a: {  	_ =	shalt  }
0x5b: {  	_ =	shalt  }
0x5c: {  	_ =	shalt  }
0x5d: {  	_ =	shalt  }
0x5e: {  	_ =	shalt  }
0x5f: {  	_ =	shalt  }
0x60: {  	_ =	shalt  }
0x61: {  	_ =	shalt  }
0x62: {  	_ =	shalt  }
0x63: {  	_ =	shalt  }
0x64: {  	_ =	shalt  }
0x65: {  	_ =	shalt  }
0x66: {  	_ =	shalt  }
0x67: {  	_ =	shalt  }
0x68: {  	_ =	shalt  }
0x69: {  	_ =	shalt  }
0x6a: {  	_ =	shalt  }
0x6b: {  	_ =	shalt  }
0x6c: {  	_ =	shalt  }
0x6d: {  	_ =	shalt  }
0x6e: {  	_ =	shalt  }
0x6f: {  	_ =	shalt  }
0x70: {  	_ =	shalt  }
0x71: {  	_ =	shalt  }
0x72: {  	_ =	shalt  }
0x73: {  	_ =	shalt  }
0x74: {  	_ =	shalt  }
0x75: {  	_ =	shalt  }
0x76: {  	_ =	shalt  }
0x77: {  	_ =	shalt  }
0x78: {  	_ =	shalt  }
0x79: {  	_ =	shalt  }
0x7a: {  	_ =	shalt  }
0x7b: {  	_ =	shalt  }
0x7c: {  	_ =	shalt  }
0x7d: {  	_ =	shalt  }
0x7e: {  	_ =	shalt  }
0x7f: {  	_ =	shalt  }
0x80: {  	_ =	shalt  }
0x81: {  	_ =	shalt  }
0x82: {  	_ =	shalt  }
0x83: {  	_ =	shalt  }
0x84: {  	_ =	shalt  }
0x85: {  	_ =	shalt  }
0x86: {  	_ =	shalt  }
0x87: {  	_ =	shalt  }
.Lfunc_end0:
.L_simem_size_0:
called_computation_lowered:
.L_overlay_start_0:
0x88: {  	s2 =	sld [smem:$0x3FD9]  }
0x89: {  	s3 =	sld [smem:$0x3FFE];
	_ =	sdelay $0x1  }
0x8a: {  	s1 =	srdreg.scid  }
0x8b: {  	s0 =	sand.u32 $0x1, s1  }
0x8c: {  	s14 =	sshll.u32 s0, $0xA;
	s2 =	sadd.s32 s3, s2  }
0x8d: {  	s2 =	sadd.s32 s2, s14  }
0x8e: {  	[smem:$0x3FC7] =	sst s2  }
0x8f: {  	_ = 	snop  }
0x90: {  	s2 =	sld [smem:$0x3FD0];
	_ =	sdelay $0x2  }
0x91: {  	s15 =	simm.s32 $0xA;
	s4 =	simm.s32 $0x10  }
0x92: {  	[smem:s4], [sflag:s15] =	dma.local [hbm:s2], $0x1  }
0x93: {  	_ =	swait.eq [sflag:s15], $0x1  }
0x94: {  	[sflag:s15] =	ssyncset.done $0x0  }
0x95: {  	[sflag:s15] =	ssyncadd.s32 $0xFFFFFFFF  }
0x96: {  	s16 =	sld [smem:$0x12];
	(tm) =	ssettm $0x1  }
0x97: {  	s17 =	sld [smem:$0x3FFB];
	_ =	sdelay $0x3  }
0x98: {  	_ =	strace s17  }
0x99: {  	s3 =	sld [smem:$0x3FFC];
	_ =	sdelay $0x3  }
0x9a: {  	_ =	strace s3  }
0x9b: {  	s3 =	sld [smem:$0x3FFD];
	_ =	sdelay $0x3  }
0x9c: {  	_ =	strace s3  }
0x9d: {  	_ =	strace $0x8FFFFFFF  }
0x9e: {  	s18 =	sld [smem:$0x3FDB];
	_ =	sdelay $0x1  }
0x9f: {  	s19 =	simm.s32 $_scs_section_size  }
0xa0: {  	s5 =	simm.s32 $_size__tile_overlayer_lowered;
	s6 =	simm.s32 $_tile_overlayer_lowered  }
0xa1: {  	s22 =	simm.s32 $0x1BFF;
	s21 =	sshll.u32 s6, $0x1;
	s3 =	sadd.s32 s19, s18  }
0xa2: {  	s7 =	simm.s32 $0x0;
	s20 =	sshll.u32 s5, $0x1;
	s5 =	sadd.s32 s21, s3  }
0xa3: {  	[timem:s7], [sflag:s22] =	dma.local [hbm:s5], s20  }
0xa4: {  	_ =	swait.ge [sflag:s22], s20  }
0xa5: {  	s4 =	ssub.s32 $0x0, s20;
	[sflag:s22] =	ssyncset.done $0x0  }
0xa6: {  	[sflag:s22] =	ssyncadd.s32 s4;
	_ =	sdelay $0x1  }
0xa7: {  	s23 =	simm.s32 $0x1B8B  }
0xa8: {  	_ =	swait.ge [sflag:s23], $0x1  }
0xa9: {  	[sflag:s23] =	ssyncset.done $0x0  }
0xaa: {  	s25 =	simm.s32 $0x1B8E;
	s24 =	sld [smem:$0x3FFE];
	[sflag:s23] =	ssyncadd.s32 $0xFFFFFFFF  }
0xab: {  	s26 =	simm.s32 $execute0_lowered;
	[smem:$0x3FD2] =	sst s25  }
0xac: {  	s5 =	sshll.u32 s26, $0x1;
	_ =	strace $0x80000046;
	[dreg:$0x1] =	wrdreg $0xFFFFFFFF  }
0xad: {  	s28 =	simm.s32 $_size_execute0_lowered;
	s3 =	sadd.s32 s3, s5;
	[dreg:$0x0] =	wrdreg $0x0  }
0xae: {  	s5 =	sshll.u32 s28, $0x1;
	[dreg:$0x2] =	wrdreg s3  }
0xaf: {  	[dreg:$0x3] =	wrdreg s5  }
0xb0: {  	[dreg:$0x4] =	wrdreg $0xC0  }
0xb1: {  	_ =	task [dreg:s7], $0x5FFFF  }
0xb2: {  	[dreg:$0x1] =	wrdreg $0xFFFFFFFF  }
0xb3: {  	[dreg:$0x0] =	wrdreg $0x60  }
0xb4: {  	[dreg:$0x2] =	wrdreg s16  }
0xb5: {  	[dreg:$0x3] =	wrdreg s24  }
0xb6: {  	[dreg:$0x4] =	wrdreg $0x9  }
0xb7: {  	_ =	task.clear_ibuf [dreg:s7], $0x5FFFF;
	_ =	strace $0x90000046  }
0xb8: {  	s29 =	simm.s32 $0x9;
	_ =	strace $0x80000048  }
0xb9: {  	_ =	swait.ge [sflag:s29], $0x1  }
0xba: {  	[sflag:s29] =	ssyncadd.s32 $0xFFFFFFFF  }
0xbb: {  	_ =	strace $0x90000048  }
0xbc: {  	_ =	sfence  }
0xbd: {  	s30 =	sld [smem:$0x0];
	_ =	sdelay $0x2  }
0xbe: {  	s31 =	sshll.u32 s1, $0xD;
	s1 =	sshrl.u32 s1, $0x2  }
0xbf: {  	s3 =	sand.u32 $0x4000, s31;
	s1 =	sadd.s32 s1, s30  }
0xc0: {  	s0 =	sor.u32 s3, s0;
	s1 =	sshll.u32 s1, $0x11  }
0xc1: {  	s0 =	sor.u32 s1, s0  }
0xc2: {  	s0 =	sadd.s32 $0x8F2B, s0  }
0xc3: {  	[sflag:s0] =	ssyncadd.remote.s32 $0x1  }
0xc4: {  	_ =	sfence.sel $0xFFFF  }
0xc5: {  	[dreg:$0x0] =	wrdreg $0xFFFFFFFF;
	(pc) =	sbr.abs _section_cstart, $3  }
0xc6: {  	[dreg:$0x1] =	wrdreg $0xFFFFFFFF  }
0xc7: {  	_ =	task.clear_ibuf [dreg:s7], $0x2FFFF;
	_ =	strace $0x9FFFFFFF  }
0xc8: {  	(tm) =	ssettm $0x7FFFFFFF  }
0xc9: {  	_ =	shalt  }
tec
execute0_lowered:
.L_overlay_start_1:
0x0: {  	(tag) =	ssettag $0x1  }
0x1: {  	s3 =	rddreg [dreg:$0x0]  }
0x2: {  	s4 =	rddreg [dreg:$0x1]  }
0x3: {  	s0 =	rddreg [dreg:$0x2];
	s2 =	simm.s32 $0x0  }
0x4: {  	s5 =	srdreg.scid;
	s1 =	stileid.u32;
	s21 =	simm.s32 $0x80  }
0x5: {  	s22 =	simm.s32 $0x400;
	s23 =	simm.s32 $0x2;
	s24 =	simm.s32 $0x1  }
0x6: {  	[smem:$0x7FF] =	sst s2;
	s5 =	sand.u32 $0x1, s5;
	s6 =	sshll.u32 s1, $0xE  }
0x7: {  	s8 =	sshll.u32 s1, $0x3;
	_ =	strace $0x80000047;
	s7 =	sshll.u32 s5, $0xD  }
0x8: {  	s5 =	ssub.s32 $0x2, s5;
	s8 =	sand.u32 $0x70, s8;
	s6 =	sor.u32 s7, s6  }
0x9: {  	s31 =	sshrl.u32 s5, $0x1;
	s3 =	sadd.s32 s3, s8;
	s19 =	sadd.s32 s6, s4  }
0xa: {  	s20 =	ssub.s32 s5, s31;
	s4 =	sadd.s32 $0x600, s19;
	s5 =	sadd.s32 $0x800, s19  }
0xb: {  	s6 =	sadd.s32 $0xA00, s19;
	s7 =	sadd.s32 $0xC00, s19;
	s8 =	sadd.s32 $0xE00, s19  }
0xc: {  	s9 =	sadd.s32 $0x1000, s19;
	s10 =	sadd.s32 $0x1200, s19;
	s11 =	sadd.s32 $0x1400, s19  }
0xd: {  	s12 =	sadd.s32 $0x1600, s19;
	s13 =	sadd.s32 $0x1800, s19;
	s14 =	sadd.s32 $0x1A00, s19  }
0xe: {  	s15 =	sadd.s32 $0x1C00, s19;
	s16 =	sadd.s32 $0x1E00, s19;
	s17 =	sadd.s32 $0x2000, s19  }
0xf: {  	s18 =	sadd.s32 $0x2200, s19;
	s19 =	sadd.s32 $0x2400, s19;
	s20 =	smax.u32 s20, $0x1  }
.LBB2_1:
0x10: {  	[tilespmem:s2], [sflag:$0x2] =	stream.strided.gather [hbm4b:s3+s21], $0x400, s22, s21, $0x38;
	[tilespmem:$0x1400] =	vst v63  }
0x11: {  	_ =	swait.ge [sflag:s23], $0x400  }
0x12: {  	[sflag:s23] =	ssyncset.done $0x0  }
0x13: {  	[sflag:s23] =	ssyncadd.s32 $0xFFFFFC00  }
0x14: {  	v0 =	vld [tilespmem:$0x0];
	_ =	sdelay $0x2  }
0x15: {  	v1 =	vld [tilespmem:$0x10];
	_ =	sdelay $0x1  }
0x16: {  	v0 =	vmul.f32 $-1.000000000e+06, v0  }
0x17: {  	v2 =	vld [tilespmem:$0x20]  }
0x18: {  	[tilespmem:$0x400] =	vst v0  }
0x19: {  	v1 =	vmul.f32 $-1.000000000e+06, v1;
	[tilespmem:$0x480] =	vst v0  }
0x1a: {  	v63 =	vld [tilespmem:$0x30];
	[tilespmem:$0x500] =	vst v0  }
0x1b: {  	[tilespmem:$0x410] =	vst v1  }
0x1c: {  	v2 =	vmul.f32 $-1.000000000e+06, v2;
	[tilespmem:$0x490] =	vst v1  }
0x1d: {  	v4 =	vld [tilespmem:$0x40];
	[tilespmem:$0x510] =	vst v1  }
0x1e: {  	[tilespmem:$0x420] =	vst v2  }
0x1f: {  	[tilespmem:$0x4A0] =	vst v2;
	v0 =	vmul.f32 $-1.000000000e+06, v63  }
0x20: {  	v5 =	vld [tilespmem:$0x50];
	[tilespmem:$0x520] =	vst v2  }
0x21: {  	[tilespmem:$0x430] =	vst v0  }
0x22: {  	v1 =	vmul.f32 $-1.000000000e+06, v4;
	[tilespmem:$0x4B0] =	vst v0  }
0x23: {  	v6 =	vld [tilespmem:$0x60];
	[tilespmem:$0x530] =	vst v0  }
0x24: {  	[tilespmem:$0x440] =	vst v1  }
0x25: {  	v2 =	vmul.f32 $-1.000000000e+06, v5;
	[tilespmem:$0x4C0] =	vst v1  }
0x26: {  	v7 =	vld [tilespmem:$0x70];
	[tilespmem:$0x540] =	vst v1  }
0x27: {  	[tilespmem:$0x450] =	vst v2  }
0x28: {  	[tilespmem:$0x4D0] =	vst v2;
	v0 =	vmul.f32 $-1.000000000e+06, v6  }
0x29: {  	v8 =	vld [tilespmem:$0x80];
	[tilespmem:$0x550] =	vst v2  }
0x2a: {  	[tilespmem:$0x460] =	vst v0  }
0x2b: {  	v1 =	vmul.f32 $-1.000000000e+06, v7;
	[tilespmem:$0x4E0] =	vst v0  }
0x2c: {  	v9 =	vld [tilespmem:$0x90];
	[tilespmem:$0x560] =	vst v0  }
0x2d: {  	[tilespmem:$0x470] =	vst v1  }
0x2e: {  	v2 =	vmul.f32 $-1.000000000e+06, v8;
	[tilespmem:$0x4F0] =	vst v1  }
0x2f: {  	v10 =	vld [tilespmem:$0xA0];
	[tilespmem:$0x570] =	vst v1  }
0x30: {  	[tilespmem:$0x600] =	vst v2  }
0x31: {  	[tilespmem:$0x680] =	vst v2;
	v0 =	vmul.f32 $-1.000000000e+06, v9  }
0x32: {  	v11 =	vld [tilespmem:$0xB0];
	[tilespmem:$0x700] =	vst v2  }
0x33: {  	[tilespmem:$0x610] =	vst v0  }
0x34: {  	v1 =	vmul.f32 $-1.000000000e+06, v10;
	[tilespmem:$0x690] =	vst v0  }
0x35: {  	v12 =	vld [tilespmem:$0xC0];
	[tilespmem:$0x710] =	vst v0  }
0x36: {  	[tilespmem:$0x620] =	vst v1  }
0x37: {  	v2 =	vmul.f32 $-1.000000000e+06, v11;
	[tilespmem:$0x6A0] =	vst v1  }
0x38: {  	v13 =	vld [tilespmem:$0xD0];
	[tilespmem:$0x720] =	vst v1  }
0x39: {  	[tilespmem:$0x630] =	vst v2  }
0x3a: {  	[tilespmem:$0x6B0] =	vst v2;
	v0 =	vmul.f32 $-1.000000000e+06, v12  }
0x3b: {  	v14 =	vld [tilespmem:$0xE0];
	[tilespmem:$0x730] =	vst v2  }
0x3c: {  	[tilespmem:$0x640] =	vst v0  }
0x3d: {  	v1 =	vmul.f32 $-1.000000000e+06, v13;
	[tilespmem:$0x6C0] =	vst v0  }
0x3e: {  	v15 =	vld [tilespmem:$0xF0];
	[tilespmem:$0x740] =	vst v0  }
0x3f: {  	[tilespmem:$0x650] =	vst v1  }
0x40: {  	v2 =	vmul.f32 $-1.000000000e+06, v14;
	[tilespmem:$0x6D0] =	vst v1  }
0x41: {  	v16 =	vld [tilespmem:$0x100];
	[tilespmem:$0x750] =	vst v1  }
0x42: {  	[tilespmem:$0x660] =	vst v2  }
0x43: {  	[tilespmem:$0x6E0] =	vst v2;
	v0 =	vmul.f32 $-1.000000000e+06, v15  }
0x44: {  	v17 =	vld [tilespmem:$0x110];
	[tilespmem:$0x760] =	vst v2  }
0x45: {  	[tilespmem:$0x670] =	vst v0  }
0x46: {  	v1 =	vmul.f32 $-1.000000000e+06, v16;
	[tilespmem:$0x6F0] =	vst v0  }
0x47: {  	v18 =	vld [tilespmem:$0x120];
	[tilespmem:$0x770] =	vst v0  }
0x48: {  	[tilespmem:$0x800] =	vst v1  }
0x49: {  	v2 =	vmul.f32 $-1.000000000e+06, v17;
	[tilespmem:$0x880] =	vst v1  }
0x4a: {  	v19 =	vld [tilespmem:$0x130];
	[tilespmem:$0x900] =	vst v1  }
0x4b: {  	[tilespmem:$0x810] =	vst v2  }
0x4c: {  	[tilespmem:$0x890] =	vst v2;
	v0 =	vmul.f32 $-1.000000000e+06, v18  }
0x4d: {  	v20 =	vld [tilespmem:$0x140];
	[tilespmem:$0x910] =	vst v2  }
0x4e: {  	[tilespmem:$0x820] =	vst v0  }
0x4f: {  	v1 =	vmul.f32 $-1.000000000e+06, v19;
	[tilespmem:$0x8A0] =	vst v0  }
0x50: {  	v21 =	vld [tilespmem:$0x150];
	[tilespmem:$0x920] =	vst v0  }
0x51: {  	[tilespmem:$0x830] =	vst v1  }
0x52: {  	v2 =	vmul.f32 $-1.000000000e+06, v20;
	[tilespmem:$0x8B0] =	vst v1  }
0x53: {  	v22 =	vld [tilespmem:$0x160];
	[tilespmem:$0x930] =	vst v1  }
0x54: {  	[tilespmem:$0x840] =	vst v2  }
0x55: {  	[tilespmem:$0x8C0] =	vst v2;
	v0 =	vmul.f32 $-1.000000000e+06, v21  }
0x56: {  	v23 =	vld [tilespmem:$0x170];
	[tilespmem:$0x940] =	vst v2  }
0x57: {  	[tilespmem:$0x850] =	vst v0  }
0x58: {  	v1 =	vmul.f32 $-1.000000000e+06, v22;
	[tilespmem:$0x8D0] =	vst v0  }
0x59: {  	v24 =	vld [tilespmem:$0x180];
	[tilespmem:$0x950] =	vst v0  }
0x5a: {  	[tilespmem:$0x860] =	vst v1  }
0x5b: {  	v2 =	vmul.f32 $-1.000000000e+06, v23;
	[tilespmem:$0x8E0] =	vst v1  }
0x5c: {  	v25 =	vld [tilespmem:$0x190];
	[tilespmem:$0x960] =	vst v1  }
0x5d: {  	[tilespmem:$0x870] =	vst v2  }
0x5e: {  	[tilespmem:$0x8F0] =	vst v2;
	v0 =	vmul.f32 $-1.000000000e+06, v24  }
0x5f: {  	v26 =	vld [tilespmem:$0x1A0];
	[tilespmem:$0x970] =	vst v2  }
0x60: {  	[tilespmem:$0xA00] =	vst v0  }
0x61: {  	v1 =	vmul.f32 $-1.000000000e+06, v25;
	[tilespmem:$0xA80] =	vst v0  }
0x62: {  	v27 =	vld [tilespmem:$0x1B0];
	[tilespmem:$0xB00] =	vst v0  }
0x63: {  	[tilespmem:$0xA10] =	vst v1  }
0x64: {  	v2 =	vmul.f32 $-1.000000000e+06, v26;
	[tilespmem:$0xA90] =	vst v1  }
0x65: {  	v28 =	vld [tilespmem:$0x1C0];
	[tilespmem:$0xB10] =	vst v1  }
0x66: {  	[tilespmem:$0xA20] =	vst v2  }
0x67: {  	[tilespmem:$0xAA0] =	vst v2;
	v0 =	vmul.f32 $-1.000000000e+06, v27  }
0x68: {  	v29 =	vld [tilespmem:$0x1D0];
	[tilespmem:$0xB20] =	vst v2  }
0x69: {  	[tilespmem:$0xA30] =	vst v0  }
0x6a: {  	v1 =	vmul.f32 $-1.000000000e+06, v28;
	[tilespmem:$0xAB0] =	vst v0  }
0x6b: {  	v30 =	vld [tilespmem:$0x1E0];
	[tilespmem:$0xB30] =	vst v0  }
0x6c: {  	[tilespmem:$0xA40] =	vst v1  }
0x6d: {  	v2 =	vmul.f32 $-1.000000000e+06, v29;
	[tilespmem:$0xAC0] =	vst v1  }
0x6e: {  	v31 =	vld [tilespmem:$0x1F0];
	[tilespmem:$0xB40] =	vst v1  }
0x6f: {  	[tilespmem:$0xA50] =	vst v2  }
0x70: {  	[tilespmem:$0xAD0] =	vst v2;
	v0 =	vmul.f32 $-1.000000000e+06, v30  }
0x71: {  	v32 =	vld [tilespmem:$0x200];
	[tilespmem:$0xB50] =	vst v2  }
0x72: {  	[tilespmem:$0xA60] =	vst v0  }
0x73: {  	v1 =	vmul.f32 $-1.000000000e+06, v31;
	[tilespmem:$0xAE0] =	vst v0  }
0x74: {  	v33 =	vld [tilespmem:$0x210];
	[tilespmem:$0xB60] =	vst v0  }
0x75: {  	[tilespmem:$0xA70] =	vst v1  }
0x76: {  	v2 =	vmul.f32 $-1.000000000e+06, v32;
	[tilespmem:$0xAF0] =	vst v1  }
0x77: {  	v34 =	vld [tilespmem:$0x220];
	[tilespmem:$0xB70] =	vst v1  }
0x78: {  	[tilespmem:$0xC00] =	vst v2  }
0x79: {  	[tilespmem:$0xC80] =	vst v2;
	v0 =	vmul.f32 $-1.000000000e+06, v33  }
0x7a: {  	v35 =	vld [tilespmem:$0x230];
	[tilespmem:$0xD00] =	vst v2  }
0x7b: {  	[tilespmem:$0xC10] =	vst v0  }
0x7c: {  	v1 =	vmul.f32 $-1.000000000e+06, v34;
	[tilespmem:$0xC90] =	vst v0  }
0x7d: {  	v36 =	vld [tilespmem:$0x240];
	[tilespmem:$0xD10] =	vst v0  }
0x7e: {  	[tilespmem:$0xC20] =	vst v1  }
0x7f: {  	v2 =	vmul.f32 $-1.000000000e+06, v35;
	[tilespmem:$0xCA0] =	vst v1  }
0x80: {  	v37 =	vld [tilespmem:$0x250];
	[tilespmem:$0xD20] =	vst v1  }
0x81: {  	[tilespmem:$0xC30] =	vst v2  }
0x82: {  	[tilespmem:$0xCB0] =	vst v2;
	v0 =	vmul.f32 $-1.000000000e+06, v36  }
0x83: {  	v38 =	vld [tilespmem:$0x260];
	[tilespmem:$0xD30] =	vst v2  }
0x84: {  	[tilespmem:$0xC40] =	vst v0  }
0x85: {  	v1 =	vmul.f32 $-1.000000000e+06, v37;
	[tilespmem:$0xCC0] =	vst v0  }
0x86: {  	v39 =	vld [tilespmem:$0x270];
	[tilespmem:$0xD40] =	vst v0  }
0x87: {  	[tilespmem:$0xC50] =	vst v1  }
0x88: {  	v2 =	vmul.f32 $-1.000000000e+06, v38;
	[tilespmem:$0xCD0] =	vst v1  }
0x89: {  	v40 =	vld [tilespmem:$0x280];
	[tilespmem:$0xD50] =	vst v1  }
0x8a: {  	[tilespmem:$0xC60] =	vst v2  }
0x8b: {  	[tilespmem:$0xCE0] =	vst v2;
	v0 =	vmul.f32 $-1.000000000e+06, v39  }
0x8c: {  	v41 =	vld [tilespmem:$0x290];
	[tilespmem:$0xD60] =	vst v2  }
0x8d: {  	[tilespmem:$0xC70] =	vst v0  }
0x8e: {  	v1 =	vmul.f32 $-1.000000000e+06, v40;
	[tilespmem:$0xCF0] =	vst v0  }
0x8f: {  	v42 =	vld [tilespmem:$0x2A0];
	[tilespmem:$0xD70] =	vst v0  }
0x90: {  	[tilespmem:$0xE00] =	vst v1  }
0x91: {  	v2 =	vmul.f32 $-1.000000000e+06, v41;
	[tilespmem:$0xE80] =	vst v1  }
0x92: {  	v43 =	vld [tilespmem:$0x2B0];
	[tilespmem:$0xF00] =	vst v1  }
0x93: {  	[tilespmem:$0xE10] =	vst v2  }
0x94: {  	[tilespmem:$0xE90] =	vst v2;
	v0 =	vmul.f32 $-1.000000000e+06, v42  }
0x95: {  	v44 =	vld [tilespmem:$0x2C0];
	[tilespmem:$0xF10] =	vst v2  }
0x96: {  	[tilespmem:$0xE20] =	vst v0  }
0x97: {  	v1 =	vmul.f32 $-1.000000000e+06, v43;
	[tilespmem:$0xEA0] =	vst v0  }
0x98: {  	v45 =	vld [tilespmem:$0x2D0];
	[tilespmem:$0xF20] =	vst v0  }
0x99: {  	[tilespmem:$0xE30] =	vst v1  }
0x9a: {  	v2 =	vmul.f32 $-1.000000000e+06, v44;
	[tilespmem:$0xEB0] =	vst v1  }
0x9b: {  	v46 =	vld [tilespmem:$0x2E0];
	[tilespmem:$0xF30] =	vst v1  }
0x9c: {  	[tilespmem:$0xE40] =	vst v2  }
0x9d: {  	[tilespmem:$0xEC0] =	vst v2;
	v0 =	vmul.f32 $-1.000000000e+06, v45  }
0x9e: {  	v47 =	vld [tilespmem:$0x2F0];
	[tilespmem:$0xF40] =	vst v2  }
0x9f: {  	[tilespmem:$0xE50] =	vst v0  }
0xa0: {  	v1 =	vmul.f32 $-1.000000000e+06, v46;
	[tilespmem:$0xED0] =	vst v0  }
0xa1: {  	v48 =	vld [tilespmem:$0x300];
	[tilespmem:$0xF50] =	vst v0  }
0xa2: {  	[tilespmem:$0xE60] =	vst v1  }
0xa3: {  	v2 =	vmul.f32 $-1.000000000e+06, v47;
	[tilespmem:$0xEE0] =	vst v1  }
0xa4: {  	v49 =	vld [tilespmem:$0x310];
	[tilespmem:$0xF60] =	vst v1  }
0xa5: {  	[tilespmem:$0xE70] =	vst v2  }
0xa6: {  	[tilespmem:$0xEF0] =	vst v2;
	v0 =	vmul.f32 $-1.000000000e+06, v48  }
0xa7: {  	v50 =	vld [tilespmem:$0x320];
	[tilespmem:$0xF70] =	vst v2  }
0xa8: {  	[tilespmem:$0x1000] =	vst v0  }
0xa9: {  	v1 =	vmul.f32 $-1.000000000e+06, v49;
	[tilespmem:$0x1080] =	vst v0  }
0xaa: {  	v51 =	vld [tilespmem:$0x330];
	[tilespmem:$0x1100] =	vst v0  }
0xab: {  	[tilespmem:$0x1010] =	vst v1  }
0xac: {  	v2 =	vmul.f32 $-1.000000000e+06, v50;
	[tilespmem:$0x1090] =	vst v1  }
0xad: {  	v52 =	vld [tilespmem:$0x340];
	[tilespmem:$0x1110] =	vst v1  }
0xae: {  	[tilespmem:$0x1020] =	vst v2  }
0xaf: {  	[tilespmem:$0x10A0] =	vst v2;
	v0 =	vmul.f32 $-1.000000000e+06, v51  }
0xb0: {  	v53 =	vld [tilespmem:$0x350];
	[tilespmem:$0x1120] =	vst v2  }
0xb1: {  	[tilespmem:$0x1030] =	vst v0  }
0xb2: {  	v1 =	vmul.f32 $-1.000000000e+06, v52;
	[tilespmem:$0x10B0] =	vst v0  }
0xb3: {  	v54 =	vld [tilespmem:$0x360];
	[tilespmem:$0x1130] =	vst v0  }
0xb4: {  	[tilespmem:$0x1040] =	vst v1  }
0xb5: {  	v2 =	vmul.f32 $-1.000000000e+06, v53;
	[tilespmem:$0x10C0] =	vst v1  }
0xb6: {  	v55 =	vld [tilespmem:$0x370];
	[tilespmem:$0x1140] =	vst v1  }
0xb7: {  	[tilespmem:$0x1050] =	vst v2  }
0xb8: {  	[tilespmem:$0x10D0] =	vst v2;
	v0 =	vmul.f32 $-1.000000000e+06, v54  }
0xb9: {  	v56 =	vld [tilespmem:$0x380];
	[tilespmem:$0x1150] =	vst v2  }
0xba: {  	[tilespmem:$0x1060] =	vst v0  }
0xbb: {  	v1 =	vmul.f32 $-1.000000000e+06, v55;
	[tilespmem:$0x10E0] =	vst v0  }
0xbc: {  	v57 =	vld [tilespmem:$0x390];
	[tilespmem:$0x1160] =	vst v0  }
0xbd: {  	[tilespmem:$0x1070] =	vst v1  }
0xbe: {  	v2 =	vmul.f32 $-1.000000000e+06, v56;
	[tilespmem:$0x10F0] =	vst v1  }
0xbf: {  	v58 =	vld [tilespmem:$0x3A0];
	[tilespmem:$0x1170] =	vst v1  }
0xc0: {  	[tilespmem:$0x1200] =	vst v2  }
0xc1: {  	[tilespmem:$0x1280] =	vst v2;
	v0 =	vmul.f32 $-1.000000000e+06, v57  }
0xc2: {  	v59 =	vld [tilespmem:$0x3B0];
	[tilespmem:$0x1300] =	vst v2  }
0xc3: {  	[tilespmem:$0x1210] =	vst v0  }
0xc4: {  	v1 =	vmul.f32 $-1.000000000e+06, v58;
	[tilespmem:$0x1290] =	vst v0  }
0xc5: {  	v60 =	vld [tilespmem:$0x3C0];
	[tilespmem:$0x1310] =	vst v0  }
0xc6: {  	[tilespmem:$0x1220] =	vst v1  }
0xc7: {  	v2 =	vmul.f32 $-1.000000000e+06, v59;
	[tilespmem:$0x12A0] =	vst v1  }
0xc8: {  	v61 =	vld [tilespmem:$0x3D0];
	[tilespmem:$0x1320] =	vst v1  }
0xc9: {  	[tilespmem:$0x1230] =	vst v2  }
0xca: {  	[tilespmem:$0x12B0] =	vst v2;
	v0 =	vmul.f32 $-1.000000000e+06, v60  }
0xcb: {  	v62 =	vld [tilespmem:$0x3E0];
	[tilespmem:$0x1330] =	vst v2  }
0xcc: {  	[tilespmem:$0x1240] =	vst v0  }
0xcd: {  	v1 =	vmul.f32 $-1.000000000e+06, v61;
	[tilespmem:$0x12C0] =	vst v0  }
0xce: {  	v63 =	vld [tilespmem:$0x3F0];
	[tilespmem:$0x1340] =	vst v0  }
0xcf: {  	[tilespmem:$0x1250] =	vst v1  }
0xd0: {  	v2 =	vmul.f32 $-1.000000000e+06, v62;
	[tilespmem:$0x12D0] =	vst v1  }
0xd1: {  	[tilespmem:$0x1350] =	vst v1  }
0xd2: {  	[tilespmem:$0x1260] =	vst v2  }
0xd3: {  	[tilespmem:$0x12E0] =	vst v2;
	v0 =	vmul.f32 $-1.000000000e+06, v63  }
0xd4: {  	[tilespmem:$0x1360] =	vst v2  }
0xd5: {  	[tilespmem:$0x1270] =	vst v0  }
0xd6: {  	[tilespmem:$0x12F0] =	vst v0  }
0xd7: {  	[tilespmem:$0x1370] =	vst v0  }
0xd8: {  	[hbm4b:s4+s2] =	stream.linear.scatter [tilespmem:s22], [sflag:$0x1], $0x1000, $0x38;
	[tilespmem:$0x1400] =	vst v63  }
0xd9: {  	_ = 	snop  }
0xda: {  	[hbm4b:s5+s2] =	stream.linear.scatter [tilespmem:s22], [sflag:$0x1], $0x1000, $0x38;
	[tilespmem:$0x1400] =	vst v63  }
0xdb: {  	_ = 	snop  }
0xdc: {  	[hbm4b:s6+s2] =	stream.linear.scatter [tilespmem:s22], [sflag:$0x1], $0x1000, $0x38;
	[tilespmem:$0x1400] =	vst v63  }
0xdd: {  	_ = 	snop  }
0xde: {  	[hbm4b:s7+s2] =	stream.linear.scatter [tilespmem:s22], [sflag:$0x1], $0x1000, $0x38;
	[tilespmem:$0x1400] =	vst v63  }
0xdf: {  	_ = 	snop  }
0xe0: {  	[hbm4b:s8+s2] =	stream.linear.scatter [tilespmem:s22], [sflag:$0x1], $0x1000, $0x38;
	[tilespmem:$0x1400] =	vst v63  }
0xe1: {  	_ = 	snop  }
0xe2: {  	[hbm4b:s9+s2] =	stream.linear.scatter [tilespmem:s22], [sflag:$0x1], $0x1000, $0x38;
	[tilespmem:$0x1400] =	vst v63  }
0xe3: {  	_ = 	snop  }
0xe4: {  	[hbm4b:s10+s2] =	stream.linear.scatter [tilespmem:s22], [sflag:$0x1], $0x1000, $0x38;
	[tilespmem:$0x1400] =	vst v63  }
0xe5: {  	_ = 	snop  }
0xe6: {  	[hbm4b:s11+s2] =	stream.linear.scatter [tilespmem:s22], [sflag:$0x1], $0x1000, $0x38;
	[tilespmem:$0x1400] =	vst v63  }
0xe7: {  	_ = 	snop  }
0xe8: {  	[hbm4b:s12+s2] =	stream.linear.scatter [tilespmem:s22], [sflag:$0x1], $0x1000, $0x38;
	[tilespmem:$0x1400] =	vst v63  }
0xe9: {  	_ = 	snop  }
0xea: {  	[hbm4b:s13+s2] =	stream.linear.scatter [tilespmem:s22], [sflag:$0x1], $0x1000, $0x38;
	[tilespmem:$0x1400] =	vst v63  }
0xeb: {  	_ = 	snop  }
0xec: {  	[hbm4b:s14+s2] =	stream.linear.scatter [tilespmem:s22], [sflag:$0x1], $0x1000, $0x38;
	[tilespmem:$0x1400] =	vst v63  }
0xed: {  	_ = 	snop  }
0xee: {  	[hbm4b:s15+s2] =	stream.linear.scatter [tilespmem:s22], [sflag:$0x1], $0x1000, $0x38;
	[tilespmem:$0x1400] =	vst v63  }
0xef: {  	_ = 	snop  }
0xf0: {  	[hbm4b:s16+s2] =	stream.linear.scatter [tilespmem:s22], [sflag:$0x1], $0x1000, $0x38;
	[tilespmem:$0x1400] =	vst v63  }
0xf1: {  	_ = 	snop  }
0xf2: {  	[hbm4b:s17+s2] =	stream.linear.scatter [tilespmem:s22], [sflag:$0x1], $0x1000, $0x38;
	[tilespmem:$0x1400] =	vst v63  }
0xf3: {  	_ = 	snop  }
0xf4: {  	[hbm4b:s18+s2] =	stream.linear.scatter [tilespmem:s22], [sflag:$0x1], $0x1000, $0x38;
	[tilespmem:$0x1400] =	vst v63  }
0xf5: {  	_ = 	snop  }
0xf6: {  	[hbm4b:s19+s2] =	stream.linear.scatter [tilespmem:s22], [sflag:$0x1], $0x1000, $0x38;
	[tilespmem:$0x1400] =	vst v63  }
0xf7: {  	_ =	swait.ge [sflag:s24], $0x1000  }
0xf8: {  	[sflag:s24] =	ssyncset.done $0x0  }
0xf9: {  	[sflag:s24] =	ssyncadd.s32 $0xFFFFF000  }
0xfa: {  	_ =	swait.ge [sflag:s24], $0x1000  }
0xfb: {  	[sflag:s24] =	ssyncset.done $0x0  }
0xfc: {  	[sflag:s24] =	ssyncadd.s32 $0xFFFFF000  }
0xfd: {  	_ =	swait.ge [sflag:s24], $0x1000  }
0xfe: {  	[sflag:s24] =	ssyncset.done $0x0  }
0xff: {  	[sflag:s24] =	ssyncadd.s32 $0xFFFFF000  }
0x100: {  	_ =	swait.ge [sflag:s24], $0x1000  }
0x101: {  	[sflag:s24] =	ssyncset.done $0x0  }
0x102: {  	[sflag:s24] =	ssyncadd.s32 $0xFFFFF000  }
0x103: {  	_ =	swait.ge [sflag:s24], $0x1000  }
0x104: {  	[sflag:s24] =	ssyncset.done $0x0  }
0x105: {  	[sflag:s24] =	ssyncadd.s32 $0xFFFFF000  }
0x106: {  	_ =	swait.ge [sflag:s24], $0x1000  }
0x107: {  	[sflag:s24] =	ssyncset.done $0x0  }
0x108: {  	[sflag:s24] =	ssyncadd.s32 $0xFFFFF000  }
0x109: {  	_ =	swait.ge [sflag:s24], $0x1000  }
0x10a: {  	[sflag:s24] =	ssyncset.done $0x0  }
0x10b: {  	[sflag:s24] =	ssyncadd.s32 $0xFFFFF000  }
0x10c: {  	_ =	swait.ge [sflag:s24], $0x1000  }
0x10d: {  	[sflag:s24] =	ssyncset.done $0x0  }
0x10e: {  	[sflag:s24] =	ssyncadd.s32 $0xFFFFF000  }
0x10f: {  	_ =	swait.ge [sflag:s24], $0x1000  }
0x110: {  	[sflag:s24] =	ssyncset.done $0x0  }
0x111: {  	[sflag:s24] =	ssyncadd.s32 $0xFFFFF000  }
0x112: {  	_ =	swait.ge [sflag:s24], $0x1000  }
0x113: {  	[sflag:s24] =	ssyncset.done $0x0  }
0x114: {  	[sflag:s24] =	ssyncadd.s32 $0xFFFFF000  }
0x115: {  	_ =	swait.ge [sflag:s24], $0x1000  }
0x116: {  	[sflag:s24] =	ssyncset.done $0x0  }
0x117: {  	[sflag:s24] =	ssyncadd.s32 $0xFFFFF000  }
0x118: {  	_ =	swait.ge [sflag:s24], $0x1000  }
0x119: {  	[sflag:s24] =	ssyncset.done $0x0  }
0x11a: {  	[sflag:s24] =	ssyncadd.s32 $0xFFFFF000  }
0x11b: {  	_ =	swait.ge [sflag:s24], $0x1000  }
0x11c: {  	[sflag:s24] =	ssyncset.done $0x0  }
0x11d: {  	[sflag:s24] =	ssyncadd.s32 $0xFFFFF000  }
0x11e: {  	_ =	swait.ge [sflag:s24], $0x1000  }
0x11f: {  	[sflag:s24] =	ssyncset.done $0x0  }
0x120: {  	[sflag:s24] =	ssyncadd.s32 $0xFFFFF000  }
0x121: {  	p0 =	sne.s32 s20, $0x1;
	_ =	swait.ge [sflag:s24], $0x1000  }
.Ltmp0:
0x122: {  	[sflag:s24] =	ssyncset.done $0x0;
	(pc) =	sbr.rel @p0 .LBB2_1-.Ltmp0, $4  }
0x123: {  	[sflag:s24] =	ssyncadd.s32 $0xFFFFF000  }
0x124: {  	_ =	swait.ge [sflag:s24], $0x1000  }
0x125: {  	[sflag:s24] =	ssyncset.done $0x0  }
0x126: {  	s20 =	sadd.s32 $0xFFFFFFFF, s20;
	[sflag:s24] =	ssyncadd.s32 $0xFFFFF000  }
0x127: {  	_ =	sfence.sel $0x180000  }
0x128: {  	[bflag:$0x0] =	sbarrier.arrive $0xFFFF  }
0x129: {  	p0 =	sne.s32 s1, $0x0;
	_ =	strace $0x90000047  }
0x12a: {  	s0 =	sadd.s32 @!p0 $0x100000, s0;
	[bflag:$0x2] =	sbarrier.arrive $0xFFFF  }
0x12b: {  	[sflag:s0] =	ssyncadd.tile.s32 @!p0 $0x1;
	_ =	shalt  }
.Lfunc_end2:
_tile_overlayer_lowered:
.L_overlay_start_2:
0x12c: {  	(tag) =	ssettag $0x2  }
0x12d: {  	s0 =	rddreg [dreg:$0x0];
	s2 =	stileid.u32  }
0x12e: {  	s1 =	rddreg [dreg:$0x1];
	p0 =	sne.s32 s2, $0x0  }
0x12f: {  	s3 =	rddreg [dreg:$0x2];
	[bflag:$0x3] =	sbarrier.arrive $0xFFFF;
	s2 =	simm.s32 @!p0 $0x1C02  }
0x130: {  	[timem:s3], [sflag:s2] =	dma.local @!p0 [hbm:s0], s1  }
0x131: {  	s0 =	simm.s32 @!p0 $0x2  }
0x132: {  	_ =	swait.ge @!p0 [sflag:s0], s1  }
0x133: {  	s1 =	ssub.s32 @!p0 $0x0, s1;
	[sflag:s0] =	ssyncset.done @!p0 $0x0  }
0x134: {  	[sflag:s0] =	ssyncadd.s32 @!p0 s1  }
0x135: {  	[bflag:$0x3] =	sbarrier.arrive $0xFFFF  }
0x136: {  	_ =	shalt  }

</sc_bundles>
